<compile_context>
chip_gen: v7x
topology: tpu7x:2x2x1
jax: 0.10.2.dev20260603
libtpu: 0.0.44.dev20260713+nightly
codegen_flags: <defaults>
</compile_context>

<pallas_src>
import functools

import jax
import jax.numpy as jnp
from jax import lax
from jax.experimental import pallas as pl
from jax.experimental.pallas import tpu as pltpu
from jax.experimental.pallas import tpu_sc as plsc

N = 10000
D = 128
E = 320000
EPS = 1e-5

NC = 2
NS = 16
NW = NC * NS

BLK = 128
BPW = 80
CHUNK = 16
NCHUNK = BPW // CHUNK
EPW = BPW * BLK
E_PAD = NW * EPW

NPAD = 10240
RPT = NPAD // NS
RB = 512
GB = NPAD // RB

_mesh = plsc.VectorSubcoreMesh(core_axis_name="c", subcore_axis_name="s")



@functools.partial(
    pl.kernel,
    out_type=jax.ShapeDtypeStruct((NC, NPAD), jnp.float32),
    mesh=_mesh,
    scratch_types=[
        pltpu.VMEM_SHARED((NPAD,), jnp.float32),
        pltpu.VMEM((BPW, BLK), jnp.int32),
        pltpu.VMEM((BLK,), jnp.float32),
    ],
)
def _sc_degree(ones_hbm, zeros_hbm, dstp_hbm, out_hbm, dacc, didx, ones_v):
    c = lax.axis_index("c")
    s = lax.axis_index("s")
    w = c * NS + s
    pltpu.sync_copy(dstp_hbm.at[w], didx)
    pltpu.sync_copy(ones_hbm, ones_v)
    pltpu.sync_copy(zeros_hbm, dacc.at[pl.ds(s * RPT, RPT)])
    plsc.subcore_barrier()

    def body(b, carry):
        pltpu.sync_copy(ones_v, dacc.at[didx.at[b]], add=True)
        return carry

    lax.fori_loop(0, BPW, body, 0)
    plsc.subcore_barrier()
    pltpu.sync_copy(dacc.at[pl.ds(s * RPT, RPT)], out_hbm.at[c, pl.ds(s * RPT, RPT)])


@functools.partial(
    pl.kernel,
    out_type=jax.ShapeDtypeStruct((NC, NPAD, D), jnp.float32),
    mesh=_mesh,
    scratch_types=[
        pltpu.VMEM_SHARED((NPAD, D), jnp.float32),
        pltpu.VMEM((CHUNK, BLK), jnp.int32),
        pltpu.VMEM((CHUNK, BLK), jnp.int32),
        pltpu.VMEM((BLK, D), jnp.float32),
        pltpu.VMEM((BLK, D), jnp.float32),
        pltpu.SemaphoreType.DMA,
        pltpu.SemaphoreType.DMA,
        pltpu.SemaphoreType.DMA,
        pltpu.SemaphoreType.DMA,
    ],
)
def _sc_aggregate(table_hbm, zeros_hbm, srcp_hbm, dstp_hbm, out_hbm,
                  accum, sidx, didx, buf0, buf1, g0, g1, s0, s1):
    c = lax.axis_index("c")
    s = lax.axis_index("s")
    w = c * NS + s
    pltpu.sync_copy(zeros_hbm, accum.at[pl.ds(s * RPT, RPT), :])
    plsc.subcore_barrier()

    def chunk_body(k, carry):
        pltpu.sync_copy(srcp_hbm.at[w, pl.ds(k * CHUNK, CHUNK)], sidx)
        pltpu.sync_copy(dstp_hbm.at[w, pl.ds(k * CHUNK, CHUNK)], didx)
        pltpu.async_copy(table_hbm.at[sidx.at[0]], buf0, g0)

        def body(i, carry2):
            b0 = 2 * i
            b1 = 2 * i + 1
            b2 = jnp.minimum(2 * i + 2, CHUNK - 1)
            pltpu.async_copy(table_hbm.at[sidx.at[b1]], buf1, g1)
            pltpu.make_async_copy(table_hbm.at[sidx.at[0]], buf0, g0).wait()
            pltpu.sync_copy(buf0, accum.at[didx.at[b0]], add=True)
            pltpu.async_copy(table_hbm.at[sidx.at[b2]], buf0, g0)
            pltpu.make_async_copy(table_hbm.at[sidx.at[0]], buf1, g1).wait()
            pltpu.sync_copy(buf1, accum.at[didx.at[b1]], add=True)
            return carry2

        lax.fori_loop(0, CHUNK // 2, body, 0)
        pltpu.make_async_copy(table_hbm.at[sidx.at[0]], buf0, g0).wait()
        return carry

    lax.fori_loop(0, NCHUNK, chunk_body, 0)
    plsc.subcore_barrier()
    pltpu.sync_copy(accum.at[pl.ds(s * RPT, RPT), :],
                    out_hbm.at[c, pl.ds(s * RPT, RPT), :])



def _t1_body(x_ref, w_ref, deg_ref, o_ref):
    dinv = lax.rsqrt(deg_ref[0] + deg_ref[1] + 1.0)
    o_ref[...] = jnp.dot(x_ref[...], w_ref[...],
                         preferred_element_type=jnp.float32) * dinv


def _t1(x_pad, W, deg):
    return pl.pallas_call(
        _t1_body,
        grid=(GB,),
        in_specs=[
            pl.BlockSpec((RB, D), lambda i: (i, 0)),
            pl.BlockSpec((D, D), lambda i: (0, 0)),
            pl.BlockSpec((NC, RB, 1), lambda i: (0, i, 0)),
        ],
        out_specs=pl.BlockSpec((RB, D), lambda i: (i, 0)),
        out_shape=jax.ShapeDtypeStruct((NPAD, D), jnp.float32),
    )(x_pad, W, deg)


def _tmid_body(p_ref, xwp_ref, deg_ref, b_ref, g_ref, be_ref, wn_ref,
               o_ref, stats):
    t = pl.program_id(0)
    i = pl.program_id(1)
    dinv = lax.rsqrt(deg_ref[0] + deg_ref[1] + 1.0)
    y = (p_ref[0] + p_ref[1] + xwp_ref[...]) * dinv + b_ref[...]
    rows = jax.lax.broadcasted_iota(jnp.int32, (RB, 1), 0) + i * RB
    mask = rows < N

    @pl.when(t == 0)
    def _():
        @pl.when(i == 0)
        def _():
            stats[...] = jnp.zeros_like(stats)
        ym = jnp.where(mask, y, 0.0)
        stats[0:1, :] += jnp.sum(ym, axis=0, keepdims=True)
        stats[1:2, :] += jnp.sum(ym * ym, axis=0, keepdims=True)

    @pl.when(t == 1)
    def _():
        mean = stats[0:1, :] * (1.0 / N)
        var = stats[1:2, :] * (1.0 / N) - mean * mean
        rstd = lax.rsqrt(var + EPS)
        h = jnp.maximum((y - mean) * rstd * g_ref[...] + be_ref[...], 0.0)
        nxt = jnp.dot(h, wn_ref[...], preferred_element_type=jnp.float32)
        o_ref[...] = jnp.where(mask, nxt * dinv, 0.0)


def _tmid(p, xwp, deg, b, g, be, Wn):
    return pl.pallas_call(
        _tmid_body,
        grid=(2, GB),
        in_specs=[
            pl.BlockSpec((NC, RB, D), lambda t, i: (0, i, 0)),
            pl.BlockSpec((RB, D), lambda t, i: (i, 0)),
            pl.BlockSpec((NC, RB, 1), lambda t, i: (0, i, 0)),
            pl.BlockSpec((1, D), lambda t, i: (0, 0)),
            pl.BlockSpec((1, D), lambda t, i: (0, 0)),
            pl.BlockSpec((1, D), lambda t, i: (0, 0)),
            pl.BlockSpec((D, D), lambda t, i: (0, 0)),
        ],
        out_specs=pl.BlockSpec((RB, D), lambda t, i: (i, 0)),
        out_shape=jax.ShapeDtypeStruct((NPAD, D), jnp.float32),
        scratch_shapes=[pltpu.VMEM((8, D), jnp.float32)],
    )(p, xwp, deg, b, g, be, Wn)


def _tlast_body(p_ref, xwp_ref, deg_ref, b_ref, o_ref):
    dinv = lax.rsqrt(deg_ref[0] + deg_ref[1] + 1.0)
    o_ref[...] = (p_ref[0] + p_ref[1] + xwp_ref[...]) * dinv + b_ref[...]


def _tlast(p, xwp, deg, b):
    return pl.pallas_call(
        _tlast_body,
        grid=(GB,),
        in_specs=[
            pl.BlockSpec((NC, RB, D), lambda i: (0, i, 0)),
            pl.BlockSpec((RB, D), lambda i: (i, 0)),
            pl.BlockSpec((NC, RB, 1), lambda i: (0, i, 0)),
            pl.BlockSpec((1, D), lambda i: (0, 0)),
        ],
        out_specs=pl.BlockSpec((RB, D), lambda i: (i, 0)),
        out_shape=jax.ShapeDtypeStruct((N, D), jnp.float32),
    )(p, xwp, deg, b)



def kernel(x, edge_index, W1, b1, g1, be1, W2, b2, g2, be2, W3, b3):
    src = edge_index[0]
    dst = edge_index[1]
    pad = jnp.full((E_PAD - E,), N, dtype=jnp.int32)
    srcp = jnp.concatenate([src, pad]).reshape(NW, BPW, BLK)
    dstp = jnp.concatenate([dst, pad]).reshape(NW, BPW, BLK)
    pad_dst = N + (jnp.arange(E_PAD - E, dtype=jnp.int32) % (NPAD - N))
    dstp_agg = jnp.concatenate([dst, pad_dst]).reshape(NW, BPW, BLK)
    x_pad = jnp.zeros((NPAD, D), jnp.float32).at[:N].set(x)
    ones_blk = jnp.ones((BLK,), jnp.float32)
    zeros_rows = jnp.zeros((RPT, D), jnp.float32)

    deg = _sc_degree(ones_blk, zeros_rows[:, 0], dstp).reshape(NC, NPAD, 1)

    b1r, g1r, be1r = b1.reshape(1, D), g1.reshape(1, D), be1.reshape(1, D)
    b2r, g2r, be2r = b2.reshape(1, D), g2.reshape(1, D), be2.reshape(1, D)
    b3r = b3.reshape(1, D)

    xw1 = _t1(x_pad, W1, deg)
    p1 = _sc_aggregate(xw1, zeros_rows, srcp, dstp_agg)
    xw2 = _tmid(p1, xw1, deg, b1r, g1r, be1r, W2)
    p2 = _sc_aggregate(xw2, zeros_rows, srcp, dstp_agg)
    xw3 = _tmid(p2, xw2, deg, b2r, g2r, be2r, W3)
    p3 = _sc_aggregate(xw3, zeros_rows, srcp, dstp_agg)
    return _tlast(p3, xw3, deg, b3r)

# --- scband reference (transcript-rebuilt; emitter-appended) ---
"""Pipeline reference for scband-gcn-27539330301990 (READ-ONLY COPY).

The authoritative reference and input builder live on the scoring server;
editing this copy changes nothing except your own understanding.
"""

import jax, jax.numpy as jnp
import numpy as np

N = 10000
E = 320000
D = 128
EPS = 1e-5


def setup_inputs(seed: int = 0) -> dict:
    key = jax.random.key(seed)
    ks = jax.random.split(key, 16)
    x = jax.random.normal(ks[0], (N, D), dtype=jnp.float32)
    edge_index = jax.random.randint(ks[1], (2, E), 0, N, dtype=jnp.int32)
    scale = 1.0 / np.sqrt(D)
    W1 = jax.random.normal(ks[2], (D, D), dtype=jnp.float32) * scale
    b1 = jnp.zeros((D,), dtype=jnp.float32)
    g1 = jnp.ones((D,), dtype=jnp.float32)
    be1 = jnp.zeros((D,), dtype=jnp.float32)
    W2 = jax.random.normal(ks[3], (D, D), dtype=jnp.float32) * scale
    b2 = jnp.zeros((D,), dtype=jnp.float32)
    g2 = jnp.ones((D,), dtype=jnp.float32)
    be2 = jnp.zeros((D,), dtype=jnp.float32)
    W3 = jax.random.normal(ks[4], (D, D), dtype=jnp.float32) * scale
    b3 = jnp.zeros((D,), dtype=jnp.float32)
    return {"x": x, "edge_index": edge_index, "W1": W1, "b1": b1, "g1": g1,
            "be1": be1, "W2": W2, "b2": b2, "g2": g2, "be2": be2,
            "W3": W3, "b3": b3}


def gcn_conv(x, edge_index, W, b):
    # GCNConv with self-loops and symmetric normalization
    n = x.shape[0]
    loop = jnp.arange(n, dtype=edge_index.dtype)
    src = jnp.concatenate([edge_index[0], loop])
    dst = jnp.concatenate([edge_index[1], loop])
    xw = x @ W
    ones = jnp.ones(dst.shape[0], dtype=x.dtype)
    deg = jax.ops.segment_sum(ones, dst, num_segments=n)
    dinv = jnp.where(deg > 0, deg ** -0.5, 0.0)
    norm = dinv[src] * dinv[dst]
    msgs = xw[src] * norm[:, None]
    out = jax.ops.segment_sum(msgs, dst, num_segments=n)
    return out + b


def batch_norm(x, gamma, beta):
    mean = jnp.mean(x, axis=0)
    var = jnp.var(x, axis=0)
    return (x - mean) / jnp.sqrt(var + EPS) * gamma + beta


def reference(x, edge_index, W1, b1, g1, be1, W2, b2, g2, be2, W3, b3):
    h = gcn_conv(x, edge_index, W1, b1)
    h = jax.nn.relu(batch_norm(h, g1, be1))
    h = gcn_conv(h, edge_index, W2, b2)
    h = jax.nn.relu(batch_norm(h, g2, be2))
    out = gcn_conv(h, edge_index, W3, b3)
    return out

if __name__ == "__main__":
    import jax
    _d = setup_inputs()
    print(jax.jit(kernel)(*tuple(_d.values())))

</pallas_src>

<mosaic_0001>
#map = affine_map<(d0, d1) -> (0, 0)>
#map1 = affine_map<(d0, d1) -> (0, 0, 0)>
module attributes {stable_mosaic.version = 14 : i64} {
  func.func @_sc_aggregate(%arg0: i32, %arg1: i32, %arg2: memref<10240x128xf32, #tpu.memory_space<hbm>>, %arg3: memref<640x128xf32, #tpu.memory_space<hbm>>, %arg4: memref<32x80x128xi32, #tpu.memory_space<hbm>>, %arg5: memref<32x80x128xi32, #tpu.memory_space<hbm>>, %arg6: memref<2x10240x128xf32, #tpu.memory_space<hbm>>, %arg7: memref<10240x128xf32, #tpu.memory_space<vmem_shared>>, %arg8: memref<16x128xi32, #tpu.memory_space<vmem>>, %arg9: memref<16x128xi32, #tpu.memory_space<vmem>>, %arg10: memref<128x128xf32, #tpu.memory_space<vmem>>, %arg11: memref<128x128xf32, #tpu.memory_space<vmem>>, %arg12: memref<!tpu.dma_semaphore, #tpu.memory_space<semaphore_mem>>, %arg13: memref<!tpu.dma_semaphore, #tpu.memory_space<semaphore_mem>>, %arg14: memref<!tpu.dma_semaphore, #tpu.memory_space<semaphore_mem>>, %arg15: memref<!tpu.dma_semaphore, #tpu.memory_space<semaphore_mem>>) attributes {dimension_semantics = [#tpu.dimension_semantics<core_parallel>, #tpu.dimension_semantics<subcore_parallel>], iteration_bounds = array<i64: 2, 16>, scalar_prefetch = 0 : i64, scratch_operands = 9 : i64, tpu.core_type = #tpu.core_type<sc_vector_subcore>, window_params = [{transform_indices = #map}, {transform_indices = #map}, {transform_indices = #map1}, {transform_indices = #map1}, {transform_indices = #map1}]} {
    %mul3A = arith.constant 16 : i32
    %mul3A_0 = arith.muli %arg0, %mul3A : i32
    %add3A = arith.addi %mul3A_0, %arg1 : i32
    %mul3A_1 = arith.constant 640 : i32
    %mul3A_2 = arith.muli %arg1, %mul3A_1 : i32
    "tpu.region"() ({
      %run_scoped3A = tpu.sem_alloc : memref<!tpu.dma_semaphore, #tpu.memory_space<semaphore_mem>>
      %dma_start3A = arith.constant 0 : i32
      %dma_start3A_13 = tpu.memref_slice %arg7[%mul3A_2, %dma_start3A] : memref<10240x128xf32, #tpu.memory_space<vmem_shared>> -> memref<640x128xf32, #tpu.memory_space<vmem_shared>>
      tpu.enqueue_dma source(%arg3 : memref<640x128xf32, #tpu.memory_space<hbm>>) target(%dma_start3A_13 : memref<640x128xf32, #tpu.memory_space<vmem_shared>>) target_semaphore(%run_scoped3A : memref<!tpu.dma_semaphore, #tpu.memory_space<semaphore_mem>>)
      %dma_wait3A = arith.constant 0 : i32
      %dma_wait3A_14 = tpu.memref_slice %arg7[%mul3A_2, %dma_wait3A] : memref<10240x128xf32, #tpu.memory_space<vmem_shared>> -> memref<640x128xf32, #tpu.memory_space<vmem_shared>>
      tpu.wait_dma2 semaphore(%run_scoped3A : memref<!tpu.dma_semaphore, #tpu.memory_space<semaphore_mem>>) src(%arg3 : memref<640x128xf32, #tpu.memory_space<hbm>>) dst(%dma_wait3A_14 : memref<640x128xf32, #tpu.memory_space<vmem_shared>>)
      tpu.yield
    }) : () -> ()
    %barrier3A = arith.constant 0 : index
    tpu.barrier barrier_id(%barrier3A)
    %scan3A = arith.constant 0 : i32
    %scan3A_3 = arith.constant 0 : i32
    %scan3A_4 = arith.constant 5 : i32
    %scan3A_5 = arith.addi %scan3A_3, %scan3A_4 : i32
    %scan3A_6 = arith.constant 1 : i32
    scf.for %scan3A_13 = %scan3A_3 to %scan3A_5 step %scan3A_6  : i32 {
      %mul3A_14 = arith.constant 16 : i32
      %mul3A_15 = arith.muli %scan3A_13, %mul3A_14 : i32
      "tpu.region"() ({
        %run_scoped3A = tpu.sem_alloc : memref<!tpu.dma_semaphore, #tpu.memory_space<semaphore_mem>>
        %dma_start3A_36 = arith.constant 0 : i32
        %dma_start3A_37 = tpu.memref_slice %arg4[%add3A, %mul3A_15, %dma_start3A_36] : memref<32x80x128xi32, #tpu.memory_space<hbm>> -> memref<1x16x128xi32, #tpu.memory_space<hbm>>
        %dma_start3A_38 = tpu.memref_squeeze %dma_start3A_37 : memref<1x16x128xi32, #tpu.memory_space<hbm>> -> memref<16x128xi32, #tpu.memory_space<hbm>>
        %dma_start3A_39 = arith.constant 0 : i32
        %dma_start3A_40 = tpu.memref_slice %arg4[%add3A, %mul3A_15, %dma_start3A_39] : memref<32x80x128xi32, #tpu.memory_space<hbm>> -> memref<1x16x128xi32, #tpu.memory_space<hbm>>
        %dma_start3A_41 = tpu.memref_squeeze %dma_start3A_40 : memref<1x16x128xi32, #tpu.memory_space<hbm>> -> memref<16x128xi32, #tpu.memory_space<hbm>>
        tpu.enqueue_dma source(%dma_start3A_41 : memref<16x128xi32, #tpu.memory_space<hbm>>) target(%arg8 : memref<16x128xi32, #tpu.memory_space<vmem>>) target_semaphore(%run_scoped3A : memref<!tpu.dma_semaphore, #tpu.memory_space<semaphore_mem>>)
        %dma_wait3A_42 = arith.constant 0 : i32
        %dma_wait3A_43 = tpu.memref_slice %arg4[%add3A, %mul3A_15, %dma_wait3A_42] : memref<32x80x128xi32, #tpu.memory_space<hbm>> -> memref<1x16x128xi32, #tpu.memory_space<hbm>>
        %dma_wait3A_44 = tpu.memref_squeeze %dma_wait3A_43 : memref<1x16x128xi32, #tpu.memory_space<hbm>> -> memref<16x128xi32, #tpu.memory_space<hbm>>
        %dma_wait3A_45 = arith.constant 0 : i32
        %dma_wait3A_46 = tpu.memref_slice %arg4[%add3A, %mul3A_15, %dma_wait3A_45] : memref<32x80x128xi32, #tpu.memory_space<hbm>> -> memref<1x16x128xi32, #tpu.memory_space<hbm>>
        %dma_wait3A_47 = tpu.memref_squeeze %dma_wait3A_46 : memref<1x16x128xi32, #tpu.memory_space<hbm>> -> memref<16x128xi32, #tpu.memory_space<hbm>>
        tpu.wait_dma2 semaphore(%run_scoped3A : memref<!tpu.dma_semaphore, #tpu.memory_space<semaphore_mem>>) src(%dma_wait3A_47 : memref<16x128xi32, #tpu.memory_space<hbm>>) dst(%arg8 : memref<16x128xi32, #tpu.memory_space<vmem>>)
        tpu.yield
      }) : () -> ()
      %mul3A_16 = arith.constant 16 : i32
      %mul3A_17 = arith.muli %scan3A_13, %mul3A_16 : i32
      "tpu.region"() ({
        %run_scoped3A = tpu.sem_alloc : memref<!tpu.dma_semaphore, #tpu.memory_space<semaphore_mem>>
        %dma_start3A_36 = arith.constant 0 : i32
        %dma_start3A_37 = tpu.memref_slice %arg5[%add3A, %mul3A_17, %dma_start3A_36] : memref<32x80x128xi32, #tpu.memory_space<hbm>> -> memref<1x16x128xi32, #tpu.memory_space<hbm>>
        %dma_start3A_38 = tpu.memref_squeeze %dma_start3A_37 : memref<1x16x128xi32, #tpu.memory_space<hbm>> -> memref<16x128xi32, #tpu.memory_space<hbm>>
        %dma_start3A_39 = arith.constant 0 : i32
        %dma_start3A_40 = tpu.memref_slice %arg5[%add3A, %mul3A_17, %dma_start3A_39] : memref<32x80x128xi32, #tpu.memory_space<hbm>> -> memref<1x16x128xi32, #tpu.memory_space<hbm>>
        %dma_start3A_41 = tpu.memref_squeeze %dma_start3A_40 : memref<1x16x128xi32, #tpu.memory_space<hbm>> -> memref<16x128xi32, #tpu.memory_space<hbm>>
        tpu.enqueue_dma source(%dma_start3A_41 : memref<16x128xi32, #tpu.memory_space<hbm>>) target(%arg9 : memref<16x128xi32, #tpu.memory_space<vmem>>) target_semaphore(%run_scoped3A : memref<!tpu.dma_semaphore, #tpu.memory_space<semaphore_mem>>)
        %dma_wait3A_42 = arith.constant 0 : i32
        %dma_wait3A_43 = tpu.memref_slice %arg5[%add3A, %mul3A_17, %dma_wait3A_42] : memref<32x80x128xi32, #tpu.memory_space<hbm>> -> memref<1x16x128xi32, #tpu.memory_space<hbm>>
        %dma_wait3A_44 = tpu.memref_squeeze %dma_wait3A_43 : memref<1x16x128xi32, #tpu.memory_space<hbm>> -> memref<16x128xi32, #tpu.memory_space<hbm>>
        %dma_wait3A_45 = arith.constant 0 : i32
        %dma_wait3A_46 = tpu.memref_slice %arg5[%add3A, %mul3A_17, %dma_wait3A_45] : memref<32x80x128xi32, #tpu.memory_space<hbm>> -> memref<1x16x128xi32, #tpu.memory_space<hbm>>
        %dma_wait3A_47 = tpu.memref_squeeze %dma_wait3A_46 : memref<1x16x128xi32, #tpu.memory_space<hbm>> -> memref<16x128xi32, #tpu.memory_space<hbm>>
        tpu.wait_dma2 semaphore(%run_scoped3A : memref<!tpu.dma_semaphore, #tpu.memory_space<semaphore_mem>>) src(%dma_wait3A_47 : memref<16x128xi32, #tpu.memory_space<hbm>>) dst(%arg9 : memref<16x128xi32, #tpu.memory_space<vmem>>)
        tpu.yield
      }) : () -> ()
      %dma_start3A = arith.constant 0 : i32
      %dma_start3A_18 = arith.constant 0 : i32
      %dma_start3A_19 = tpu.memref_slice %arg8[%dma_start3A, %dma_start3A_18] : memref<16x128xi32, #tpu.memory_space<vmem>> -> memref<1x128xi32, #tpu.memory_space<vmem>>
      %dma_start3A_20 = tpu.memref_squeeze %dma_start3A_19 : memref<1x128xi32, #tpu.memory_space<vmem>> -> memref<128xi32, #tpu.memory_space<vmem>>
      %dma_start3A_21 = arith.constant 0 : i32
      %dma_start3A_22 = arith.constant 0 : i32
      %dma_start3A_23 = tpu.memref_slice %arg2[%dma_start3A_21, %dma_start3A_22] : memref<10240x128xf32, #tpu.memory_space<hbm>> -> memref<10240x128xf32, #tpu.memory_space<hbm>>
      tpu.enqueue_indirect_dma source(%dma_start3A_23 : memref<10240x128xf32, #tpu.memory_space<hbm>>) target(%arg10 : memref<128x128xf32, #tpu.memory_space<vmem>>) offsets(%dma_start3A_20 : memref<128xi32, #tpu.memory_space<vmem>>) semaphore(%arg12 : memref<!tpu.dma_semaphore, #tpu.memory_space<semaphore_mem>>)
      %scan3A_24 = arith.constant 0 : i32
      %scan3A_25 = arith.constant 0 : i32
      %scan3A_26 = arith.constant 8 : i32
      %scan3A_27 = arith.addi %scan3A_25, %scan3A_26 : i32
      %scan3A_28 = arith.constant 1 : i32
      scf.for %scan3A_36 = %scan3A_25 to %scan3A_27 step %scan3A_28  : i32 {
        %mul3A_37 = arith.constant 2 : i32
        %mul3A_38 = arith.muli %mul3A_37, %scan3A_36 : i32
        %mul3A_39 = arith.constant 2 : i32
        %mul3A_40 = arith.muli %mul3A_39, %scan3A_36 : i32
        %add3A_41 = arith.constant 1 : i32
        %add3A_42 = arith.addi %mul3A_40, %add3A_41 : i32
        %mul3A_43 = arith.constant 2 : i32
        %mul3A_44 = arith.muli %mul3A_43, %scan3A_36 : i32
        %add3A_45 = arith.constant 2 : i32
        %add3A_46 = arith.addi %mul3A_44, %add3A_45 : i32
        %min3A = arith.constant 15 : i32
        %min3A_47 = arith.minsi %add3A_46, %min3A : i32
        %dma_start3A_48 = arith.constant 0 : i32
        %dma_start3A_49 = tpu.memref_slice %arg8[%add3A_42, %dma_start3A_48] : memref<16x128xi32, #tpu.memory_space<vmem>> -> memref<1x128xi32, #tpu.memory_space<vmem>>
        %dma_start3A_50 = tpu.memref_squeeze %dma_start3A_49 : memref<1x128xi32, #tpu.memory_space<vmem>> -> memref<128xi32, #tpu.memory_space<vmem>>
        %dma_start3A_51 = arith.constant 0 : i32
        %dma_start3A_52 = arith.constant 0 : i32
        %dma_start3A_53 = tpu.memref_slice %arg2[%dma_start3A_51, %dma_start3A_52] : memref<10240x128xf32, #tpu.memory_space<hbm>> -> memref<10240x128xf32, #tpu.memory_space<hbm>>
        tpu.enqueue_indirect_dma source(%dma_start3A_53 : memref<10240x128xf32, #tpu.memory_space<hbm>>) target(%arg11 : memref<128x128xf32, #tpu.memory_space<vmem>>) offsets(%dma_start3A_50 : memref<128xi32, #tpu.memory_space<vmem>>) semaphore(%arg13 : memref<!tpu.dma_semaphore, #tpu.memory_space<semaphore_mem>>)
        %dma_wait3A_54 = arith.constant 0 : i32
        %dma_wait3A_55 = arith.constant 0 : i32
        %dma_wait3A_56 = tpu.memref_slice %arg8[%dma_wait3A_54, %dma_wait3A_55] : memref<16x128xi32, #tpu.memory_space<vmem>> -> memref<1x128xi32, #tpu.memory_space<vmem>>
        %dma_wait3A_57 = tpu.memref_squeeze %dma_wait3A_56 : memref<1x128xi32, #tpu.memory_space<vmem>> -> memref<128xi32, #tpu.memory_space<vmem>>
        %dma_wait3A_58 = arith.constant 0 : i32
        %dma_wait3A_59 = arith.constant 0 : i32
        %dma_wait3A_60 = tpu.memref_slice %arg2[%dma_wait3A_58, %dma_wait3A_59] : memref<10240x128xf32, #tpu.memory_space<hbm>> -> memref<10240x128xf32, #tpu.memory_space<hbm>>
        tpu.wait_indirect_dma semaphore(%arg12 : memref<!tpu.dma_semaphore, #tpu.memory_space<semaphore_mem>>) src(%dma_wait3A_60 : memref<10240x128xf32, #tpu.memory_space<hbm>>) dst(%arg10 : memref<128x128xf32, #tpu.memory_space<vmem>>)
        "tpu.region"() ({
          %run_scoped3A = tpu.sem_alloc : memref<!tpu.dma_semaphore, #tpu.memory_space<semaphore_mem>>
          %dma_start3A_74 = arith.constant 0 : i32
          %dma_start3A_75 = tpu.memref_slice %arg9[%mul3A_38, %dma_start3A_74] : memref<16x128xi32, #tpu.memory_space<vmem>> -> memref<1x128xi32, #tpu.memory_space<vmem>>
          %dma_start3A_76 = tpu.memref_squeeze %dma_start3A_75 : memref<1x128xi32, #tpu.memory_space<vmem>> -> memref<128xi32, #tpu.memory_space<vmem>>
          %dma_start3A_77 = arith.constant 0 : i32
          %dma_start3A_78 = arith.constant 0 : i32
          %dma_start3A_79 = tpu.memref_slice %arg7[%dma_start3A_77, %dma_start3A_78] : memref<10240x128xf32, #tpu.memory_space<vmem_shared>> -> memref<10240x128xf32, #tpu.memory_space<vmem_shared>>
          tpu.enqueue_indirect_dma source(%arg10 : memref<128x128xf32, #tpu.memory_space<vmem>>) target(%dma_start3A_79 : memref<10240x128xf32, #tpu.memory_space<vmem_shared>>) offsets(%dma_start3A_76 : memref<128xi32, #tpu.memory_space<vmem>>) semaphore(%run_scoped3A : memref<!tpu.dma_semaphore, #tpu.memory_space<semaphore_mem>>) {add = true}
          %dma_wait3A_80 = arith.constant 0 : i32
          %dma_wait3A_81 = tpu.memref_slice %arg9[%mul3A_38, %dma_wait3A_80] : memref<16x128xi32, #tpu.memory_space<vmem>> -> memref<1x128xi32, #tpu.memory_space<vmem>>
          %dma_wait3A_82 = tpu.memref_squeeze %dma_wait3A_81 : memref<1x128xi32, #tpu.memory_space<vmem>> -> memref<128xi32, #tpu.memory_space<vmem>>
          %dma_wait3A_83 = arith.constant 0 : i32
          %dma_wait3A_84 = arith.constant 0 : i32
          %dma_wait3A_85 = tpu.memref_slice %arg7[%dma_wait3A_83, %dma_wait3A_84] : memref<10240x128xf32, #tpu.memory_space<vmem_shared>> -> memref<10240x128xf32, #tpu.memory_space<vmem_shared>>
          tpu.wait_indirect_dma semaphore(%run_scoped3A : memref<!tpu.dma_semaphore, #tpu.memory_space<semaphore_mem>>) src(%arg10 : memref<128x128xf32, #tpu.memory_space<vmem>>) dst(%dma_wait3A_85 : memref<10240x128xf32, #tpu.memory_space<vmem_shared>>)
          tpu.yield
        }) : () -> ()
        %dma_start3A_61 = arith.constant 0 : i32
        %dma_start3A_62 = tpu.memref_slice %arg8[%min3A_47, %dma_start3A_61] : memref<16x128xi32, #tpu.memory_space<vmem>> -> memref<1x128xi32, #tpu.memory_space<vmem>>
        %dma_start3A_63 = tpu.memref_squeeze %dma_start3A_62 : memref<1x128xi32, #tpu.memory_space<vmem>> -> memref<128xi32, #tpu.memory_space<vmem>>
        %dma_start3A_64 = arith.constant 0 : i32
        %dma_start3A_65 = arith.constant 0 : i32
        %dma_start3A_66 = tpu.memref_slice %arg2[%dma_start3A_64, %dma_start3A_65] : memref<10240x128xf32, #tpu.memory_space<hbm>> -> memref<10240x128xf32, #tpu.memory_space<hbm>>
        tpu.enqueue_indirect_dma source(%dma_start3A_66 : memref<10240x128xf32, #tpu.memory_space<hbm>>) target(%arg10 : memref<128x128xf32, #tpu.memory_space<vmem>>) offsets(%dma_start3A_63 : memref<128xi32, #tpu.memory_space<vmem>>) semaphore(%arg12 : memref<!tpu.dma_semaphore, #tpu.memory_space<semaphore_mem>>)
        %dma_wait3A_67 = arith.constant 0 : i32
        %dma_wait3A_68 = arith.constant 0 : i32
        %dma_wait3A_69 = tpu.memref_slice %arg8[%dma_wait3A_67, %dma_wait3A_68] : memref<16x128xi32, #tpu.memory_space<vmem>> -> memref<1x128xi32, #tpu.memory_space<vmem>>
        %dma_wait3A_70 = tpu.memref_squeeze %dma_wait3A_69 : memref<1x128xi32, #tpu.memory_space<vmem>> -> memref<128xi32, #tpu.memory_space<vmem>>
        %dma_wait3A_71 = arith.constant 0 : i32
        %dma_wait3A_72 = arith.constant 0 : i32
        %dma_wait3A_73 = tpu.memref_slice %arg2[%dma_wait3A_71, %dma_wait3A_72] : memref<10240x128xf32, #tpu.memory_space<hbm>> -> memref<10240x128xf32, #tpu.memory_space<hbm>>
        tpu.wait_indirect_dma semaphore(%arg13 : memref<!tpu.dma_semaphore, #tpu.memory_space<semaphore_mem>>) src(%dma_wait3A_73 : memref<10240x128xf32, #tpu.memory_space<hbm>>) dst(%arg11 : memref<128x128xf32, #tpu.memory_space<vmem>>)
        "tpu.region"() ({
          %run_scoped3A = tpu.sem_alloc : memref<!tpu.dma_semaphore, #tpu.memory_space<semaphore_mem>>
          %dma_start3A_74 = arith.constant 0 : i32
          %dma_start3A_75 = tpu.memref_slice %arg9[%add3A_42, %dma_start3A_74] : memref<16x128xi32, #tpu.memory_space<vmem>> -> memref<1x128xi32, #tpu.memory_space<vmem>>
          %dma_start3A_76 = tpu.memref_squeeze %dma_start3A_75 : memref<1x128xi32, #tpu.memory_space<vmem>> -> memref<128xi32, #tpu.memory_space<vmem>>
          %dma_start3A_77 = arith.constant 0 : i32
          %dma_start3A_78 = arith.constant 0 : i32
          %dma_start3A_79 = tpu.memref_slice %arg7[%dma_start3A_77, %dma_start3A_78] : memref<10240x128xf32, #tpu.memory_space<vmem_shared>> -> memref<10240x128xf32, #tpu.memory_space<vmem_shared>>
          tpu.enqueue_indirect_dma source(%arg11 : memref<128x128xf32, #tpu.memory_space<vmem>>) target(%dma_start3A_79 : memref<10240x128xf32, #tpu.memory_space<vmem_shared>>) offsets(%dma_start3A_76 : memref<128xi32, #tpu.memory_space<vmem>>) semaphore(%run_scoped3A : memref<!tpu.dma_semaphore, #tpu.memory_space<semaphore_mem>>) {add = true}
          %dma_wait3A_80 = arith.constant 0 : i32
          %dma_wait3A_81 = tpu.memref_slice %arg9[%add3A_42, %dma_wait3A_80] : memref<16x128xi32, #tpu.memory_space<vmem>> -> memref<1x128xi32, #tpu.memory_space<vmem>>
          %dma_wait3A_82 = tpu.memref_squeeze %dma_wait3A_81 : memref<1x128xi32, #tpu.memory_space<vmem>> -> memref<128xi32, #tpu.memory_space<vmem>>
          %dma_wait3A_83 = arith.constant 0 : i32
          %dma_wait3A_84 = arith.constant 0 : i32
          %dma_wait3A_85 = tpu.memref_slice %arg7[%dma_wait3A_83, %dma_wait3A_84] : memref<10240x128xf32, #tpu.memory_space<vmem_shared>> -> memref<10240x128xf32, #tpu.memory_space<vmem_shared>>
          tpu.wait_indirect_dma semaphore(%run_scoped3A : memref<!tpu.dma_semaphore, #tpu.memory_space<semaphore_mem>>) src(%arg11 : memref<128x128xf32, #tpu.memory_space<vmem>>) dst(%dma_wait3A_85 : memref<10240x128xf32, #tpu.memory_space<vmem_shared>>)
          tpu.yield
        }) : () -> ()
      }
      %scan3A_29 = arith.constant 8 : i32
      %dma_wait3A = arith.constant 0 : i32
      %dma_wait3A_30 = arith.constant 0 : i32
      %dma_wait3A_31 = tpu.memref_slice %arg8[%dma_wait3A, %dma_wait3A_30] : memref<16x128xi32, #tpu.memory_space<vmem>> -> memref<1x128xi32, #tpu.memory_space<vmem>>
      %dma_wait3A_32 = tpu.memref_squeeze %dma_wait3A_31 : memref<1x128xi32, #tpu.memory_space<vmem>> -> memref<128xi32, #tpu.memory_space<vmem>>
      %dma_wait3A_33 = arith.constant 0 : i32
      %dma_wait3A_34 = arith.constant 0 : i32
      %dma_wait3A_35 = tpu.memref_slice %arg2[%dma_wait3A_33, %dma_wait3A_34] : memref<10240x128xf32, #tpu.memory_space<hbm>> -> memref<10240x128xf32, #tpu.memory_space<hbm>>
      tpu.wait_indirect_dma semaphore(%arg12 : memref<!tpu.dma_semaphore, #tpu.memory_space<semaphore_mem>>) src(%dma_wait3A_35 : memref<10240x128xf32, #tpu.memory_space<hbm>>) dst(%arg10 : memref<128x128xf32, #tpu.memory_space<vmem>>)
    }
    %scan3A_7 = arith.constant 5 : i32
    %barrier3A_8 = arith.constant 0 : index
    tpu.barrier barrier_id(%barrier3A_8)
    %mul3A_9 = arith.constant 640 : i32
    %mul3A_10 = arith.muli %arg1, %mul3A_9 : i32
    %mul3A_11 = arith.constant 640 : i32
    %mul3A_12 = arith.muli %arg1, %mul3A_11 : i32
    "tpu.region"() ({
      %run_scoped3A = tpu.sem_alloc : memref<!tpu.dma_semaphore, #tpu.memory_space<semaphore_mem>>
      %dma_start3A = arith.constant 0 : i32
      %dma_start3A_13 = tpu.memref_slice %arg6[%arg0, %mul3A_12, %dma_start3A] : memref<2x10240x128xf32, #tpu.memory_space<hbm>> -> memref<1x640x128xf32, #tpu.memory_space<hbm>>
      %dma_start3A_14 = tpu.memref_squeeze %dma_start3A_13 : memref<1x640x128xf32, #tpu.memory_space<hbm>> -> memref<640x128xf32, #tpu.memory_space<hbm>>
      %dma_start3A_15 = arith.constant 0 : i32
      %dma_start3A_16 = tpu.memref_slice %arg7[%mul3A_10, %dma_start3A_15] : memref<10240x128xf32, #tpu.memory_space<vmem_shared>> -> memref<640x128xf32, #tpu.memory_space<vmem_shared>>
      tpu.enqueue_dma source(%dma_start3A_16 : memref<640x128xf32, #tpu.memory_space<vmem_shared>>) target(%dma_start3A_14 : memref<640x128xf32, #tpu.memory_space<hbm>>) target_semaphore(%run_scoped3A : memref<!tpu.dma_semaphore, #tpu.memory_space<semaphore_mem>>)
      %dma_wait3A = arith.constant 0 : i32
      %dma_wait3A_17 = tpu.memref_slice %arg6[%arg0, %mul3A_12, %dma_wait3A] : memref<2x10240x128xf32, #tpu.memory_space<hbm>> -> memref<1x640x128xf32, #tpu.memory_space<hbm>>
      %dma_wait3A_18 = tpu.memref_squeeze %dma_wait3A_17 : memref<1x640x128xf32, #tpu.memory_space<hbm>> -> memref<640x128xf32, #tpu.memory_space<hbm>>
      %dma_wait3A_19 = arith.constant 0 : i32
      %dma_wait3A_20 = tpu.memref_slice %arg7[%mul3A_10, %dma_wait3A_19] : memref<10240x128xf32, #tpu.memory_space<vmem_shared>> -> memref<640x128xf32, #tpu.memory_space<vmem_shared>>
      tpu.wait_dma2 semaphore(%run_scoped3A : memref<!tpu.dma_semaphore, #tpu.memory_space<semaphore_mem>>) src(%dma_wait3A_20 : memref<640x128xf32, #tpu.memory_space<vmem_shared>>) dst(%dma_wait3A_18 : memref<640x128xf32, #tpu.memory_space<hbm>>)
      tpu.yield
    }) : () -> ()
    return
  }
}

#map = affine_map<(d0, d1) -> (0)>
#map1 = affine_map<(d0, d1) -> (0, 0, 0)>
#map2 = affine_map<(d0, d1) -> (0, 0)>
module attributes {stable_mosaic.version = 14 : i64} {
  func.func @_sc_degree(%arg0: i32, %arg1: i32, %arg2: memref<128xf32, #tpu.memory_space<hbm>>, %arg3: memref<640xf32, #tpu.memory_space<hbm>>, %arg4: memref<32x80x128xi32, #tpu.memory_space<hbm>>, %arg5: memref<2x10240xf32, #tpu.memory_space<hbm>>, %arg6: memref<10240xf32, #tpu.memory_space<vmem_shared>>, %arg7: memref<80x128xi32, #tpu.memory_space<vmem>>, %arg8: memref<128xf32, #tpu.memory_space<vmem>>) attributes {dimension_semantics = [#tpu.dimension_semantics<core_parallel>, #tpu.dimension_semantics<subcore_parallel>], iteration_bounds = array<i64: 2, 16>, scalar_prefetch = 0 : i64, scratch_operands = 3 : i64, tpu.core_type = #tpu.core_type<sc_vector_subcore>, window_params = [{transform_indices = #map}, {transform_indices = #map}, {transform_indices = #map1}, {transform_indices = #map2}]} {
    %mul3A = arith.constant 16 : i32
    %mul3A_0 = arith.muli %arg0, %mul3A : i32
    %add3A = arith.addi %mul3A_0, %arg1 : i32
    "tpu.region"() ({
      %run_scoped3A = tpu.sem_alloc : memref<!tpu.dma_semaphore, #tpu.memory_space<semaphore_mem>>
      %dma_start3A = arith.constant 0 : i32
      %dma_start3A_13 = arith.constant 0 : i32
      %dma_start3A_14 = tpu.memref_slice %arg4[%add3A, %dma_start3A, %dma_start3A_13] : memref<32x80x128xi32, #tpu.memory_space<hbm>> -> memref<1x80x128xi32, #tpu.memory_space<hbm>>
      %dma_start3A_15 = tpu.memref_squeeze %dma_start3A_14 : memref<1x80x128xi32, #tpu.memory_space<hbm>> -> memref<80x128xi32, #tpu.memory_space<hbm>>
      %dma_start3A_16 = arith.constant 0 : i32
      %dma_start3A_17 = arith.constant 0 : i32
      %dma_start3A_18 = tpu.memref_slice %arg4[%add3A, %dma_start3A_16, %dma_start3A_17] : memref<32x80x128xi32, #tpu.memory_space<hbm>> -> memref<1x80x128xi32, #tpu.memory_space<hbm>>
      %dma_start3A_19 = tpu.memref_squeeze %dma_start3A_18 : memref<1x80x128xi32, #tpu.memory_space<hbm>> -> memref<80x128xi32, #tpu.memory_space<hbm>>
      tpu.enqueue_dma source(%dma_start3A_19 : memref<80x128xi32, #tpu.memory_space<hbm>>) target(%arg7 : memref<80x128xi32, #tpu.memory_space<vmem>>) target_semaphore(%run_scoped3A : memref<!tpu.dma_semaphore, #tpu.memory_space<semaphore_mem>>)
      %dma_wait3A = arith.constant 0 : i32
      %dma_wait3A_20 = arith.constant 0 : i32
      %dma_wait3A_21 = tpu.memref_slice %arg4[%add3A, %dma_wait3A, %dma_wait3A_20] : memref<32x80x128xi32, #tpu.memory_space<hbm>> -> memref<1x80x128xi32, #tpu.memory_space<hbm>>
      %dma_wait3A_22 = tpu.memref_squeeze %dma_wait3A_21 : memref<1x80x128xi32, #tpu.memory_space<hbm>> -> memref<80x128xi32, #tpu.memory_space<hbm>>
      %dma_wait3A_23 = arith.constant 0 : i32
      %dma_wait3A_24 = arith.constant 0 : i32
      %dma_wait3A_25 = tpu.memref_slice %arg4[%add3A, %dma_wait3A_23, %dma_wait3A_24] : memref<32x80x128xi32, #tpu.memory_space<hbm>> -> memref<1x80x128xi32, #tpu.memory_space<hbm>>
      %dma_wait3A_26 = tpu.memref_squeeze %dma_wait3A_25 : memref<1x80x128xi32, #tpu.memory_space<hbm>> -> memref<80x128xi32, #tpu.memory_space<hbm>>
      tpu.wait_dma2 semaphore(%run_scoped3A : memref<!tpu.dma_semaphore, #tpu.memory_space<semaphore_mem>>) src(%dma_wait3A_26 : memref<80x128xi32, #tpu.memory_space<hbm>>) dst(%arg7 : memref<80x128xi32, #tpu.memory_space<vmem>>)
      tpu.yield
    }) : () -> ()
    "tpu.region"() ({
      %run_scoped3A = tpu.sem_alloc : memref<!tpu.dma_semaphore, #tpu.memory_space<semaphore_mem>>
      tpu.enqueue_dma source(%arg2 : memref<128xf32, #tpu.memory_space<hbm>>) target(%arg8 : memref<128xf32, #tpu.memory_space<vmem>>) target_semaphore(%run_scoped3A : memref<!tpu.dma_semaphore, #tpu.memory_space<semaphore_mem>>)
      tpu.wait_dma2 semaphore(%run_scoped3A : memref<!tpu.dma_semaphore, #tpu.memory_space<semaphore_mem>>) src(%arg2 : memref<128xf32, #tpu.memory_space<hbm>>) dst(%arg8 : memref<128xf32, #tpu.memory_space<vmem>>)
      tpu.yield
    }) : () -> ()
    %mul3A_1 = arith.constant 640 : i32
    %mul3A_2 = arith.muli %arg1, %mul3A_1 : i32
    "tpu.region"() ({
      %run_scoped3A = tpu.sem_alloc : memref<!tpu.dma_semaphore, #tpu.memory_space<semaphore_mem>>
      %dma_start3A = tpu.memref_slice %arg6[%mul3A_2] : memref<10240xf32, #tpu.memory_space<vmem_shared>> -> memref<640xf32, #tpu.memory_space<vmem_shared>>
      tpu.enqueue_dma source(%arg3 : memref<640xf32, #tpu.memory_space<hbm>>) target(%dma_start3A : memref<640xf32, #tpu.memory_space<vmem_shared>>) target_semaphore(%run_scoped3A : memref<!tpu.dma_semaphore, #tpu.memory_space<semaphore_mem>>)
      %dma_wait3A = tpu.memref_slice %arg6[%mul3A_2] : memref<10240xf32, #tpu.memory_space<vmem_shared>> -> memref<640xf32, #tpu.memory_space<vmem_shared>>
      tpu.wait_dma2 semaphore(%run_scoped3A : memref<!tpu.dma_semaphore, #tpu.memory_space<semaphore_mem>>) src(%arg3 : memref<640xf32, #tpu.memory_space<hbm>>) dst(%dma_wait3A : memref<640xf32, #tpu.memory_space<vmem_shared>>)
      tpu.yield
    }) : () -> ()
    %barrier3A = arith.constant 0 : index
    tpu.barrier barrier_id(%barrier3A)
    %scan3A = arith.constant 0 : i32
    %scan3A_3 = arith.constant 0 : i32
    %scan3A_4 = arith.constant 80 : i32
    %scan3A_5 = arith.addi %scan3A_3, %scan3A_4 : i32
    %scan3A_6 = arith.constant 1 : i32
    scf.for %scan3A_13 = %scan3A_3 to %scan3A_5 step %scan3A_6  : i32 {
      "tpu.region"() ({
        %run_scoped3A = tpu.sem_alloc : memref<!tpu.dma_semaphore, #tpu.memory_space<semaphore_mem>>
        %dma_start3A = arith.constant 0 : i32
        %dma_start3A_14 = tpu.memref_slice %arg7[%scan3A_13, %dma_start3A] : memref<80x128xi32, #tpu.memory_space<vmem>> -> memref<1x128xi32, #tpu.memory_space<vmem>>
        %dma_start3A_15 = tpu.memref_squeeze %dma_start3A_14 : memref<1x128xi32, #tpu.memory_space<vmem>> -> memref<128xi32, #tpu.memory_space<vmem>>
        %dma_start3A_16 = arith.constant 0 : i32
        %dma_start3A_17 = tpu.memref_slice %arg6[%dma_start3A_16] : memref<10240xf32, #tpu.memory_space<vmem_shared>> -> memref<10240xf32, #tpu.memory_space<vmem_shared>>
        tpu.enqueue_indirect_dma source(%arg8 : memref<128xf32, #tpu.memory_space<vmem>>) target(%dma_start3A_17 : memref<10240xf32, #tpu.memory_space<vmem_shared>>) offsets(%dma_start3A_15 : memref<128xi32, #tpu.memory_space<vmem>>) semaphore(%run_scoped3A : memref<!tpu.dma_semaphore, #tpu.memory_space<semaphore_mem>>) {add = true}
        %dma_wait3A = arith.constant 0 : i32
        %dma_wait3A_18 = tpu.memref_slice %arg7[%scan3A_13, %dma_wait3A] : memref<80x128xi32, #tpu.memory_space<vmem>> -> memref<1x128xi32, #tpu.memory_space<vmem>>
        %dma_wait3A_19 = tpu.memref_squeeze %dma_wait3A_18 : memref<1x128xi32, #tpu.memory_space<vmem>> -> memref<128xi32, #tpu.memory_space<vmem>>
        %dma_wait3A_20 = arith.constant 0 : i32
        %dma_wait3A_21 = tpu.memref_slice %arg6[%dma_wait3A_20] : memref<10240xf32, #tpu.memory_space<vmem_shared>> -> memref<10240xf32, #tpu.memory_space<vmem_shared>>
        tpu.wait_indirect_dma semaphore(%run_scoped3A : memref<!tpu.dma_semaphore, #tpu.memory_space<semaphore_mem>>) src(%arg8 : memref<128xf32, #tpu.memory_space<vmem>>) dst(%dma_wait3A_21 : memref<10240xf32, #tpu.memory_space<vmem_shared>>)
        tpu.yield
      }) : () -> ()
    }
    %scan3A_7 = arith.constant 80 : i32
    %barrier3A_8 = arith.constant 0 : index
    tpu.barrier barrier_id(%barrier3A_8)
    %mul3A_9 = arith.constant 640 : i32
    %mul3A_10 = arith.muli %arg1, %mul3A_9 : i32
    %mul3A_11 = arith.constant 640 : i32
    %mul3A_12 = arith.muli %arg1, %mul3A_11 : i32
    "tpu.region"() ({
      %run_scoped3A = tpu.sem_alloc : memref<!tpu.dma_semaphore, #tpu.memory_space<semaphore_mem>>
      %dma_start3A = tpu.memref_slice %arg5[%arg0, %mul3A_12] : memref<2x10240xf32, #tpu.memory_space<hbm>> -> memref<1x640xf32, #tpu.memory_space<hbm>>
      %dma_start3A_13 = tpu.memref_squeeze %dma_start3A : memref<1x640xf32, #tpu.memory_space<hbm>> -> memref<640xf32, #tpu.memory_space<hbm>>
      %dma_start3A_14 = tpu.memref_slice %arg6[%mul3A_10] : memref<10240xf32, #tpu.memory_space<vmem_shared>> -> memref<640xf32, #tpu.memory_space<vmem_shared>>
      tpu.enqueue_dma source(%dma_start3A_14 : memref<640xf32, #tpu.memory_space<vmem_shared>>) target(%dma_start3A_13 : memref<640xf32, #tpu.memory_space<hbm>>) target_semaphore(%run_scoped3A : memref<!tpu.dma_semaphore, #tpu.memory_space<semaphore_mem>>)
      %dma_wait3A = tpu.memref_slice %arg5[%arg0, %mul3A_12] : memref<2x10240xf32, #tpu.memory_space<hbm>> -> memref<1x640xf32, #tpu.memory_space<hbm>>
      %dma_wait3A_15 = tpu.memref_squeeze %dma_wait3A : memref<1x640xf32, #tpu.memory_space<hbm>> -> memref<640xf32, #tpu.memory_space<hbm>>
      %dma_wait3A_16 = tpu.memref_slice %arg6[%mul3A_10] : memref<10240xf32, #tpu.memory_space<vmem_shared>> -> memref<640xf32, #tpu.memory_space<vmem_shared>>
      tpu.wait_dma2 semaphore(%run_scoped3A : memref<!tpu.dma_semaphore, #tpu.memory_space<semaphore_mem>>) src(%dma_wait3A_16 : memref<640xf32, #tpu.memory_space<vmem_shared>>) dst(%dma_wait3A_15 : memref<640xf32, #tpu.memory_space<hbm>>)
      tpu.yield
    }) : () -> ()
    return
  }
}

#map = affine_map<(d0, d1) -> (0, 0)>
#map1 = affine_map<(d0, d1) -> (0, 0, 0)>
module attributes {stable_mosaic.version = 14 : i64} {
  func.func @_sc_aggregate(%arg0: i32, %arg1: i32, %arg2: memref<10240x128xf32, #tpu.memory_space<hbm>>, %arg3: memref<640x128xf32, #tpu.memory_space<hbm>>, %arg4: memref<32x80x128xi32, #tpu.memory_space<hbm>>, %arg5: memref<32x80x128xi32, #tpu.memory_space<hbm>>, %arg6: memref<2x10240x128xf32, #tpu.memory_space<hbm>>, %arg7: memref<10240x128xf32, #tpu.memory_space<vmem_shared>>, %arg8: memref<16x128xi32, #tpu.memory_space<vmem>>, %arg9: memref<16x128xi32, #tpu.memory_space<vmem>>, %arg10: memref<128x128xf32, #tpu.memory_space<vmem>>, %arg11: memref<128x128xf32, #tpu.memory_space<vmem>>, %arg12: memref<!tpu.dma_semaphore, #tpu.memory_space<semaphore_mem>>, %arg13: memref<!tpu.dma_semaphore, #tpu.memory_space<semaphore_mem>>, %arg14: memref<!tpu.dma_semaphore, #tpu.memory_space<semaphore_mem>>, %arg15: memref<!tpu.dma_semaphore, #tpu.memory_space<semaphore_mem>>) attributes {dimension_semantics = [#tpu.dimension_semantics<core_parallel>, #tpu.dimension_semantics<subcore_parallel>], iteration_bounds = array<i64: 2, 16>, scalar_prefetch = 0 : i64, scratch_operands = 9 : i64, tpu.core_type = #tpu.core_type<sc_vector_subcore>, window_params = [{transform_indices = #map}, {transform_indices = #map}, {transform_indices = #map1}, {transform_indices = #map1}, {transform_indices = #map1}]} {
    %mul3A = arith.constant 16 : i32
    %mul3A_0 = arith.muli %arg0, %mul3A : i32
    %add3A = arith.addi %mul3A_0, %arg1 : i32
    %mul3A_1 = arith.constant 640 : i32
    %mul3A_2 = arith.muli %arg1, %mul3A_1 : i32
    "tpu.region"() ({
      %run_scoped3A = tpu.sem_alloc : memref<!tpu.dma_semaphore, #tpu.memory_space<semaphore_mem>>
      %dma_start3A = arith.constant 0 : i32
      %dma_start3A_13 = tpu.memref_slice %arg7[%mul3A_2, %dma_start3A] : memref<10240x128xf32, #tpu.memory_space<vmem_shared>> -> memref<640x128xf32, #tpu.memory_space<vmem_shared>>
      tpu.enqueue_dma source(%arg3 : memref<640x128xf32, #tpu.memory_space<hbm>>) target(%dma_start3A_13 : memref<640x128xf32, #tpu.memory_space<vmem_shared>>) target_semaphore(%run_scoped3A : memref<!tpu.dma_semaphore, #tpu.memory_space<semaphore_mem>>)
      %dma_wait3A = arith.constant 0 : i32
      %dma_wait3A_14 = tpu.memref_slice %arg7[%mul3A_2, %dma_wait3A] : memref<10240x128xf32, #tpu.memory_space<vmem_shared>> -> memref<640x128xf32, #tpu.memory_space<vmem_shared>>
      tpu.wait_dma2 semaphore(%run_scoped3A : memref<!tpu.dma_semaphore, #tpu.memory_space<semaphore_mem>>) src(%arg3 : memref<640x128xf32, #tpu.memory_space<hbm>>) dst(%dma_wait3A_14 : memref<640x128xf32, #tpu.memory_space<vmem_shared>>)
      tpu.yield
    }) : () -> ()
    %barrier3A = arith.constant 0 : index
    tpu.barrier barrier_id(%barrier3A)
    %scan3A = arith.constant 0 : i32
    %scan3A_3 = arith.constant 0 : i32
    %scan3A_4 = arith.constant 5 : i32
    %scan3A_5 = arith.addi %scan3A_3, %scan3A_4 : i32
    %scan3A_6 = arith.constant 1 : i32
    scf.for %scan3A_13 = %scan3A_3 to %scan3A_5 step %scan3A_6  : i32 {
      %mul3A_14 = arith.constant 16 : i32
      %mul3A_15 = arith.muli %scan3A_13, %mul3A_14 : i32
      "tpu.region"() ({
        %run_scoped3A = tpu.sem_alloc : memref<!tpu.dma_semaphore, #tpu.memory_space<semaphore_mem>>
        %dma_start3A_36 = arith.constant 0 : i32
        %dma_start3A_37 = tpu.memref_slice %arg4[%add3A, %mul3A_15, %dma_start3A_36] : memref<32x80x128xi32, #tpu.memory_space<hbm>> -> memref<1x16x128xi32, #tpu.memory_space<hbm>>
        %dma_start3A_38 = tpu.memref_squeeze %dma_start3A_37 : memref<1x16x128xi32, #tpu.memory_space<hbm>> -> memref<16x128xi32, #tpu.memory_space<hbm>>
        %dma_start3A_39 = arith.constant 0 : i32
        %dma_start3A_40 = tpu.memref_slice %arg4[%add3A, %mul3A_15, %dma_start3A_39] : memref<32x80x128xi32, #tpu.memory_space<hbm>> -> memref<1x16x128xi32, #tpu.memory_space<hbm>>
        %dma_start3A_41 = tpu.memref_squeeze %dma_start3A_40 : memref<1x16x128xi32, #tpu.memory_space<hbm>> -> memref<16x128xi32, #tpu.memory_space<hbm>>
        tpu.enqueue_dma source(%dma_start3A_41 : memref<16x128xi32, #tpu.memory_space<hbm>>) target(%arg8 : memref<16x128xi32, #tpu.memory_space<vmem>>) target_semaphore(%run_scoped3A : memref<!tpu.dma_semaphore, #tpu.memory_space<semaphore_mem>>)
        %dma_wait3A_42 = arith.constant 0 : i32
        %dma_wait3A_43 = tpu.memref_slice %arg4[%add3A, %mul3A_15, %dma_wait3A_42] : memref<32x80x128xi32, #tpu.memory_space<hbm>> -> memref<1x16x128xi32, #tpu.memory_space<hbm>>
        %dma_wait3A_44 = tpu.memref_squeeze %dma_wait3A_43 : memref<1x16x128xi32, #tpu.memory_space<hbm>> -> memref<16x128xi32, #tpu.memory_space<hbm>>
        %dma_wait3A_45 = arith.constant 0 : i32
        %dma_wait3A_46 = tpu.memref_slice %arg4[%add3A, %mul3A_15, %dma_wait3A_45] : memref<32x80x128xi32, #tpu.memory_space<hbm>> -> memref<1x16x128xi32, #tpu.memory_space<hbm>>
        %dma_wait3A_47 = tpu.memref_squeeze %dma_wait3A_46 : memref<1x16x128xi32, #tpu.memory_space<hbm>> -> memref<16x128xi32, #tpu.memory_space<hbm>>
        tpu.wait_dma2 semaphore(%run_scoped3A : memref<!tpu.dma_semaphore, #tpu.memory_space<semaphore_mem>>) src(%dma_wait3A_47 : memref<16x128xi32, #tpu.memory_space<hbm>>) dst(%arg8 : memref<16x128xi32, #tpu.memory_space<vmem>>)
        tpu.yield
      }) : () -> ()
      %mul3A_16 = arith.constant 16 : i32
      %mul3A_17 = arith.muli %scan3A_13, %mul3A_16 : i32
      "tpu.region"() ({
        %run_scoped3A = tpu.sem_alloc : memref<!tpu.dma_semaphore, #tpu.memory_space<semaphore_mem>>
        %dma_start3A_36 = arith.constant 0 : i32
        %dma_start3A_37 = tpu.memref_slice %arg5[%add3A, %mul3A_17, %dma_start3A_36] : memref<32x80x128xi32, #tpu.memory_space<hbm>> -> memref<1x16x128xi32, #tpu.memory_space<hbm>>
        %dma_start3A_38 = tpu.memref_squeeze %dma_start3A_37 : memref<1x16x128xi32, #tpu.memory_space<hbm>> -> memref<16x128xi32, #tpu.memory_space<hbm>>
        %dma_start3A_39 = arith.constant 0 : i32
        %dma_start3A_40 = tpu.memref_slice %arg5[%add3A, %mul3A_17, %dma_start3A_39] : memref<32x80x128xi32, #tpu.memory_space<hbm>> -> memref<1x16x128xi32, #tpu.memory_space<hbm>>
        %dma_start3A_41 = tpu.memref_squeeze %dma_start3A_40 : memref<1x16x128xi32, #tpu.memory_space<hbm>> -> memref<16x128xi32, #tpu.memory_space<hbm>>
        tpu.enqueue_dma source(%dma_start3A_41 : memref<16x128xi32, #tpu.memory_space<hbm>>) target(%arg9 : memref<16x128xi32, #tpu.memory_space<vmem>>) target_semaphore(%run_scoped3A : memref<!tpu.dma_semaphore, #tpu.memory_space<semaphore_mem>>)
        %dma_wait3A_42 = arith.constant 0 : i32
        %dma_wait3A_43 = tpu.memref_slice %arg5[%add3A, %mul3A_17, %dma_wait3A_42] : memref<32x80x128xi32, #tpu.memory_space<hbm>> -> memref<1x16x128xi32, #tpu.memory_space<hbm>>
        %dma_wait3A_44 = tpu.memref_squeeze %dma_wait3A_43 : memref<1x16x128xi32, #tpu.memory_space<hbm>> -> memref<16x128xi32, #tpu.memory_space<hbm>>
        %dma_wait3A_45 = arith.constant 0 : i32
        %dma_wait3A_46 = tpu.memref_slice %arg5[%add3A, %mul3A_17, %dma_wait3A_45] : memref<32x80x128xi32, #tpu.memory_space<hbm>> -> memref<1x16x128xi32, #tpu.memory_space<hbm>>
        %dma_wait3A_47 = tpu.memref_squeeze %dma_wait3A_46 : memref<1x16x128xi32, #tpu.memory_space<hbm>> -> memref<16x128xi32, #tpu.memory_space<hbm>>
        tpu.wait_dma2 semaphore(%run_scoped3A : memref<!tpu.dma_semaphore, #tpu.memory_space<semaphore_mem>>) src(%dma_wait3A_47 : memref<16x128xi32, #tpu.memory_space<hbm>>) dst(%arg9 : memref<16x128xi32, #tpu.memory_space<vmem>>)
        tpu.yield
      }) : () -> ()
      %dma_start3A = arith.constant 0 : i32
      %dma_start3A_18 = arith.constant 0 : i32
      %dma_start3A_19 = tpu.memref_slice %arg8[%dma_start3A, %dma_start3A_18] : memref<16x128xi32, #tpu.memory_space<vmem>> -> memref<1x128xi32, #tpu.memory_space<vmem>>
      %dma_start3A_20 = tpu.memref_squeeze %dma_start3A_19 : memref<1x128xi32, #tpu.memory_space<vmem>> -> memref<128xi32, #tpu.memory_space<vmem>>
      %dma_start3A_21 = arith.constant 0 : i32
      %dma_start3A_22 = arith.constant 0 : i32
      %dma_start3A_23 = tpu.memref_slice %arg2[%dma_start3A_21, %dma_start3A_22] : memref<10240x128xf32, #tpu.memory_space<hbm>> -> memref<10240x128xf32, #tpu.memory_space<hbm>>
      tpu.enqueue_indirect_dma source(%dma_start3A_23 : memref<10240x128xf32, #tpu.memory_space<hbm>>) target(%arg10 : memref<128x128xf32, #tpu.memory_space<vmem>>) offsets(%dma_start3A_20 : memref<128xi32, #tpu.memory_space<vmem>>) semaphore(%arg12 : memref<!tpu.dma_semaphore, #tpu.memory_space<semaphore_mem>>)
      %scan3A_24 = arith.constant 0 : i32
      %scan3A_25 = arith.constant 0 : i32
      %scan3A_26 = arith.constant 8 : i32
      %scan3A_27 = arith.addi %scan3A_25, %scan3A_26 : i32
      %scan3A_28 = arith.constant 1 : i32
      scf.for %scan3A_36 = %scan3A_25 to %scan3A_27 step %scan3A_28  : i32 {
        %mul3A_37 = arith.constant 2 : i32
        %mul3A_38 = arith.muli %mul3A_37, %scan3A_36 : i32
        %mul3A_39 = arith.constant 2 : i32
        %mul3A_40 = arith.muli %mul3A_39, %scan3A_36 : i32
        %add3A_41 = arith.constant 1 : i32
        %add3A_42 = arith.addi %mul3A_40, %add3A_41 : i32
        %mul3A_43 = arith.constant 2 : i32
        %mul3A_44 = arith.muli %mul3A_43, %scan3A_36 : i32
        %add3A_45 = arith.constant 2 : i32
        %add3A_46 = arith.addi %mul3A_44, %add3A_45 : i32
        %min3A = arith.constant 15 : i32
        %min3A_47 = arith.minsi %add3A_46, %min3A : i32
        %dma_start3A_48 = arith.constant 0 : i32
        %dma_start3A_49 = tpu.memref_slice %arg8[%add3A_42, %dma_start3A_48] : memref<16x128xi32, #tpu.memory_space<vmem>> -> memref<1x128xi32, #tpu.memory_space<vmem>>
        %dma_start3A_50 = tpu.memref_squeeze %dma_start3A_49 : memref<1x128xi32, #tpu.memory_space<vmem>> -> memref<128xi32, #tpu.memory_space<vmem>>
        %dma_start3A_51 = arith.constant 0 : i32
        %dma_start3A_52 = arith.constant 0 : i32
        %dma_start3A_53 = tpu.memref_slice %arg2[%dma_start3A_51, %dma_start3A_52] : memref<10240x128xf32, #tpu.memory_space<hbm>> -> memref<10240x128xf32, #tpu.memory_space<hbm>>
        tpu.enqueue_indirect_dma source(%dma_start3A_53 : memref<10240x128xf32, #tpu.memory_space<hbm>>) target(%arg11 : memref<128x128xf32, #tpu.memory_space<vmem>>) offsets(%dma_start3A_50 : memref<128xi32, #tpu.memory_space<vmem>>) semaphore(%arg13 : memref<!tpu.dma_semaphore, #tpu.memory_space<semaphore_mem>>)
        %dma_wait3A_54 = arith.constant 0 : i32
        %dma_wait3A_55 = arith.constant 0 : i32
        %dma_wait3A_56 = tpu.memref_slice %arg8[%dma_wait3A_54, %dma_wait3A_55] : memref<16x128xi32, #tpu.memory_space<vmem>> -> memref<1x128xi32, #tpu.memory_space<vmem>>
        %dma_wait3A_57 = tpu.memref_squeeze %dma_wait3A_56 : memref<1x128xi32, #tpu.memory_space<vmem>> -> memref<128xi32, #tpu.memory_space<vmem>>
        %dma_wait3A_58 = arith.constant 0 : i32
        %dma_wait3A_59 = arith.constant 0 : i32
        %dma_wait3A_60 = tpu.memref_slice %arg2[%dma_wait3A_58, %dma_wait3A_59] : memref<10240x128xf32, #tpu.memory_space<hbm>> -> memref<10240x128xf32, #tpu.memory_space<hbm>>
        tpu.wait_indirect_dma semaphore(%arg12 : memref<!tpu.dma_semaphore, #tpu.memory_space<semaphore_mem>>) src(%dma_wait3A_60 : memref<10240x128xf32, #tpu.memory_space<hbm>>) dst(%arg10 : memref<128x128xf32, #tpu.memory_space<vmem>>)
        "tpu.region"() ({
          %run_scoped3A = tpu.sem_alloc : memref<!tpu.dma_semaphore, #tpu.memory_space<semaphore_mem>>
          %dma_start3A_74 = arith.constant 0 : i32
          %dma_start3A_75 = tpu.memref_slice %arg9[%mul3A_38, %dma_start3A_74] : memref<16x128xi32, #tpu.memory_space<vmem>> -> memref<1x128xi32, #tpu.memory_space<vmem>>
          %dma_start3A_76 = tpu.memref_squeeze %dma_start3A_75 : memref<1x128xi32, #tpu.memory_space<vmem>> -> memref<128xi32, #tpu.memory_space<vmem>>
          %dma_start3A_77 = arith.constant 0 : i32
          %dma_start3A_78 = arith.constant 0 : i32
          %dma_start3A_79 = tpu.memref_slice %arg7[%dma_start3A_77, %dma_start3A_78] : memref<10240x128xf32, #tpu.memory_space<vmem_shared>> -> memref<10240x128xf32, #tpu.memory_space<vmem_shared>>
          tpu.enqueue_indirect_dma source(%arg10 : memref<128x128xf32, #tpu.memory_space<vmem>>) target(%dma_start3A_79 : memref<10240x128xf32, #tpu.memory_space<vmem_shared>>) offsets(%dma_start3A_76 : memref<128xi32, #tpu.memory_space<vmem>>) semaphore(%run_scoped3A : memref<!tpu.dma_semaphore, #tpu.memory_space<semaphore_mem>>) {add = true}
          %dma_wait3A_80 = arith.constant 0 : i32
          %dma_wait3A_81 = tpu.memref_slice %arg9[%mul3A_38, %dma_wait3A_80] : memref<16x128xi32, #tpu.memory_space<vmem>> -> memref<1x128xi32, #tpu.memory_space<vmem>>
          %dma_wait3A_82 = tpu.memref_squeeze %dma_wait3A_81 : memref<1x128xi32, #tpu.memory_space<vmem>> -> memref<128xi32, #tpu.memory_space<vmem>>
          %dma_wait3A_83 = arith.constant 0 : i32
          %dma_wait3A_84 = arith.constant 0 : i32
          %dma_wait3A_85 = tpu.memref_slice %arg7[%dma_wait3A_83, %dma_wait3A_84] : memref<10240x128xf32, #tpu.memory_space<vmem_shared>> -> memref<10240x128xf32, #tpu.memory_space<vmem_shared>>
          tpu.wait_indirect_dma semaphore(%run_scoped3A : memref<!tpu.dma_semaphore, #tpu.memory_space<semaphore_mem>>) src(%arg10 : memref<128x128xf32, #tpu.memory_space<vmem>>) dst(%dma_wait3A_85 : memref<10240x128xf32, #tpu.memory_space<vmem_shared>>)
          tpu.yield
        }) : () -> ()
        %dma_start3A_61 = arith.constant 0 : i32
        %dma_start3A_62 = tpu.memref_slice %arg8[%min3A_47, %dma_start3A_61] : memref<16x128xi32, #tpu.memory_space<vmem>> -> memref<1x128xi32, #tpu.memory_space<vmem>>
        %dma_start3A_63 = tpu.memref_squeeze %dma_start3A_62 : memref<1x128xi32, #tpu.memory_space<vmem>> -> memref<128xi32, #tpu.memory_space<vmem>>
        %dma_start3A_64 = arith.constant 0 : i32
        %dma_start3A_65 = arith.constant 0 : i32
        %dma_start3A_66 = tpu.memref_slice %arg2[%dma_start3A_64, %dma_start3A_65] : memref<10240x128xf32, #tpu.memory_space<hbm>> -> memref<10240x128xf32, #tpu.memory_space<hbm>>
        tpu.enqueue_indirect_dma source(%dma_start3A_66 : memref<10240x128xf32, #tpu.memory_space<hbm>>) target(%arg10 : memref<128x128xf32, #tpu.memory_space<vmem>>) offsets(%dma_start3A_63 : memref<128xi32, #tpu.memory_space<vmem>>) semaphore(%arg12 : memref<!tpu.dma_semaphore, #tpu.memory_space<semaphore_mem>>)
        %dma_wait3A_67 = arith.constant 0 : i32
        %dma_wait3A_68 = arith.constant 0 : i32
        %dma_wait3A_69 = tpu.memref_slice %arg8[%dma_wait3A_67, %dma_wait3A_68] : memref<16x128xi32, #tpu.memory_space<vmem>> -> memref<1x128xi32, #tpu.memory_space<vmem>>
        %dma_wait3A_70 = tpu.memref_squeeze %dma_wait3A_69 : memref<1x128xi32, #tpu.memory_space<vmem>> -> memref<128xi32, #tpu.memory_space<vmem>>
        %dma_wait3A_71 = arith.constant 0 : i32
        %dma_wait3A_72 = arith.constant 0 : i32
        %dma_wait3A_73 = tpu.memref_slice %arg2[%dma_wait3A_71, %dma_wait3A_72] : memref<10240x128xf32, #tpu.memory_space<hbm>> -> memref<10240x128xf32, #tpu.memory_space<hbm>>
        tpu.wait_indirect_dma semaphore(%arg13 : memref<!tpu.dma_semaphore, #tpu.memory_space<semaphore_mem>>) src(%dma_wait3A_73 : memref<10240x128xf32, #tpu.memory_space<hbm>>) dst(%arg11 : memref<128x128xf32, #tpu.memory_space<vmem>>)
        "tpu.region"() ({
          %run_scoped3A = tpu.sem_alloc : memref<!tpu.dma_semaphore, #tpu.memory_space<semaphore_mem>>
          %dma_start3A_74 = arith.constant 0 : i32
          %dma_start3A_75 = tpu.memref_slice %arg9[%add3A_42, %dma_start3A_74] : memref<16x128xi32, #tpu.memory_space<vmem>> -> memref<1x128xi32, #tpu.memory_space<vmem>>
          %dma_start3A_76 = tpu.memref_squeeze %dma_start3A_75 : memref<1x128xi32, #tpu.memory_space<vmem>> -> memref<128xi32, #tpu.memory_space<vmem>>
          %dma_start3A_77 = arith.constant 0 : i32
          %dma_start3A_78 = arith.constant 0 : i32
          %dma_start3A_79 = tpu.memref_slice %arg7[%dma_start3A_77, %dma_start3A_78] : memref<10240x128xf32, #tpu.memory_space<vmem_shared>> -> memref<10240x128xf32, #tpu.memory_space<vmem_shared>>
          tpu.enqueue_indirect_dma source(%arg11 : memref<128x128xf32, #tpu.memory_space<vmem>>) target(%dma_start3A_79 : memref<10240x128xf32, #tpu.memory_space<vmem_shared>>) offsets(%dma_start3A_76 : memref<128xi32, #tpu.memory_space<vmem>>) semaphore(%run_scoped3A : memref<!tpu.dma_semaphore, #tpu.memory_space<semaphore_mem>>) {add = true}
          %dma_wait3A_80 = arith.constant 0 : i32
          %dma_wait3A_81 = tpu.memref_slice %arg9[%add3A_42, %dma_wait3A_80] : memref<16x128xi32, #tpu.memory_space<vmem>> -> memref<1x128xi32, #tpu.memory_space<vmem>>
          %dma_wait3A_82 = tpu.memref_squeeze %dma_wait3A_81 : memref<1x128xi32, #tpu.memory_space<vmem>> -> memref<128xi32, #tpu.memory_space<vmem>>
          %dma_wait3A_83 = arith.constant 0 : i32
          %dma_wait3A_84 = arith.constant 0 : i32
          %dma_wait3A_85 = tpu.memref_slice %arg7[%dma_wait3A_83, %dma_wait3A_84] : memref<10240x128xf32, #tpu.memory_space<vmem_shared>> -> memref<10240x128xf32, #tpu.memory_space<vmem_shared>>
          tpu.wait_indirect_dma semaphore(%run_scoped3A : memref<!tpu.dma_semaphore, #tpu.memory_space<semaphore_mem>>) src(%arg11 : memref<128x128xf32, #tpu.memory_space<vmem>>) dst(%dma_wait3A_85 : memref<10240x128xf32, #tpu.memory_space<vmem_shared>>)
          tpu.yield
        }) : () -> ()
      }
      %scan3A_29 = arith.constant 8 : i32
      %dma_wait3A = arith.constant 0 : i32
      %dma_wait3A_30 = arith.constant 0 : i32
      %dma_wait3A_31 = tpu.memref_slice %arg8[%dma_wait3A, %dma_wait3A_30] : memref<16x128xi32, #tpu.memory_space<vmem>> -> memref<1x128xi32, #tpu.memory_space<vmem>>
      %dma_wait3A_32 = tpu.memref_squeeze %dma_wait3A_31 : memref<1x128xi32, #tpu.memory_space<vmem>> -> memref<128xi32, #tpu.memory_space<vmem>>
      %dma_wait3A_33 = arith.constant 0 : i32
      %dma_wait3A_34 = arith.constant 0 : i32
      %dma_wait3A_35 = tpu.memref_slice %arg2[%dma_wait3A_33, %dma_wait3A_34] : memref<10240x128xf32, #tpu.memory_space<hbm>> -> memref<10240x128xf32, #tpu.memory_space<hbm>>
      tpu.wait_indirect_dma semaphore(%arg12 : memref<!tpu.dma_semaphore, #tpu.memory_space<semaphore_mem>>) src(%dma_wait3A_35 : memref<10240x128xf32, #tpu.memory_space<hbm>>) dst(%arg10 : memref<128x128xf32, #tpu.memory_space<vmem>>)
    }
    %scan3A_7 = arith.constant 5 : i32
    %barrier3A_8 = arith.constant 0 : index
    tpu.barrier barrier_id(%barrier3A_8)
    %mul3A_9 = arith.constant 640 : i32
    %mul3A_10 = arith.muli %arg1, %mul3A_9 : i32
    %mul3A_11 = arith.constant 640 : i32
    %mul3A_12 = arith.muli %arg1, %mul3A_11 : i32
    "tpu.region"() ({
      %run_scoped3A = tpu.sem_alloc : memref<!tpu.dma_semaphore, #tpu.memory_space<semaphore_mem>>
      %dma_start3A = arith.constant 0 : i32
      %dma_start3A_13 = tpu.memref_slice %arg6[%arg0, %mul3A_12, %dma_start3A] : memref<2x10240x128xf32, #tpu.memory_space<hbm>> -> memref<1x640x128xf32, #tpu.memory_space<hbm>>
      %dma_start3A_14 = tpu.memref_squeeze %dma_start3A_13 : memref<1x640x128xf32, #tpu.memory_space<hbm>> -> memref<640x128xf32, #tpu.memory_space<hbm>>
      %dma_start3A_15 = arith.constant 0 : i32
      %dma_start3A_16 = tpu.memref_slice %arg7[%mul3A_10, %dma_start3A_15] : memref<10240x128xf32, #tpu.memory_space<vmem_shared>> -> memref<640x128xf32, #tpu.memory_space<vmem_shared>>
      tpu.enqueue_dma source(%dma_start3A_16 : memref<640x128xf32, #tpu.memory_space<vmem_shared>>) target(%dma_start3A_14 : memref<640x128xf32, #tpu.memory_space<hbm>>) target_semaphore(%run_scoped3A : memref<!tpu.dma_semaphore, #tpu.memory_space<semaphore_mem>>)
      %dma_wait3A = arith.constant 0 : i32
      %dma_wait3A_17 = tpu.memref_slice %arg6[%arg0, %mul3A_12, %dma_wait3A] : memref<2x10240x128xf32, #tpu.memory_space<hbm>> -> memref<1x640x128xf32, #tpu.memory_space<hbm>>
      %dma_wait3A_18 = tpu.memref_squeeze %dma_wait3A_17 : memref<1x640x128xf32, #tpu.memory_space<hbm>> -> memref<640x128xf32, #tpu.memory_space<hbm>>
      %dma_wait3A_19 = arith.constant 0 : i32
      %dma_wait3A_20 = tpu.memref_slice %arg7[%mul3A_10, %dma_wait3A_19] : memref<10240x128xf32, #tpu.memory_space<vmem_shared>> -> memref<640x128xf32, #tpu.memory_space<vmem_shared>>
      tpu.wait_dma2 semaphore(%run_scoped3A : memref<!tpu.dma_semaphore, #tpu.memory_space<semaphore_mem>>) src(%dma_wait3A_20 : memref<640x128xf32, #tpu.memory_space<vmem_shared>>) dst(%dma_wait3A_18 : memref<640x128xf32, #tpu.memory_space<hbm>>)
      tpu.yield
    }) : () -> ()
    return
  }
}

#map = affine_map<(d0, d1) -> (0, 0)>
#map1 = affine_map<(d0, d1) -> (0, 0, 0)>
module attributes {stable_mosaic.version = 14 : i64} {
  func.func @_sc_aggregate(%arg0: i32, %arg1: i32, %arg2: memref<10240x128xf32, #tpu.memory_space<hbm>>, %arg3: memref<640x128xf32, #tpu.memory_space<hbm>>, %arg4: memref<32x80x128xi32, #tpu.memory_space<hbm>>, %arg5: memref<32x80x128xi32, #tpu.memory_space<hbm>>, %arg6: memref<2x10240x128xf32, #tpu.memory_space<hbm>>, %arg7: memref<10240x128xf32, #tpu.memory_space<vmem_shared>>, %arg8: memref<16x128xi32, #tpu.memory_space<vmem>>, %arg9: memref<16x128xi32, #tpu.memory_space<vmem>>, %arg10: memref<128x128xf32, #tpu.memory_space<vmem>>, %arg11: memref<128x128xf32, #tpu.memory_space<vmem>>, %arg12: memref<!tpu.dma_semaphore, #tpu.memory_space<semaphore_mem>>, %arg13: memref<!tpu.dma_semaphore, #tpu.memory_space<semaphore_mem>>, %arg14: memref<!tpu.dma_semaphore, #tpu.memory_space<semaphore_mem>>, %arg15: memref<!tpu.dma_semaphore, #tpu.memory_space<semaphore_mem>>) attributes {dimension_semantics = [#tpu.dimension_semantics<core_parallel>, #tpu.dimension_semantics<subcore_parallel>], iteration_bounds = array<i64: 2, 16>, scalar_prefetch = 0 : i64, scratch_operands = 9 : i64, tpu.core_type = #tpu.core_type<sc_vector_subcore>, window_params = [{transform_indices = #map}, {transform_indices = #map}, {transform_indices = #map1}, {transform_indices = #map1}, {transform_indices = #map1}]} {
    %mul3A = arith.constant 16 : i32
    %mul3A_0 = arith.muli %arg0, %mul3A : i32
    %add3A = arith.addi %mul3A_0, %arg1 : i32
    %mul3A_1 = arith.constant 640 : i32
    %mul3A_2 = arith.muli %arg1, %mul3A_1 : i32
    "tpu.region"() ({
      %run_scoped3A = tpu.sem_alloc : memref<!tpu.dma_semaphore, #tpu.memory_space<semaphore_mem>>
      %dma_start3A = arith.constant 0 : i32
      %dma_start3A_13 = tpu.memref_slice %arg7[%mul3A_2, %dma_start3A] : memref<10240x128xf32, #tpu.memory_space<vmem_shared>> -> memref<640x128xf32, #tpu.memory_space<vmem_shared>>
      tpu.enqueue_dma source(%arg3 : memref<640x128xf32, #tpu.memory_space<hbm>>) target(%dma_start3A_13 : memref<640x128xf32, #tpu.memory_space<vmem_shared>>) target_semaphore(%run_scoped3A : memref<!tpu.dma_semaphore, #tpu.memory_space<semaphore_mem>>)
      %dma_wait3A = arith.constant 0 : i32
      %dma_wait3A_14 = tpu.memref_slice %arg7[%mul3A_2, %dma_wait3A] : memref<10240x128xf32, #tpu.memory_space<vmem_shared>> -> memref<640x128xf32, #tpu.memory_space<vmem_shared>>
      tpu.wait_dma2 semaphore(%run_scoped3A : memref<!tpu.dma_semaphore, #tpu.memory_space<semaphore_mem>>) src(%arg3 : memref<640x128xf32, #tpu.memory_space<hbm>>) dst(%dma_wait3A_14 : memref<640x128xf32, #tpu.memory_space<vmem_shared>>)
      tpu.yield
    }) : () -> ()
    %barrier3A = arith.constant 0 : index
    tpu.barrier barrier_id(%barrier3A)
    %scan3A = arith.constant 0 : i32
    %scan3A_3 = arith.constant 0 : i32
    %scan3A_4 = arith.constant 5 : i32
    %scan3A_5 = arith.addi %scan3A_3, %scan3A_4 : i32
    %scan3A_6 = arith.constant 1 : i32
    scf.for %scan3A_13 = %scan3A_3 to %scan3A_5 step %scan3A_6  : i32 {
      %mul3A_14 = arith.constant 16 : i32
      %mul3A_15 = arith.muli %scan3A_13, %mul3A_14 : i32
      "tpu.region"() ({
        %run_scoped3A = tpu.sem_alloc : memref<!tpu.dma_semaphore, #tpu.memory_space<semaphore_mem>>
        %dma_start3A_36 = arith.constant 0 : i32
        %dma_start3A_37 = tpu.memref_slice %arg4[%add3A, %mul3A_15, %dma_start3A_36] : memref<32x80x128xi32, #tpu.memory_space<hbm>> -> memref<1x16x128xi32, #tpu.memory_space<hbm>>
        %dma_start3A_38 = tpu.memref_squeeze %dma_start3A_37 : memref<1x16x128xi32, #tpu.memory_space<hbm>> -> memref<16x128xi32, #tpu.memory_space<hbm>>
        %dma_start3A_39 = arith.constant 0 : i32
        %dma_start3A_40 = tpu.memref_slice %arg4[%add3A, %mul3A_15, %dma_start3A_39] : memref<32x80x128xi32, #tpu.memory_space<hbm>> -> memref<1x16x128xi32, #tpu.memory_space<hbm>>
        %dma_start3A_41 = tpu.memref_squeeze %dma_start3A_40 : memref<1x16x128xi32, #tpu.memory_space<hbm>> -> memref<16x128xi32, #tpu.memory_space<hbm>>
        tpu.enqueue_dma source(%dma_start3A_41 : memref<16x128xi32, #tpu.memory_space<hbm>>) target(%arg8 : memref<16x128xi32, #tpu.memory_space<vmem>>) target_semaphore(%run_scoped3A : memref<!tpu.dma_semaphore, #tpu.memory_space<semaphore_mem>>)
        %dma_wait3A_42 = arith.constant 0 : i32
        %dma_wait3A_43 = tpu.memref_slice %arg4[%add3A, %mul3A_15, %dma_wait3A_42] : memref<32x80x128xi32, #tpu.memory_space<hbm>> -> memref<1x16x128xi32, #tpu.memory_space<hbm>>
        %dma_wait3A_44 = tpu.memref_squeeze %dma_wait3A_43 : memref<1x16x128xi32, #tpu.memory_space<hbm>> -> memref<16x128xi32, #tpu.memory_space<hbm>>
        %dma_wait3A_45 = arith.constant 0 : i32
        %dma_wait3A_46 = tpu.memref_slice %arg4[%add3A, %mul3A_15, %dma_wait3A_45] : memref<32x80x128xi32, #tpu.memory_space<hbm>> -> memref<1x16x128xi32, #tpu.memory_space<hbm>>
        %dma_wait3A_47 = tpu.memref_squeeze %dma_wait3A_46 : memref<1x16x128xi32, #tpu.memory_space<hbm>> -> memref<16x128xi32, #tpu.memory_space<hbm>>
        tpu.wait_dma2 semaphore(%run_scoped3A : memref<!tpu.dma_semaphore, #tpu.memory_space<semaphore_mem>>) src(%dma_wait3A_47 : memref<16x128xi32, #tpu.memory_space<hbm>>) dst(%arg8 : memref<16x128xi32, #tpu.memory_space<vmem>>)
        tpu.yield
      }) : () -> ()
      %mul3A_16 = arith.constant 16 : i32
      %mul3A_17 = arith.muli %scan3A_13, %mul3A_16 : i32
      "tpu.region"() ({
        %run_scoped3A = tpu.sem_alloc : memref<!tpu.dma_semaphore, #tpu.memory_space<semaphore_mem>>
        %dma_start3A_36 = arith.constant 0 : i32
        %dma_start3A_37 = tpu.memref_slice %arg5[%add3A, %mul3A_17, %dma_start3A_36] : memref<32x80x128xi32, #tpu.memory_space<hbm>> -> memref<1x16x128xi32, #tpu.memory_space<hbm>>
        %dma_start3A_38 = tpu.memref_squeeze %dma_start3A_37 : memref<1x16x128xi32, #tpu.memory_space<hbm>> -> memref<16x128xi32, #tpu.memory_space<hbm>>
        %dma_start3A_39 = arith.constant 0 : i32
        %dma_start3A_40 = tpu.memref_slice %arg5[%add3A, %mul3A_17, %dma_start3A_39] : memref<32x80x128xi32, #tpu.memory_space<hbm>> -> memref<1x16x128xi32, #tpu.memory_space<hbm>>
        %dma_start3A_41 = tpu.memref_squeeze %dma_start3A_40 : memref<1x16x128xi32, #tpu.memory_space<hbm>> -> memref<16x128xi32, #tpu.memory_space<hbm>>
        tpu.enqueue_dma source(%dma_start3A_41 : memref<16x128xi32, #tpu.memory_space<hbm>>) target(%arg9 : memref<16x128xi32, #tpu.memory_space<vmem>>) target_semaphore(%run_scoped3A : memref<!tpu.dma_semaphore, #tpu.memory_space<semaphore_mem>>)
        %dma_wait3A_42 = arith.constant 0 : i32
        %dma_wait3A_43 = tpu.memref_slice %arg5[%add3A, %mul3A_17, %dma_wait3A_42] : memref<32x80x128xi32, #tpu.memory_space<hbm>> -> memref<1x16x128xi32, #tpu.memory_space<hbm>>
        %dma_wait3A_44 = tpu.memref_squeeze %dma_wait3A_43 : memref<1x16x128xi32, #tpu.memory_space<hbm>> -> memref<16x128xi32, #tpu.memory_space<hbm>>
        %dma_wait3A_45 = arith.constant 0 : i32
        %dma_wait3A_46 = tpu.memref_slice %arg5[%add3A, %mul3A_17, %dma_wait3A_45] : memref<32x80x128xi32, #tpu.memory_space<hbm>> -> memref<1x16x128xi32, #tpu.memory_space<hbm>>
        %dma_wait3A_47 = tpu.memref_squeeze %dma_wait3A_46 : memref<1x16x128xi32, #tpu.memory_space<hbm>> -> memref<16x128xi32, #tpu.memory_space<hbm>>
        tpu.wait_dma2 semaphore(%run_scoped3A : memref<!tpu.dma_semaphore, #tpu.memory_space<semaphore_mem>>) src(%dma_wait3A_47 : memref<16x128xi32, #tpu.memory_space<hbm>>) dst(%arg9 : memref<16x128xi32, #tpu.memory_space<vmem>>)
        tpu.yield
      }) : () -> ()
      %dma_start3A = arith.constant 0 : i32
      %dma_start3A_18 = arith.constant 0 : i32
      %dma_start3A_19 = tpu.memref_slice %arg8[%dma_start3A, %dma_start3A_18] : memref<16x128xi32, #tpu.memory_space<vmem>> -> memref<1x128xi32, #tpu.memory_space<vmem>>
      %dma_start3A_20 = tpu.memref_squeeze %dma_start3A_19 : memref<1x128xi32, #tpu.memory_space<vmem>> -> memref<128xi32, #tpu.memory_space<vmem>>
      %dma_start3A_21 = arith.constant 0 : i32
      %dma_start3A_22 = arith.constant 0 : i32
      %dma_start3A_23 = tpu.memref_slice %arg2[%dma_start3A_21, %dma_start3A_22] : memref<10240x128xf32, #tpu.memory_space<hbm>> -> memref<10240x128xf32, #tpu.memory_space<hbm>>
      tpu.enqueue_indirect_dma source(%dma_start3A_23 : memref<10240x128xf32, #tpu.memory_space<hbm>>) target(%arg10 : memref<128x128xf32, #tpu.memory_space<vmem>>) offsets(%dma_start3A_20 : memref<128xi32, #tpu.memory_space<vmem>>) semaphore(%arg12 : memref<!tpu.dma_semaphore, #tpu.memory_space<semaphore_mem>>)
      %scan3A_24 = arith.constant 0 : i32
      %scan3A_25 = arith.constant 0 : i32
      %scan3A_26 = arith.constant 8 : i32
      %scan3A_27 = arith.addi %scan3A_25, %scan3A_26 : i32
      %scan3A_28 = arith.constant 1 : i32
      scf.for %scan3A_36 = %scan3A_25 to %scan3A_27 step %scan3A_28  : i32 {
        %mul3A_37 = arith.constant 2 : i32
        %mul3A_38 = arith.muli %mul3A_37, %scan3A_36 : i32
        %mul3A_39 = arith.constant 2 : i32
        %mul3A_40 = arith.muli %mul3A_39, %scan3A_36 : i32
        %add3A_41 = arith.constant 1 : i32
        %add3A_42 = arith.addi %mul3A_40, %add3A_41 : i32
        %mul3A_43 = arith.constant 2 : i32
        %mul3A_44 = arith.muli %mul3A_43, %scan3A_36 : i32
        %add3A_45 = arith.constant 2 : i32
        %add3A_46 = arith.addi %mul3A_44, %add3A_45 : i32
        %min3A = arith.constant 15 : i32
        %min3A_47 = arith.minsi %add3A_46, %min3A : i32
        %dma_start3A_48 = arith.constant 0 : i32
        %dma_start3A_49 = tpu.memref_slice %arg8[%add3A_42, %dma_start3A_48] : memref<16x128xi32, #tpu.memory_space<vmem>> -> memref<1x128xi32, #tpu.memory_space<vmem>>
        %dma_start3A_50 = tpu.memref_squeeze %dma_start3A_49 : memref<1x128xi32, #tpu.memory_space<vmem>> -> memref<128xi32, #tpu.memory_space<vmem>>
        %dma_start3A_51 = arith.constant 0 : i32
        %dma_start3A_52 = arith.constant 0 : i32
        %dma_start3A_53 = tpu.memref_slice %arg2[%dma_start3A_51, %dma_start3A_52] : memref<10240x128xf32, #tpu.memory_space<hbm>> -> memref<10240x128xf32, #tpu.memory_space<hbm>>
        tpu.enqueue_indirect_dma source(%dma_start3A_53 : memref<10240x128xf32, #tpu.memory_space<hbm>>) target(%arg11 : memref<128x128xf32, #tpu.memory_space<vmem>>) offsets(%dma_start3A_50 : memref<128xi32, #tpu.memory_space<vmem>>) semaphore(%arg13 : memref<!tpu.dma_semaphore, #tpu.memory_space<semaphore_mem>>)
        %dma_wait3A_54 = arith.constant 0 : i32
        %dma_wait3A_55 = arith.constant 0 : i32
        %dma_wait3A_56 = tpu.memref_slice %arg8[%dma_wait3A_54, %dma_wait3A_55] : memref<16x128xi32, #tpu.memory_space<vmem>> -> memref<1x128xi32, #tpu.memory_space<vmem>>
        %dma_wait3A_57 = tpu.memref_squeeze %dma_wait3A_56 : memref<1x128xi32, #tpu.memory_space<vmem>> -> memref<128xi32, #tpu.memory_space<vmem>>
        %dma_wait3A_58 = arith.constant 0 : i32
        %dma_wait3A_59 = arith.constant 0 : i32
        %dma_wait3A_60 = tpu.memref_slice %arg2[%dma_wait3A_58, %dma_wait3A_59] : memref<10240x128xf32, #tpu.memory_space<hbm>> -> memref<10240x128xf32, #tpu.memory_space<hbm>>
        tpu.wait_indirect_dma semaphore(%arg12 : memref<!tpu.dma_semaphore, #tpu.memory_space<semaphore_mem>>) src(%dma_wait3A_60 : memref<10240x128xf32, #tpu.memory_space<hbm>>) dst(%arg10 : memref<128x128xf32, #tpu.memory_space<vmem>>)
        "tpu.region"() ({
          %run_scoped3A = tpu.sem_alloc : memref<!tpu.dma_semaphore, #tpu.memory_space<semaphore_mem>>
          %dma_start3A_74 = arith.constant 0 : i32
          %dma_start3A_75 = tpu.memref_slice %arg9[%mul3A_38, %dma_start3A_74] : memref<16x128xi32, #tpu.memory_space<vmem>> -> memref<1x128xi32, #tpu.memory_space<vmem>>
          %dma_start3A_76 = tpu.memref_squeeze %dma_start3A_75 : memref<1x128xi32, #tpu.memory_space<vmem>> -> memref<128xi32, #tpu.memory_space<vmem>>
          %dma_start3A_77 = arith.constant 0 : i32
          %dma_start3A_78 = arith.constant 0 : i32
          %dma_start3A_79 = tpu.memref_slice %arg7[%dma_start3A_77, %dma_start3A_78] : memref<10240x128xf32, #tpu.memory_space<vmem_shared>> -> memref<10240x128xf32, #tpu.memory_space<vmem_shared>>
          tpu.enqueue_indirect_dma source(%arg10 : memref<128x128xf32, #tpu.memory_space<vmem>>) target(%dma_start3A_79 : memref<10240x128xf32, #tpu.memory_space<vmem_shared>>) offsets(%dma_start3A_76 : memref<128xi32, #tpu.memory_space<vmem>>) semaphore(%run_scoped3A : memref<!tpu.dma_semaphore, #tpu.memory_space<semaphore_mem>>) {add = true}
          %dma_wait3A_80 = arith.constant 0 : i32
          %dma_wait3A_81 = tpu.memref_slice %arg9[%mul3A_38, %dma_wait3A_80] : memref<16x128xi32, #tpu.memory_space<vmem>> -> memref<1x128xi32, #tpu.memory_space<vmem>>
          %dma_wait3A_82 = tpu.memref_squeeze %dma_wait3A_81 : memref<1x128xi32, #tpu.memory_space<vmem>> -> memref<128xi32, #tpu.memory_space<vmem>>
          %dma_wait3A_83 = arith.constant 0 : i32
          %dma_wait3A_84 = arith.constant 0 : i32
          %dma_wait3A_85 = tpu.memref_slice %arg7[%dma_wait3A_83, %dma_wait3A_84] : memref<10240x128xf32, #tpu.memory_space<vmem_shared>> -> memref<10240x128xf32, #tpu.memory_space<vmem_shared>>
          tpu.wait_indirect_dma semaphore(%run_scoped3A : memref<!tpu.dma_semaphore, #tpu.memory_space<semaphore_mem>>) src(%arg10 : memref<128x128xf32, #tpu.memory_space<vmem>>) dst(%dma_wait3A_85 : memref<10240x128xf32, #tpu.memory_space<vmem_shared>>)
          tpu.yield
        }) : () -> ()
        %dma_start3A_61 = arith.constant 0 : i32
        %dma_start3A_62 = tpu.memref_slice %arg8[%min3A_47, %dma_start3A_61] : memref<16x128xi32, #tpu.memory_space<vmem>> -> memref<1x128xi32, #tpu.memory_space<vmem>>
        %dma_start3A_63 = tpu.memref_squeeze %dma_start3A_62 : memref<1x128xi32, #tpu.memory_space<vmem>> -> memref<128xi32, #tpu.memory_space<vmem>>
        %dma_start3A_64 = arith.constant 0 : i32
        %dma_start3A_65 = arith.constant 0 : i32
        %dma_start3A_66 = tpu.memref_slice %arg2[%dma_start3A_64, %dma_start3A_65] : memref<10240x128xf32, #tpu.memory_space<hbm>> -> memref<10240x128xf32, #tpu.memory_space<hbm>>
        tpu.enqueue_indirect_dma source(%dma_start3A_66 : memref<10240x128xf32, #tpu.memory_space<hbm>>) target(%arg10 : memref<128x128xf32, #tpu.memory_space<vmem>>) offsets(%dma_start3A_63 : memref<128xi32, #tpu.memory_space<vmem>>) semaphore(%arg12 : memref<!tpu.dma_semaphore, #tpu.memory_space<semaphore_mem>>)
        %dma_wait3A_67 = arith.constant 0 : i32
        %dma_wait3A_68 = arith.constant 0 : i32
        %dma_wait3A_69 = tpu.memref_slice %arg8[%dma_wait3A_67, %dma_wait3A_68] : memref<16x128xi32, #tpu.memory_space<vmem>> -> memref<1x128xi32, #tpu.memory_space<vmem>>
        %dma_wait3A_70 = tpu.memref_squeeze %dma_wait3A_69 : memref<1x128xi32, #tpu.memory_space<vmem>> -> memref<128xi32, #tpu.memory_space<vmem>>
        %dma_wait3A_71 = arith.constant 0 : i32
        %dma_wait3A_72 = arith.constant 0 : i32
        %dma_wait3A_73 = tpu.memref_slice %arg2[%dma_wait3A_71, %dma_wait3A_72] : memref<10240x128xf32, #tpu.memory_space<hbm>> -> memref<10240x128xf32, #tpu.memory_space<hbm>>
        tpu.wait_indirect_dma semaphore(%arg13 : memref<!tpu.dma_semaphore, #tpu.memory_space<semaphore_mem>>) src(%dma_wait3A_73 : memref<10240x128xf32, #tpu.memory_space<hbm>>) dst(%arg11 : memref<128x128xf32, #tpu.memory_space<vmem>>)
        "tpu.region"() ({
          %run_scoped3A = tpu.sem_alloc : memref<!tpu.dma_semaphore, #tpu.memory_space<semaphore_mem>>
          %dma_start3A_74 = arith.constant 0 : i32
          %dma_start3A_75 = tpu.memref_slice %arg9[%add3A_42, %dma_start3A_74] : memref<16x128xi32, #tpu.memory_space<vmem>> -> memref<1x128xi32, #tpu.memory_space<vmem>>
          %dma_start3A_76 = tpu.memref_squeeze %dma_start3A_75 : memref<1x128xi32, #tpu.memory_space<vmem>> -> memref<128xi32, #tpu.memory_space<vmem>>
          %dma_start3A_77 = arith.constant 0 : i32
          %dma_start3A_78 = arith.constant 0 : i32
          %dma_start3A_79 = tpu.memref_slice %arg7[%dma_start3A_77, %dma_start3A_78] : memref<10240x128xf32, #tpu.memory_space<vmem_shared>> -> memref<10240x128xf32, #tpu.memory_space<vmem_shared>>
          tpu.enqueue_indirect_dma source(%arg11 : memref<128x128xf32, #tpu.memory_space<vmem>>) target(%dma_start3A_79 : memref<10240x128xf32, #tpu.memory_space<vmem_shared>>) offsets(%dma_start3A_76 : memref<128xi32, #tpu.memory_space<vmem>>) semaphore(%run_scoped3A : memref<!tpu.dma_semaphore, #tpu.memory_space<semaphore_mem>>) {add = true}
          %dma_wait3A_80 = arith.constant 0 : i32
          %dma_wait3A_81 = tpu.memref_slice %arg9[%add3A_42, %dma_wait3A_80] : memref<16x128xi32, #tpu.memory_space<vmem>> -> memref<1x128xi32, #tpu.memory_space<vmem>>
          %dma_wait3A_82 = tpu.memref_squeeze %dma_wait3A_81 : memref<1x128xi32, #tpu.memory_space<vmem>> -> memref<128xi32, #tpu.memory_space<vmem>>
          %dma_wait3A_83 = arith.constant 0 : i32
          %dma_wait3A_84 = arith.constant 0 : i32
          %dma_wait3A_85 = tpu.memref_slice %arg7[%dma_wait3A_83, %dma_wait3A_84] : memref<10240x128xf32, #tpu.memory_space<vmem_shared>> -> memref<10240x128xf32, #tpu.memory_space<vmem_shared>>
          tpu.wait_indirect_dma semaphore(%run_scoped3A : memref<!tpu.dma_semaphore, #tpu.memory_space<semaphore_mem>>) src(%arg11 : memref<128x128xf32, #tpu.memory_space<vmem>>) dst(%dma_wait3A_85 : memref<10240x128xf32, #tpu.memory_space<vmem_shared>>)
          tpu.yield
        }) : () -> ()
      }
      %scan3A_29 = arith.constant 8 : i32
      %dma_wait3A = arith.constant 0 : i32
      %dma_wait3A_30 = arith.constant 0 : i32
      %dma_wait3A_31 = tpu.memref_slice %arg8[%dma_wait3A, %dma_wait3A_30] : memref<16x128xi32, #tpu.memory_space<vmem>> -> memref<1x128xi32, #tpu.memory_space<vmem>>
      %dma_wait3A_32 = tpu.memref_squeeze %dma_wait3A_31 : memref<1x128xi32, #tpu.memory_space<vmem>> -> memref<128xi32, #tpu.memory_space<vmem>>
      %dma_wait3A_33 = arith.constant 0 : i32
      %dma_wait3A_34 = arith.constant 0 : i32
      %dma_wait3A_35 = tpu.memref_slice %arg2[%dma_wait3A_33, %dma_wait3A_34] : memref<10240x128xf32, #tpu.memory_space<hbm>> -> memref<10240x128xf32, #tpu.memory_space<hbm>>
      tpu.wait_indirect_dma semaphore(%arg12 : memref<!tpu.dma_semaphore, #tpu.memory_space<semaphore_mem>>) src(%dma_wait3A_35 : memref<10240x128xf32, #tpu.memory_space<hbm>>) dst(%arg10 : memref<128x128xf32, #tpu.memory_space<vmem>>)
    }
    %scan3A_7 = arith.constant 5 : i32
    %barrier3A_8 = arith.constant 0 : index
    tpu.barrier barrier_id(%barrier3A_8)
    %mul3A_9 = arith.constant 640 : i32
    %mul3A_10 = arith.muli %arg1, %mul3A_9 : i32
    %mul3A_11 = arith.constant 640 : i32
    %mul3A_12 = arith.muli %arg1, %mul3A_11 : i32
    "tpu.region"() ({
      %run_scoped3A = tpu.sem_alloc : memref<!tpu.dma_semaphore, #tpu.memory_space<semaphore_mem>>
      %dma_start3A = arith.constant 0 : i32
      %dma_start3A_13 = tpu.memref_slice %arg6[%arg0, %mul3A_12, %dma_start3A] : memref<2x10240x128xf32, #tpu.memory_space<hbm>> -> memref<1x640x128xf32, #tpu.memory_space<hbm>>
      %dma_start3A_14 = tpu.memref_squeeze %dma_start3A_13 : memref<1x640x128xf32, #tpu.memory_space<hbm>> -> memref<640x128xf32, #tpu.memory_space<hbm>>
      %dma_start3A_15 = arith.constant 0 : i32
      %dma_start3A_16 = tpu.memref_slice %arg7[%mul3A_10, %dma_start3A_15] : memref<10240x128xf32, #tpu.memory_space<vmem_shared>> -> memref<640x128xf32, #tpu.memory_space<vmem_shared>>
      tpu.enqueue_dma source(%dma_start3A_16 : memref<640x128xf32, #tpu.memory_space<vmem_shared>>) target(%dma_start3A_14 : memref<640x128xf32, #tpu.memory_space<hbm>>) target_semaphore(%run_scoped3A : memref<!tpu.dma_semaphore, #tpu.memory_space<semaphore_mem>>)
      %dma_wait3A = arith.constant 0 : i32
      %dma_wait3A_17 = tpu.memref_slice %arg6[%arg0, %mul3A_12, %dma_wait3A] : memref<2x10240x128xf32, #tpu.memory_space<hbm>> -> memref<1x640x128xf32, #tpu.memory_space<hbm>>
      %dma_wait3A_18 = tpu.memref_squeeze %dma_wait3A_17 : memref<1x640x128xf32, #tpu.memory_space<hbm>> -> memref<640x128xf32, #tpu.memory_space<hbm>>
      %dma_wait3A_19 = arith.constant 0 : i32
      %dma_wait3A_20 = tpu.memref_slice %arg7[%mul3A_10, %dma_wait3A_19] : memref<10240x128xf32, #tpu.memory_space<vmem_shared>> -> memref<640x128xf32, #tpu.memory_space<vmem_shared>>
      tpu.wait_dma2 semaphore(%run_scoped3A : memref<!tpu.dma_semaphore, #tpu.memory_space<semaphore_mem>>) src(%dma_wait3A_20 : memref<640x128xf32, #tpu.memory_space<vmem_shared>>) dst(%dma_wait3A_18 : memref<640x128xf32, #tpu.memory_space<hbm>>)
      tpu.yield
    }) : () -> ()
    return
  }
}

module attributes {stable_mosaic.version = 14 : i64} {
  func.func @_t1_body(%arg0: i32, %arg1: memref<512x128xf32, #tpu.memory_space<vmem>>, %arg2: memref<128x128xf32, #tpu.memory_space<vmem>>, %arg3: memref<2x512x1xf32, #tpu.memory_space<vmem>>, %arg4: memref<512x128xf32, #tpu.memory_space<vmem>>) attributes {dimension_semantics = [#tpu.dimension_semantics<arbitrary>], iteration_bounds = array<i64: 20>, scalar_prefetch = 0 : i64, scratch_operands = 0 : i64, tpu.core_type = #tpu.core_type<tc>, window_params = [{transform_indices = @transform_0, window_bounds = array<i64: 512, 128>}, {pipeline_mode = #tpu.pipeline_mode<synchronous>, transform_indices = @transform_1, window_bounds = array<i64: 128, 128>}, {transform_indices = @transform_2, window_bounds = array<i64: 2, 512, 1>}, {transform_indices = @transform_3, window_bounds = array<i64: 512, 128>}]} {
    %get3A = arith.constant 0 : index
    %get3A_0 = arith.constant 0 : index
    %get3A_1 = arith.constant 0 : index
    %get3A_2 = vector.load %arg3[%get3A, %get3A_0, %get3A_1] : memref<2x512x1xf32, #tpu.memory_space<vmem>>, vector<1x512x1xf32>
    %get3A_3 = vector.shape_cast %get3A_2 : vector<1x512x1xf32> to vector<512x1xf32>
    %get3A_4 = arith.constant 1 : index
    %get3A_5 = arith.constant 0 : index
    %get3A_6 = arith.constant 0 : index
    %get3A_7 = vector.load %arg3[%get3A_4, %get3A_5, %get3A_6] : memref<2x512x1xf32, #tpu.memory_space<vmem>>, vector<1x512x1xf32>
    %get3A_8 = vector.shape_cast %get3A_7 : vector<1x512x1xf32> to vector<512x1xf32>
    %add3A = arith.addf %get3A_3, %get3A_8 : vector<512x1xf32>
    %add3A_9 = arith.constant 1.000000e+00 : f32
    %add3A_10 = vector.broadcast %add3A_9 : f32 to vector<512x1xf32>
    %add3A_11 = arith.addf %add3A, %add3A_10 : vector<512x1xf32>
    %rsqrt3A = math.rsqrt %add3A_11 : vector<512x1xf32>
    %get3A_12 = arith.constant 0 : index
    %get3A_13 = arith.constant 0 : index
    %get3A_14 = vector.load %arg1[%get3A_12, %get3A_13] : memref<512x128xf32, #tpu.memory_space<vmem>>, vector<512x128xf32>
    %get3A_15 = arith.constant 0 : index
    %get3A_16 = arith.constant 0 : index
    %get3A_17 = vector.load %arg2[%get3A_15, %get3A_16] : memref<128x128xf32, #tpu.memory_space<vmem>>, vector<128x128xf32>
    %dot_general3A = arith.constant dense<0.000000e+00> : vector<512x128xf32>
    %dot_general3A_18 = tpu.matmul %get3A_14, %get3A_17, %dot_general3A {dimension_numbers = #tpu.dot_dimension_numbers<[1], [0], [0], [1], [0, 0, 1, 1], [], []>, transpose_lhs_hint = false} : vector<512x128xf32>, vector<128x128xf32>, vector<512x128xf32> -> vector<512x128xf32>
    %mul3A = vector.broadcast %rsqrt3A : vector<512x1xf32> to vector<512x128xf32>
    %mul3A_19 = arith.mulf %dot_general3A_18, %mul3A : vector<512x128xf32>
    %swap3A = arith.constant 0 : index
    %swap3A_20 = arith.constant 0 : index
    %swap3A_21 = vector.load %arg4[%swap3A, %swap3A_20] : memref<512x128xf32, #tpu.memory_space<vmem>>, vector<512x128xf32>
    tpu.vector_store %arg4[%swap3A, %swap3A_20], %mul3A_19 {strides = array<i32>} : memref<512x128xf32, #tpu.memory_space<vmem>>, vector<512x128xf32>,
    return
  }
  func.func @transform_0(%arg0: i32) -> (i32, i32) {
    %c0_i32 = arith.constant 0 : i32
    %c0_i32_0 = arith.constant 0 : i32
    return %arg0, %c0_i32 : i32, i32
  }
  func.func @transform_1(%arg0: i32) -> (i32, i32) {
    %c0_i32 = arith.constant 0 : i32
    %c0_i32_0 = arith.constant 0 : i32
    %c0_i32_1 = arith.constant 0 : i32
    return %c0_i32, %c0_i32_0 : i32, i32
  }
  func.func @transform_2(%arg0: i32) -> (i32, i32, i32) {
    %c0_i32 = arith.constant 0 : i32
    %c0_i32_0 = arith.constant 0 : i32
    %c0_i32_1 = arith.constant 0 : i32
    return %c0_i32, %arg0, %c0_i32_0 : i32, i32, i32
  }
  func.func @transform_3(%arg0: i32) -> (i32, i32) {
    %c0_i32 = arith.constant 0 : i32
    %c0_i32_0 = arith.constant 0 : i32
    return %arg0, %c0_i32 : i32, i32
  }
}

module attributes {stable_mosaic.version = 14 : i64} {
  func.func @_tmid_body(%arg0: i32, %arg1: i32, %arg2: memref<2x512x128xf32, #tpu.memory_space<vmem>>, %arg3: memref<512x128xf32, #tpu.memory_space<vmem>>, %arg4: memref<2x512x1xf32, #tpu.memory_space<vmem>>, %arg5: memref<1x128xf32, #tpu.memory_space<vmem>>, %arg6: memref<1x128xf32, #tpu.memory_space<vmem>>, %arg7: memref<1x128xf32, #tpu.memory_space<vmem>>, %arg8: memref<128x128xf32, #tpu.memory_space<vmem>>, %arg9: memref<512x128xf32, #tpu.memory_space<vmem>>, %arg10: memref<8x128xf32, #tpu.memory_space<vmem>>) attributes {dimension_semantics = [#tpu.dimension_semantics<arbitrary>, #tpu.dimension_semantics<arbitrary>], iteration_bounds = array<i64: 2, 20>, scalar_prefetch = 0 : i64, scratch_operands = 1 : i64, tpu.core_type = #tpu.core_type<tc>, window_params = [{transform_indices = @transform_0, window_bounds = array<i64: 2, 512, 128>}, {transform_indices = @transform_1, window_bounds = array<i64: 512, 128>}, {transform_indices = @transform_2, window_bounds = array<i64: 2, 512, 1>}, {pipeline_mode = #tpu.pipeline_mode<synchronous>, transform_indices = @transform_3, window_bounds = array<i64: 1, 128>}, {pipeline_mode = #tpu.pipeline_mode<synchronous>, transform_indices = @transform_4, window_bounds = array<i64: 1, 128>}, {pipeline_mode = #tpu.pipeline_mode<synchronous>, transform_indices = @transform_5, window_bounds = array<i64: 1, 128>}, {pipeline_mode = #tpu.pipeline_mode<synchronous>, transform_indices = @transform_6, window_bounds = array<i64: 128, 128>}, {transform_indices = @transform_7, window_bounds = array<i64: 512, 128>}]} {
    %get3A = arith.constant 0 : index
    %get3A_0 = arith.constant 0 : index
    %get3A_1 = arith.constant 0 : index
    %get3A_2 = vector.load %arg4[%get3A, %get3A_0, %get3A_1] : memref<2x512x1xf32, #tpu.memory_space<vmem>>, vector<1x512x1xf32>
    %get3A_3 = vector.shape_cast %get3A_2 : vector<1x512x1xf32> to vector<512x1xf32>
    %get3A_4 = arith.constant 1 : index
    %get3A_5 = arith.constant 0 : index
    %get3A_6 = arith.constant 0 : index
    %get3A_7 = vector.load %arg4[%get3A_4, %get3A_5, %get3A_6] : memref<2x512x1xf32, #tpu.memory_space<vmem>>, vector<1x512x1xf32>
    %get3A_8 = vector.shape_cast %get3A_7 : vector<1x512x1xf32> to vector<512x1xf32>
    %add3A = arith.addf %get3A_3, %get3A_8 : vector<512x1xf32>
    %add3A_9 = arith.constant 1.000000e+00 : f32
    %add3A_10 = vector.broadcast %add3A_9 : f32 to vector<512x1xf32>
    %add3A_11 = arith.addf %add3A, %add3A_10 : vector<512x1xf32>
    %rsqrt3A = math.rsqrt %add3A_11 : vector<512x1xf32>
    %get3A_12 = arith.constant 0 : index
    %get3A_13 = arith.constant 0 : index
    %get3A_14 = arith.constant 0 : index
    %get3A_15 = vector.load %arg2[%get3A_12, %get3A_13, %get3A_14] : memref<2x512x128xf32, #tpu.memory_space<vmem>>, vector<1x512x128xf32>
    %get3A_16 = vector.shape_cast %get3A_15 : vector<1x512x128xf32> to vector<512x128xf32>
    %get3A_17 = arith.constant 1 : index
    %get3A_18 = arith.constant 0 : index
    %get3A_19 = arith.constant 0 : index
    %get3A_20 = vector.load %arg2[%get3A_17, %get3A_18, %get3A_19] : memref<2x512x128xf32, #tpu.memory_space<vmem>>, vector<1x512x128xf32>
    %get3A_21 = vector.shape_cast %get3A_20 : vector<1x512x128xf32> to vector<512x128xf32>
    %add3A_22 = arith.addf %get3A_16, %get3A_21 : vector<512x128xf32>
    %get3A_23 = arith.constant 0 : index
    %get3A_24 = arith.constant 0 : index
    %get3A_25 = vector.load %arg3[%get3A_23, %get3A_24] : memref<512x128xf32, #tpu.memory_space<vmem>>, vector<512x128xf32>
    %add3A_26 = arith.addf %add3A_22, %get3A_25 : vector<512x128xf32>
    %mul3A = vector.broadcast %rsqrt3A : vector<512x1xf32> to vector<512x128xf32>
    %mul3A_27 = arith.mulf %add3A_26, %mul3A : vector<512x128xf32>
    %get3A_28 = arith.constant 0 : index
    %get3A_29 = arith.constant 0 : index
    %get3A_30 = vector.load %arg5[%get3A_28, %get3A_29] : memref<1x128xf32, #tpu.memory_space<vmem>>, vector<1x128xf32>
    %add3A_31 = vector.broadcast %get3A_30 : vector<1x128xf32> to vector<512x128xf32>
    %add3A_32 = arith.addf %mul3A_27, %add3A_31 : vector<512x128xf32>
    %iota3A = tpu.iota {dimensions = array<i32: 0>} : vector<512x1xi32>
    %mul3A_33 = arith.constant 512 : i32
    %mul3A_34 = arith.muli %arg1, %mul3A_33 : i32
    %add3A_35 = vector.broadcast %mul3A_34 : i32 to vector<512x1xi32>
    %add3A_36 = arith.addi %iota3A, %add3A_35 : vector<512x1xi32>
    %lt3A = arith.constant 10000 : i32
    %lt3A_37 = vector.broadcast %lt3A : i32 to vector<512x1xi32>
    %lt3A_38 = arith.cmpi slt, %add3A_36, %lt3A_37 : vector<512x1xi32>
    %eq3A = arith.constant 0 : i32
    %eq3A_39 = arith.cmpi eq, %arg0, %eq3A : i32
    %convert_element_type3A = arith.extui %eq3A_39 : i1 to i32
    %cond3A = arith.constant 0 : i32
    %cond3A_40 = arith.cmpi ne, %convert_element_type3A, %cond3A : i32
    scf.if %cond3A_40 {
      %eq3A_46 = arith.constant 0 : i32
      %eq3A_47 = arith.cmpi eq, %arg1, %eq3A_46 : i32
      %convert_element_type3A_48 = arith.extui %eq3A_47 : i1 to i32
      %cond3A_49 = arith.constant 0 : i32
      %cond3A_50 = arith.cmpi ne, %convert_element_type3A_48, %cond3A_49 : i32
      scf.if %cond3A_50 {
        %broadcast_in_dim3A_72 = arith.constant 0.000000e+00 : f32
        %broadcast_in_dim3A_73 = vector.broadcast %broadcast_in_dim3A_72 : f32 to vector<8x128xf32>
        %swap3A_74 = arith.constant 0 : index
        %swap3A_75 = arith.constant 0 : index
        %swap3A_76 = vector.load %arg10[%swap3A_74, %swap3A_75] : memref<8x128xf32, #tpu.memory_space<vmem>>, vector<8x128xf32>
        tpu.vector_store %arg10[%swap3A_74, %swap3A_75], %broadcast_in_dim3A_73 {strides = array<i32>} : memref<8x128xf32, #tpu.memory_space<vmem>>, vector<8x128xf32>,
      } else {
      }
      %jit3A = arith.constant 0.000000e+00 : f32
      %broadcast_in_dim3A = vector.shape_cast %lt3A_38 : vector<512x1xi1> to vector<512x1xi1>
      %broadcast_in_dim3A_51 = vector.broadcast %broadcast_in_dim3A : vector<512x1xi1> to vector<512x128xi1>
      %broadcast_in_dim3A_52 = vector.broadcast %jit3A : f32 to vector<512x128xf32>
      %select_n3A = arith.select %broadcast_in_dim3A_51, %add3A_32, %broadcast_in_dim3A_52 : vector<512x128xi1>, vector<512x128xf32>
      %get3A_53 = arith.constant 0 : index
      %get3A_54 = arith.constant 0 : index
      %get3A_55 = vector.load %arg10[%get3A_53, %get3A_54] : memref<8x128xf32, #tpu.memory_space<vmem>>, vector<1x128xf32>
      %reduce_sum3A = arith.constant dense<0.000000e+00> : vector<128xf32>
      %reduce_sum3A_56 = vector.multi_reduction <add>, %select_n3A, %reduce_sum3A [0] : vector<512x128xf32> to vector<128xf32>
      %broadcast_in_dim3A_57 = vector.shape_cast %reduce_sum3A_56 : vector<128xf32> to vector<1x128xf32>
      %add3A_58 = arith.addf %get3A_55, %broadcast_in_dim3A_57 : vector<1x128xf32>
      %swap3A = arith.constant 0 : index
      %swap3A_59 = arith.constant 0 : index
      %swap3A_60 = vector.load %arg10[%swap3A, %swap3A_59] : memref<8x128xf32, #tpu.memory_space<vmem>>, vector<1x128xf32>
      tpu.vector_store %arg10[%swap3A, %swap3A_59], %add3A_58 {strides = array<i32>} : memref<8x128xf32, #tpu.memory_space<vmem>>, vector<1x128xf32>,
      %get3A_61 = arith.constant 1 : index
      %get3A_62 = arith.constant 0 : index
      %get3A_63 = vector.load %arg10[%get3A_61, %get3A_62] : memref<8x128xf32, #tpu.memory_space<vmem>>, vector<1x128xf32>
      %mul3A_64 = arith.mulf %select_n3A, %select_n3A : vector<512x128xf32>
      %reduce_sum3A_65 = arith.constant dense<0.000000e+00> : vector<128xf32>
      %reduce_sum3A_66 = vector.multi_reduction <add>, %mul3A_64, %reduce_sum3A_65 [0] : vector<512x128xf32> to vector<128xf32>
      %broadcast_in_dim3A_67 = vector.shape_cast %reduce_sum3A_66 : vector<128xf32> to vector<1x128xf32>
      %add3A_68 = arith.addf %get3A_63, %broadcast_in_dim3A_67 : vector<1x128xf32>
      %swap3A_69 = arith.constant 1 : index
      %swap3A_70 = arith.constant 0 : index
      %swap3A_71 = vector.load %arg10[%swap3A_69, %swap3A_70] : memref<8x128xf32, #tpu.memory_space<vmem>>, vector<1x128xf32>
      tpu.vector_store %arg10[%swap3A_69, %swap3A_70], %add3A_68 {strides = array<i32>} : memref<8x128xf32, #tpu.memory_space<vmem>>, vector<1x128xf32>,
    } else {
    }
    %eq3A_41 = arith.constant 1 : i32
    %eq3A_42 = arith.cmpi eq, %arg0, %eq3A_41 : i32
    %convert_element_type3A_43 = arith.extui %eq3A_42 : i1 to i32
    %cond3A_44 = arith.constant 0 : i32
    %cond3A_45 = arith.cmpi ne, %convert_element_type3A_43, %cond3A_44 : i32
    scf.if %cond3A_45 {
      %get3A_46 = arith.constant 0 : index
      %get3A_47 = arith.constant 0 : index
      %get3A_48 = vector.load %arg10[%get3A_46, %get3A_47] : memref<8x128xf32, #tpu.memory_space<vmem>>, vector<1x128xf32>
      %mul3A_49 = arith.constant 9.99999974E-5 : f32
      %mul3A_50 = vector.broadcast %mul3A_49 : f32 to vector<1x128xf32>
      %mul3A_51 = arith.mulf %get3A_48, %mul3A_50 : vector<1x128xf32>
      %get3A_52 = arith.constant 1 : index
      %get3A_53 = arith.constant 0 : index
      %get3A_54 = vector.load %arg10[%get3A_52, %get3A_53] : memref<8x128xf32, #tpu.memory_space<vmem>>, vector<1x128xf32>
      %mul3A_55 = arith.constant 9.99999974E-5 : f32
      %mul3A_56 = vector.broadcast %mul3A_55 : f32 to vector<1x128xf32>
      %mul3A_57 = arith.mulf %get3A_54, %mul3A_56 : vector<1x128xf32>
      %mul3A_58 = arith.mulf %mul3A_51, %mul3A_51 : vector<1x128xf32>
      %sub3A = arith.subf %mul3A_57, %mul3A_58 : vector<1x128xf32>
      %add3A_59 = arith.constant 9.99999974E-6 : f32
      %add3A_60 = vector.broadcast %add3A_59 : f32 to vector<1x128xf32>
      %add3A_61 = arith.addf %sub3A, %add3A_60 : vector<1x128xf32>
      %rsqrt3A_62 = math.rsqrt %add3A_61 : vector<1x128xf32>
      %sub3A_63 = vector.broadcast %mul3A_51 : vector<1x128xf32> to vector<512x128xf32>
      %sub3A_64 = arith.subf %add3A_32, %sub3A_63 : vector<512x128xf32>
      %mul3A_65 = vector.broadcast %rsqrt3A_62 : vector<1x128xf32> to vector<512x128xf32>
      %mul3A_66 = arith.mulf %sub3A_64, %mul3A_65 : vector<512x128xf32>
      %get3A_67 = arith.constant 0 : index
      %get3A_68 = arith.constant 0 : index
      %get3A_69 = vector.load %arg6[%get3A_67, %get3A_68] : memref<1x128xf32, #tpu.memory_space<vmem>>, vector<1x128xf32>
      %mul3A_70 = vector.broadcast %get3A_69 : vector<1x128xf32> to vector<512x128xf32>
      %mul3A_71 = arith.mulf %mul3A_66, %mul3A_70 : vector<512x128xf32>
      %get3A_72 = arith.constant 0 : index
      %get3A_73 = arith.constant 0 : index
      %get3A_74 = vector.load %arg7[%get3A_72, %get3A_73] : memref<1x128xf32, #tpu.memory_space<vmem>>, vector<1x128xf32>
      %add3A_75 = vector.broadcast %get3A_74 : vector<1x128xf32> to vector<512x128xf32>
      %add3A_76 = arith.addf %mul3A_71, %add3A_75 : vector<512x128xf32>
      %max3A = arith.constant 0.000000e+00 : f32
      %max3A_77 = vector.broadcast %max3A : f32 to vector<512x128xf32>
      %max3A_78 = arith.maximumf %add3A_76, %max3A_77 : vector<512x128xf32>
      %get3A_79 = arith.constant 0 : index
      %get3A_80 = arith.constant 0 : index
      %get3A_81 = vector.load %arg8[%get3A_79, %get3A_80] : memref<128x128xf32, #tpu.memory_space<vmem>>, vector<128x128xf32>
      %dot_general3A = arith.constant dense<0.000000e+00> : vector<512x128xf32>
      %dot_general3A_82 = tpu.matmul %max3A_78, %get3A_81, %dot_general3A {dimension_numbers = #tpu.dot_dimension_numbers<[1], [0], [0], [1], [0, 0, 1, 1], [], []>, transpose_lhs_hint = false} : vector<512x128xf32>, vector<128x128xf32>, vector<512x128xf32> -> vector<512x128xf32>
      %mul3A_83 = vector.broadcast %rsqrt3A : vector<512x1xf32> to vector<512x128xf32>
      %mul3A_84 = arith.mulf %dot_general3A_82, %mul3A_83 : vector<512x128xf32>
      %jit3A = arith.constant 0.000000e+00 : f32
      %broadcast_in_dim3A = vector.shape_cast %lt3A_38 : vector<512x1xi1> to vector<512x1xi1>
      %broadcast_in_dim3A_85 = vector.broadcast %broadcast_in_dim3A : vector<512x1xi1> to vector<512x128xi1>
      %broadcast_in_dim3A_86 = vector.broadcast %jit3A : f32 to vector<512x128xf32>
      %select_n3A = arith.select %broadcast_in_dim3A_85, %mul3A_84, %broadcast_in_dim3A_86 : vector<512x128xi1>, vector<512x128xf32>
      %swap3A = arith.constant 0 : index
      %swap3A_87 = arith.constant 0 : index
      %swap3A_88 = vector.load %arg9[%swap3A, %swap3A_87] : memref<512x128xf32, #tpu.memory_space<vmem>>, vector<512x128xf32>
      tpu.vector_store %arg9[%swap3A, %swap3A_87], %select_n3A {strides = array<i32>} : memref<512x128xf32, #tpu.memory_space<vmem>>, vector<512x128xf32>,
    } else {
    }
    return
  }
  func.func @transform_0(%arg0: i32, %arg1: i32) -> (i32, i32, i32) {
    %c0_i32 = arith.constant 0 : i32
    %c0_i32_0 = arith.constant 0 : i32
    %c0_i32_1 = arith.constant 0 : i32
    return %c0_i32, %arg1, %c0_i32_0 : i32, i32, i32
  }
  func.func @transform_1(%arg0: i32, %arg1: i32) -> (i32, i32) {
    %c0_i32 = arith.constant 0 : i32
    %c0_i32_0 = arith.constant 0 : i32
    return %arg1, %c0_i32 : i32, i32
  }
  func.func @transform_2(%arg0: i32, %arg1: i32) -> (i32, i32, i32) {
    %c0_i32 = arith.constant 0 : i32
    %c0_i32_0 = arith.constant 0 : i32
    %c0_i32_1 = arith.constant 0 : i32
    return %c0_i32, %arg1, %c0_i32_0 : i32, i32, i32
  }
  func.func @transform_3(%arg0: i32, %arg1: i32) -> (i32, i32) {
    %c0_i32 = arith.constant 0 : i32
    %c0_i32_0 = arith.constant 0 : i32
    %c0_i32_1 = arith.constant 0 : i32
    return %c0_i32, %c0_i32_0 : i32, i32
  }
  func.func @transform_4(%arg0: i32, %arg1: i32) -> (i32, i32) {
    %c0_i32 = arith.constant 0 : i32
    %c0_i32_0 = arith.constant 0 : i32
    %c0_i32_1 = arith.constant 0 : i32
    return %c0_i32, %c0_i32_0 : i32, i32
  }
  func.func @transform_5(%arg0: i32, %arg1: i32) -> (i32, i32) {
    %c0_i32 = arith.constant 0 : i32
    %c0_i32_0 = arith.constant 0 : i32
    %c0_i32_1 = arith.constant 0 : i32
    return %c0_i32, %c0_i32_0 : i32, i32
  }
  func.func @transform_6(%arg0: i32, %arg1: i32) -> (i32, i32) {
    %c0_i32 = arith.constant 0 : i32
    %c0_i32_0 = arith.constant 0 : i32
    %c0_i32_1 = arith.constant 0 : i32
    return %c0_i32, %c0_i32_0 : i32, i32
  }
  func.func @transform_7(%arg0: i32, %arg1: i32) -> (i32, i32) {
    %c0_i32 = arith.constant 0 : i32
    %c0_i32_0 = arith.constant 0 : i32
    return %arg1, %c0_i32 : i32, i32
  }
}

module attributes {stable_mosaic.version = 14 : i64} {
  func.func @_tlast_body(%arg0: i32, %arg1: memref<2x512x128xf32, #tpu.memory_space<vmem>>, %arg2: memref<512x128xf32, #tpu.memory_space<vmem>>, %arg3: memref<2x512x1xf32, #tpu.memory_space<vmem>>, %arg4: memref<1x128xf32, #tpu.memory_space<vmem>>, %arg5: memref<512x128xf32, #tpu.memory_space<vmem>>) attributes {dimension_semantics = [#tpu.dimension_semantics<arbitrary>], iteration_bounds = array<i64: 20>, scalar_prefetch = 0 : i64, scratch_operands = 0 : i64, tpu.core_type = #tpu.core_type<tc>, window_params = [{transform_indices = @transform_0, window_bounds = array<i64: 2, 512, 128>}, {transform_indices = @transform_1, window_bounds = array<i64: 512, 128>}, {transform_indices = @transform_2, window_bounds = array<i64: 2, 512, 1>}, {pipeline_mode = #tpu.pipeline_mode<synchronous>, transform_indices = @transform_3, window_bounds = array<i64: 1, 128>}, {transform_indices = @transform_4, window_bounds = array<i64: 512, 128>}]} {
    %get3A = arith.constant 0 : index
    %get3A_0 = arith.constant 0 : index
    %get3A_1 = arith.constant 0 : index
    %get3A_2 = vector.load %arg3[%get3A, %get3A_0, %get3A_1] : memref<2x512x1xf32, #tpu.memory_space<vmem>>, vector<1x512x1xf32>
    %get3A_3 = vector.shape_cast %get3A_2 : vector<1x512x1xf32> to vector<512x1xf32>
    %get3A_4 = arith.constant 1 : index
    %get3A_5 = arith.constant 0 : index
    %get3A_6 = arith.constant 0 : index
    %get3A_7 = vector.load %arg3[%get3A_4, %get3A_5, %get3A_6] : memref<2x512x1xf32, #tpu.memory_space<vmem>>, vector<1x512x1xf32>
    %get3A_8 = vector.shape_cast %get3A_7 : vector<1x512x1xf32> to vector<512x1xf32>
    %add3A = arith.addf %get3A_3, %get3A_8 : vector<512x1xf32>
    %add3A_9 = arith.constant 1.000000e+00 : f32
    %add3A_10 = vector.broadcast %add3A_9 : f32 to vector<512x1xf32>
    %add3A_11 = arith.addf %add3A, %add3A_10 : vector<512x1xf32>
    %rsqrt3A = math.rsqrt %add3A_11 : vector<512x1xf32>
    %get3A_12 = arith.constant 0 : index
    %get3A_13 = arith.constant 0 : index
    %get3A_14 = arith.constant 0 : index
    %get3A_15 = vector.load %arg1[%get3A_12, %get3A_13, %get3A_14] : memref<2x512x128xf32, #tpu.memory_space<vmem>>, vector<1x512x128xf32>
    %get3A_16 = vector.shape_cast %get3A_15 : vector<1x512x128xf32> to vector<512x128xf32>
    %get3A_17 = arith.constant 1 : index
    %get3A_18 = arith.constant 0 : index
    %get3A_19 = arith.constant 0 : index
    %get3A_20 = vector.load %arg1[%get3A_17, %get3A_18, %get3A_19] : memref<2x512x128xf32, #tpu.memory_space<vmem>>, vector<1x512x128xf32>
    %get3A_21 = vector.shape_cast %get3A_20 : vector<1x512x128xf32> to vector<512x128xf32>
    %add3A_22 = arith.addf %get3A_16, %get3A_21 : vector<512x128xf32>
    %get3A_23 = arith.constant 0 : index
    %get3A_24 = arith.constant 0 : index
    %get3A_25 = vector.load %arg2[%get3A_23, %get3A_24] : memref<512x128xf32, #tpu.memory_space<vmem>>, vector<512x128xf32>
    %add3A_26 = arith.addf %add3A_22, %get3A_25 : vector<512x128xf32>
    %mul3A = vector.broadcast %rsqrt3A : vector<512x1xf32> to vector<512x128xf32>
    %mul3A_27 = arith.mulf %add3A_26, %mul3A : vector<512x128xf32>
    %get3A_28 = arith.constant 0 : index
    %get3A_29 = arith.constant 0 : index
    %get3A_30 = vector.load %arg4[%get3A_28, %get3A_29] : memref<1x128xf32, #tpu.memory_space<vmem>>, vector<1x128xf32>
    %add3A_31 = vector.broadcast %get3A_30 : vector<1x128xf32> to vector<512x128xf32>
    %add3A_32 = arith.addf %mul3A_27, %add3A_31 : vector<512x128xf32>
    %swap3A = arith.constant 0 : index
    %swap3A_33 = arith.constant 0 : index
    %swap3A_34 = vector.load %arg5[%swap3A, %swap3A_33] : memref<512x128xf32, #tpu.memory_space<vmem>>, vector<512x128xf32>
    tpu.vector_store %arg5[%swap3A, %swap3A_33], %add3A_32 {strides = array<i32>} : memref<512x128xf32, #tpu.memory_space<vmem>>, vector<512x128xf32>,
    return
  }
  func.func @transform_0(%arg0: i32) -> (i32, i32, i32) {
    %c0_i32 = arith.constant 0 : i32
    %c0_i32_0 = arith.constant 0 : i32
    %c0_i32_1 = arith.constant 0 : i32
    return %c0_i32, %arg0, %c0_i32_0 : i32, i32, i32
  }
  func.func @transform_1(%arg0: i32) -> (i32, i32) {
    %c0_i32 = arith.constant 0 : i32
    %c0_i32_0 = arith.constant 0 : i32
    return %arg0, %c0_i32 : i32, i32
  }
  func.func @transform_2(%arg0: i32) -> (i32, i32, i32) {
    %c0_i32 = arith.constant 0 : i32
    %c0_i32_0 = arith.constant 0 : i32
    %c0_i32_1 = arith.constant 0 : i32
    return %c0_i32, %arg0, %c0_i32_0 : i32, i32, i32
  }
  func.func @transform_3(%arg0: i32) -> (i32, i32) {
    %c0_i32 = arith.constant 0 : i32
    %c0_i32_0 = arith.constant 0 : i32
    %c0_i32_1 = arith.constant 0 : i32
    return %c0_i32, %c0_i32_0 : i32, i32
  }
  func.func @transform_4(%arg0: i32) -> (i32, i32) {
    %c0_i32 = arith.constant 0 : i32
    %c0_i32_0 = arith.constant 0 : i32
    return %arg0, %c0_i32 : i32, i32
  }
}

</mosaic_0001>

<sc_bundles>
// kernel: kernel.10.cloned.1.call-start
scs
__scs_entry_jumppad:
0x0: {  	(pc) =	sbr.rel $0x88, $3  }
0x1: {  	(tag) =	ssettag $0x0;
	lr =	simm.s32 $0x1  }
0x2: {  	[smem:$0x3F95] =	sst lr;
	_ =	strace $0xD0000000  }
0x3: {  	_ = 	snop  }
0x4: {  	_ = 	snop  }
0x5: {  	_ = 	snop  }
0x6: {  	_ = 	snop  }
0x7: {  	_ = 	snop  }
__scs_overlays_trampoline_lowered:
0x8: {  	[smem:$0x3FA4] =	sst s0  }
0x9: {  	[smem:$0x3FA5] =	sst s1  }
0xa: {  	[smem:$0x3FA6] =	sst s2  }
0xb: {  	[smem:$0x3FA7] =	sst s3  }
0xc: {  	[smem:$0x3FA8] =	sst s4  }
0xd: {  	[smem:$0x3FA9] =	sst s5  }
0xe: {  	[smem:$0x3FAA] =	sst s6  }
0xf: {  	[smem:$0x3FAB] =	sst s7  }
0x10: {  	[smem:$0x3FAC] =	sst s8  }
0x11: {  	[smem:$0x3FAD] =	sst s9;
	s0 =	simm.s32 @!p0 $0x0  }
0x12: {  	s1 =	sld [smem:$0x3F93];
	s0 =	simm.s32 @p0 $0x1  }
0x13: {  	[smem:$0x3FAE] =	sst s0;
	s0 =	simm.s32 @!p1 $0x0  }
0x14: {  	s2 =	sld [smem:$0x3F92];
	s0 =	simm.s32 @p1 $0x1  }
0x15: {  	[smem:$0x3FAF] =	sst s0;
	s0 =	simm.s32 @!p2 $0x0  }
0x16: {  	s3 =	sld [smem:$0x3FDB];
	s0 =	simm.s32 @p2 $0x1  }
0x17: {  	s4 =	simm.s32 $0x1BF5;
	[smem:$0x3FB1] =	sst s0  }
0x18: {  	s0 =	sld [smem:$0x3F94];
	_ =	swait.ge [sflag:s4], $0x0  }
0x19: {  	s7 =	sld [smem:$0x3F95]  }
0x1a: {  	s8 =	sadd.s32 $0xFFFFE003, lr  }
0x1b: {  	s9 =	sadd.s32 $0xFFFFFEF7, lr;
	s5 =	simm.s32 $0xFFFFFFFF;
	p2 =	slt.u32 s8, $0xFFFFF086  }
0x1c: {  	p1 =	slt.u32 s9, $0xF7A;
	s5 =	simm.s32 @!p2 $0x0  }
0x1d: {  	s5 =	simm.s32 @p1 $0x1;
	p0 =	seq.s32 s7, s2  }
0x1e: {  	s7 =	smul.u32 @!p0 $0xF7A, s2;
	p2 =	seq.s32 @!p0 s5, $0x0  }
0x1f: {  	s9 =	smul.u32 $0xF7A, s1;
	s8 =	simm.s32 @!p0 $0x1BF5;
	p2 =	por !p2, p0  }
0x20: {  	[sflag:s8] =	ssyncset.s32 @!p0 $0xFFFFF086;
	s6 =	sadd.s32 @!p0 s3, s7;
	s7 =	simm.s32 @!p0 $0x108  }
0x21: {  	s3 =	sadd.s32 s3, s9;
	s6 =	sadd.s32 @!p0 $0x88, s6;
	s7 =	simm.s32 @p2 $0x1082  }
0x22: {  	[simem:s7], [sflag:s8] =	dma.local @!p0 [hbm:s6], $0xF7A  }
0x23: {  	s9 =	sor.u32 $0xD0000000, s2;
	s6 =	simm.s32 $0x108;
	_ =	swait.ge @!p0 [sflag:s8], $0x0  }
0x24: {  	s3 =	sadd.s32 $0x88, s3;
	s6 =	simm.s32 @!p1 $0x1082;
	[sflag:s4] =	ssyncset.s32 $0xFFFFF086  }
0x25: {  	[simem:s6], [sflag:s4] =	dma.local [hbm:s3], $0xF7A  }
0x26: {  	[smem:$0x3F95] =	sst s1;
	(tag) =	ssettag s2;
	_ =	strace s9  }
0x27: {  	s1 =	sld [smem:$0x3FA5]  }
0x28: {  	s2 =	sld [smem:$0x3FA6]  }
0x29: {  	s4 =	sld [smem:$0x3FA8]  }
0x2a: {  	p0 =	seq.s32 s5, $0x0;
	s5 =	sld [smem:$0x3FA9]  }
0x2b: {  	s6 =	sld [smem:$0x3FAA]  }
0x2c: {  	s7 =	sld [smem:$0x3FAB]  }
0x2d: {  	s3 =	simm.s32 $0x108;
	s8 =	sld [smem:$0x3FAC]  }
0x2e: {  	s3 =	simm.s32 @!p0 $0x1082;
	s9 =	sld [smem:$0x3FAD]  }
0x2f: {  	lr =	sadd.s32 s0, s3;
	s0 =	sld [smem:$0x3FA4]  }
0x30: {  	s3 =	sld [smem:$0x3FA7]  }
0x31: {  	[smem:$0x3FB0] =	sst s10  }
0x32: {  	s10 =	sld [smem:$0x3FAE];
	_ =	sdelay $0x3  }
0x33: {  	p0 =	seq.s32 s10, $0x1;
	s10 =	sld [smem:$0x3FB0];
	_ =	sdelay $0x3  }
0x34: {  	[smem:$0x3FB0] =	sst s10  }
0x35: {  	s10 =	sld [smem:$0x3FAF];
	_ =	sdelay $0x3  }
0x36: {  	p1 =	seq.s32 s10, $0x1;
	s10 =	sld [smem:$0x3FB0];
	_ =	sdelay $0x3  }
0x37: {  	[smem:$0x3FB0] =	sst s10  }
0x38: {  	s10 =	sld [smem:$0x3FB1]  }
0x39: {  	_ = 	snop;
	(pc) =	sbr.ind lr, $3  }
0x3a: {  	_ = 	snop  }
0x3b: {  	_ = 	snop  }
0x3c: {  	p2 =	seq.s32 s10, $0x1;
	s10 =	sld [smem:$0x3FB0]  }
0x3d: {  	_ =	shalt  }
0x3e: {  	_ =	shalt  }
0x3f: {  	_ =	shalt  }
0x40: {  	_ =	shalt  }
0x41: {  	_ =	shalt  }
0x42: {  	_ =	shalt  }
0x43: {  	_ =	shalt  }
0x44: {  	_ =	shalt  }
0x45: {  	_ =	shalt  }
0x46: {  	_ =	shalt  }
0x47: {  	_ =	shalt  }
0x48: {  	_ =	shalt  }
0x49: {  	_ =	shalt  }
0x4a: {  	_ =	shalt  }
0x4b: {  	_ =	shalt  }
0x4c: {  	_ =	shalt  }
0x4d: {  	_ =	shalt  }
0x4e: {  	_ =	shalt  }
0x4f: {  	_ =	shalt  }
0x50: {  	_ =	shalt  }
0x51: {  	_ =	shalt  }
0x52: {  	_ =	shalt  }
0x53: {  	_ =	shalt  }
0x54: {  	_ =	shalt  }
0x55: {  	_ =	shalt  }
0x56: {  	_ =	shalt  }
0x57: {  	_ =	shalt  }
0x58: {  	_ =	shalt  }
0x59: {  	_ =	shalt  }
0x5a: {  	_ =	shalt  }
0x5b: {  	_ =	shalt  }
0x5c: {  	_ =	shalt  }
0x5d: {  	_ =	shalt  }
0x5e: {  	_ =	shalt  }
0x5f: {  	_ =	shalt  }
0x60: {  	_ =	shalt  }
0x61: {  	_ =	shalt  }
0x62: {  	_ =	shalt  }
0x63: {  	_ =	shalt  }
0x64: {  	_ =	shalt  }
0x65: {  	_ =	shalt  }
0x66: {  	_ =	shalt  }
0x67: {  	_ =	shalt  }
0x68: {  	_ =	shalt  }
0x69: {  	_ =	shalt  }
0x6a: {  	_ =	shalt  }
0x6b: {  	_ =	shalt  }
0x6c: {  	_ =	shalt  }
0x6d: {  	_ =	shalt  }
0x6e: {  	_ =	shalt  }
0x6f: {  	_ =	shalt  }
0x70: {  	_ =	shalt  }
0x71: {  	_ =	shalt  }
0x72: {  	_ =	shalt  }
0x73: {  	_ =	shalt  }
0x74: {  	_ =	shalt  }
0x75: {  	_ =	shalt  }
0x76: {  	_ =	shalt  }
0x77: {  	_ =	shalt  }
0x78: {  	_ =	shalt  }
0x79: {  	_ =	shalt  }
0x7a: {  	_ =	shalt  }
0x7b: {  	_ =	shalt  }
0x7c: {  	_ =	shalt  }
0x7d: {  	_ =	shalt  }
0x7e: {  	_ =	shalt  }
0x7f: {  	_ =	shalt  }
0x80: {  	_ =	shalt  }
0x81: {  	_ =	shalt  }
0x82: {  	_ =	shalt  }
0x83: {  	_ =	shalt  }
0x84: {  	_ =	shalt  }
0x85: {  	_ =	shalt  }
0x86: {  	_ =	shalt  }
0x87: {  	_ =	shalt  }
.Lfunc_end0:
.L_simem_size_0:
called_computation_lowered:
.L_overlay_start_0:
0x88: {  	s2 =	sld [smem:$0x3FD9]  }
0x89: {  	s3 =	sld [smem:$0x3FFE];
	_ =	sdelay $0x1  }
0x8a: {  	s1 =	srdreg.scid  }
0x8b: {  	s0 =	sand.u32 $0x1, s1  }
0x8c: {  	s16 =	sshll.u32 s0, $0xA;
	s2 =	sadd.s32 s3, s2  }
0x8d: {  	s2 =	sadd.s32 s2, s16  }
0x8e: {  	[smem:$0x3FBC] =	sst s2  }
0x8f: {  	_ = 	snop  }
0x90: {  	(tm) =	ssettm $0x1  }
0x91: {  	s17 =	sld [smem:$0x3FFB];
	_ =	sdelay $0x3  }
0x92: {  	_ =	strace s17  }
0x93: {  	s2 =	sld [smem:$0x3FFC];
	_ =	sdelay $0x3  }
0x94: {  	_ =	strace s2  }
0x95: {  	s2 =	sld [smem:$0x3FFD];
	_ =	sdelay $0x3  }
0x96: {  	_ =	strace s2  }
0x97: {  	_ =	strace $0x8FFFFFFF  }
0x98: {  	s18 =	sld [smem:$0x3FDB];
	_ =	sdelay $0x1  }
0x99: {  	s19 =	simm.s32 $_scs_section_size  }
0x9a: {  	s4 =	simm.s32 $_size__tile_overlayer_lowered;
	s5 =	simm.s32 $_tile_overlayer_lowered  }
0x9b: {  	s22 =	simm.s32 $0x1BFF;
	s21 =	sshll.u32 s5, $0x1;
	s2 =	sadd.s32 s19, s18  }
0x9c: {  	s6 =	simm.s32 $0x0;
	s20 =	sshll.u32 s4, $0x1;
	s4 =	sadd.s32 s21, s2  }
0x9d: {  	[timem:s6], [sflag:s22] =	dma.local [hbm:s4], s20  }
0x9e: {  	_ =	swait.ge [sflag:s22], s20  }
0x9f: {  	s3 =	ssub.s32 $0x0, s20;
	[sflag:s22] =	ssyncset.done $0x0  }
0xa0: {  	[sflag:s22] =	ssyncadd.s32 s3;
	_ =	sdelay $0x1  }
0xa1: {  	s23 =	simm.s32 $0x1B8B  }
0xa2: {  	_ =	swait.ge [sflag:s23], $0x1  }
0xa3: {  	[sflag:s23] =	ssyncset.done $0x0  }
0xa4: {  	s25 =	simm.s32 $0x1B8E;
	s24 =	sld [smem:$0x3FFE];
	[sflag:s23] =	ssyncadd.s32 $0xFFFFFFFF  }
0xa5: {  	s26 =	simm.s32 $execute0_lowered;
	[smem:$0x3FD2] =	sst s25  }
0xa6: {  	s4 =	sshll.u32 s26, $0x1;
	_ =	strace $0x80000046;
	[dreg:$0x1] =	wrdreg $0xFFFFFFFF  }
0xa7: {  	s28 =	simm.s32 $_size_execute0_lowered;
	s2 =	sadd.s32 s2, s4;
	[dreg:$0x0] =	wrdreg $0x0  }
0xa8: {  	s4 =	sshll.u32 s28, $0x1;
	[dreg:$0x2] =	wrdreg s2  }
0xa9: {  	[dreg:$0x3] =	wrdreg s4  }
0xaa: {  	[dreg:$0x4] =	wrdreg $0xC0  }
0xab: {  	_ =	task [dreg:s6], $0x5FFFF  }
0xac: {  	[dreg:$0x1] =	wrdreg $0xFFFFFFFF  }
0xad: {  	[dreg:$0x0] =	wrdreg $0x60  }
0xae: {  	[dreg:$0x2] =	wrdreg s24  }
0xaf: {  	[dreg:$0x3] =	wrdreg $0x0  }
0xb0: {  	[dreg:$0x4] =	wrdreg $0x9  }
0xb1: {  	_ =	task.clear_ibuf [dreg:s6], $0x5FFFF;
	_ =	strace $0x90000046  }
0xb2: {  	s29 =	simm.s32 $0x9;
	_ =	strace $0x80000048  }
0xb3: {  	_ =	swait.ge [sflag:s29], $0x1  }
0xb4: {  	[sflag:s29] =	ssyncadd.s32 $0xFFFFFFFF  }
0xb5: {  	_ =	strace $0x90000048  }
0xb6: {  	_ =	sfence  }
0xb7: {  	s30 =	sld [smem:$0x0];
	_ =	sdelay $0x2  }
0xb8: {  	s31 =	sshll.u32 s1, $0xD;
	s1 =	sshrl.u32 s1, $0x2  }
0xb9: {  	s3 =	sand.u32 $0x4000, s31;
	s1 =	sadd.s32 s1, s30  }
0xba: {  	s0 =	sor.u32 s3, s0;
	s1 =	sshll.u32 s1, $0x11  }
0xbb: {  	s0 =	sor.u32 s1, s0  }
0xbc: {  	s0 =	sadd.s32 $0x8F2B, s0  }
0xbd: {  	[sflag:s0] =	ssyncadd.remote.s32 $0x1  }
0xbe: {  	_ =	sfence.sel $0xFFFF  }
0xbf: {  	[dreg:$0x0] =	wrdreg $0xFFFFFFFF;
	(pc) =	sbr.abs _section_cstart, $3  }
0xc0: {  	[dreg:$0x1] =	wrdreg $0xFFFFFFFF  }
0xc1: {  	_ =	task.clear_ibuf [dreg:s6], $0x2FFFF;
	_ =	strace $0x9FFFFFFF  }
0xc2: {  	(tm) =	ssettm $0x7FFFFFFF  }
0xc3: {  	_ =	shalt  }
tec
execute0_lowered:
.L_overlay_start_1:
0x0: {  	(tag) =	ssettag $0x1  }
0x1: {  	s6 =	rddreg [dreg:$0x0]  }
0x2: {  	s1 =	rddreg [dreg:$0x1];
	s2 =	srdreg.scid  }
0x3: {  	s0 =	rddreg [dreg:$0x2];
	s3 =	simm.s32 $0x0;
	s14 =	simm.s32 $0x80  }
0x4: {  	s15 =	simm.s32 $0x20;
	s16 =	simm.s32 $0x10;
	s17 =	simm.s32 $0x0  }
0x5: {  	s7 =	sand.u32 $0x1, s2;
	[smem:$0x7FF] =	sst s3;
	s2 =	stileid.u32  }
0x6: {  	s4 =	sshll.u32 s7, $0x4;
	_ =	strace $0x80000047;
	s8 =	smul.u32 $0x500, s2  }
0x7: {  	s10 =	sshll.u32 s7, $0x7;
	s30 =	smul.u32 $0xA00, s2;
	s7 =	ssub.s32 $0x2, s7  }
0x8: {  	s12 =	sshll.u32 s2, $0x6;
	s5 =	sor.u32 s2, s4;
	s4 =	sadd.s32 $0xE000, s6  }
0x9: {  	s31 =	sshrl.u32 s7, $0x1;
	s12 =	sor.u32 $0x1C01, s12;
	s9 =	smul.u32 $0x500, s5  }
0xa: {  	s5 =	sadd.s32 $0xE200, s6;
	s8 =	sor.u32 s10, s8;
	s10 =	sshrl.u32 s30, $0x2  }
0xb: {  	s11 =	ssub.s32 s7, s31;
	s8 =	sshrl.u32 s8, $0x3;
	s13 =	sadd.s32 s10, s1  }
0xc: {  	s10 =	simm.s32 $0x1;
	s9 =	sadd.s32 s9, s6;
	s8 =	sadd.s32 s8, s6  }
0xd: {  	s13 =	sshrl.u32 s13, $0x3;
	s6 =	sadd.s32 $0x4000, s9;
	s7 =	sadd.s32 $0xE400, s8  }
0xe: {  	s8 =	smax.u32 s11, $0x1;
	s9 =	simm.s32 $0x280;
	s11 =	simm.s32 $0x2A80  }
.LBB2_1:
0xf: {  	[tilespmem:s9], [sflag:$0x1] =	stream.linear.gather [hbm4b:s6+s3], $0x2800, $0x38;
	[tilespmem:$0x2B00] =	vst v63  }
0x10: {  	_ =	swait.ge [sflag:s10], $0x2800  }
0x11: {  	[sflag:s10] =	ssyncset.done $0x0  }
0x12: {  	[sflag:s10] =	ssyncadd.s32 $0xFFFFD800  }
0x13: {  	[tilespmem:s11], [sflag:$0x1] =	stream.linear.gather [hbm4b:s4+s3], $0x80, $0x38;
	[tilespmem:$0x2B00] =	vst v63  }
0x14: {  	_ =	swait.ge [sflag:s10], $0x80  }
0x15: {  	[sflag:s10] =	ssyncset.done $0x0  }
0x16: {  	[sflag:s10] =	ssyncadd.s32 $0xFFFFFF80  }
0x17: {  	[spmem:s13], [sflag:s12] =	dma.local [hbm:s5], $0x50  }
0x18: {  	_ =	swait.ge [sflag:s10], $0x50  }
0x19: {  	[sflag:s10] =	ssyncset.done $0x0  }
0x1a: {  	[sflag:s10] =	ssyncadd.s32 $0xFFFFFFB0  }
0x1b: {  	s18 =	simm.s32 $0x280;
	[bflag:$0x0] =	sbarrier.arrive $0xFFFF  }
0x1c: {  	[spmem:s1] =	stream.indirect.scatter.add.f32 [tilespmem:s11], [sflag:$0x1], $0x1, s18, s14, $0xb8;
	[tilespmem:$0x2B00] =	vst v63  }
0x1d: {  	s18 =	simm.s32 $0x200;
	_ =	swait.ge [sflag:s10], $0x80  }
.LBB2_2:
0x1e: {  	s19 =	sshra.s32 s18, $0x2;
	[sflag:s10] =	ssyncset.done $0x0;
	p0 =	sne.s32 s18, $0x9E00  }
.Ltmp0:
0x1f: {  	s19 =	sadd.s32 $0x280, s19;
	[sflag:s10] =	ssyncadd.s32 $0xFFFFFF80;
	(pc) =	sbr.rel @p0 .LBB2_2-.Ltmp0, $3  }
0x20: {  	[spmem:s1] =	stream.indirect.scatter.add.f32 [tilespmem:s11], [sflag:$0x1], $0x1, s19, s14, $0xb8;
	[tilespmem:$0x2B00] =	vst v63  }
0x21: {  	s18 =	sadd.s32 $0x200, s18;
	_ =	sdelay $0x1  }
0x22: {  	_ =	swait.ge [sflag:s10], $0x80  }
0x23: {  	[sflag:s10] =	ssyncset.done $0x0;
	s17 =	sadd.s32 $0x1, s17  }
0x24: {  	[sflag:s10] =	ssyncadd.s32 $0xFFFFFF80;
	p0 =	sne.s32 s17, s8  }
.Ltmp1:
0x25: {  	[bflag:$0x0] =	sbarrier.arrive $0xFFFF;
	(pc) =	sbr.rel @p0 .LBB2_1-.Ltmp1, $4  }
0x26: {  	[hbm:s7@s15], [sflag:s12] =	dma.strided [spmem:s13@s16], $0x50, s10, $0x10   }
0x27: {  	_ =	swait.ge [sflag:s10], $0x50  }
0x28: {  	[sflag:s10] =	ssyncset.done $0x0  }
0x29: {  	[sflag:s10] =	ssyncadd.s32 $0xFFFFFFB0  }
0x2a: {  	_ =	sfence.sel $0x180000  }
0x2b: {  	[bflag:$0x0] =	sbarrier.arrive $0xFFFF  }
0x2c: {  	p0 =	sne.s32 s2, $0x0;
	_ =	strace $0x90000047  }
0x2d: {  	s0 =	sadd.s32 @!p0 $0x100000, s0;
	[bflag:$0x2] =	sbarrier.arrive $0xFFFF  }
0x2e: {  	[sflag:s0] =	ssyncadd.tile.s32 @!p0 $0x1;
	_ =	shalt  }
.Lfunc_end2:
_tile_overlayer_lowered:
.L_overlay_start_2:
0x2f: {  	(tag) =	ssettag $0x2  }
0x30: {  	s0 =	rddreg [dreg:$0x0];
	s2 =	stileid.u32  }
0x31: {  	s1 =	rddreg [dreg:$0x1];
	p0 =	sne.s32 s2, $0x0  }
0x32: {  	s3 =	rddreg [dreg:$0x2];
	[bflag:$0x3] =	sbarrier.arrive $0xFFFF;
	s2 =	simm.s32 @!p0 $0x1C01  }
0x33: {  	[timem:s3], [sflag:s2] =	dma.local @!p0 [hbm:s0], s1  }
0x34: {  	s0 =	simm.s32 @!p0 $0x1  }
0x35: {  	_ =	swait.ge @!p0 [sflag:s0], s1  }
0x36: {  	s1 =	ssub.s32 @!p0 $0x0, s1;
	[sflag:s0] =	ssyncset.done @!p0 $0x0  }
0x37: {  	[sflag:s0] =	ssyncadd.s32 @!p0 s1  }
0x38: {  	[bflag:$0x3] =	sbarrier.arrive $0xFFFF  }
0x39: {  	_ =	shalt  }

// kernel: kernel.13.cloned.1.call-start
scs
__scs_entry_jumppad:
0x0: {  	(pc) =	sbr.rel $0x88, $3  }
0x1: {  	(tag) =	ssettag $0x0;
	lr =	simm.s32 $0x1  }
0x2: {  	[smem:$0x3F95] =	sst lr;
	_ =	strace $0xD0000000  }
0x3: {  	_ = 	snop  }
0x4: {  	_ = 	snop  }
0x5: {  	_ = 	snop  }
0x6: {  	_ = 	snop  }
0x7: {  	_ = 	snop  }
__scs_overlays_trampoline_lowered:
0x8: {  	[smem:$0x3FA4] =	sst s0  }
0x9: {  	[smem:$0x3FA5] =	sst s1  }
0xa: {  	[smem:$0x3FA6] =	sst s2  }
0xb: {  	[smem:$0x3FA7] =	sst s3  }
0xc: {  	[smem:$0x3FA8] =	sst s4  }
0xd: {  	[smem:$0x3FA9] =	sst s5  }
0xe: {  	[smem:$0x3FAA] =	sst s6  }
0xf: {  	[smem:$0x3FAB] =	sst s7  }
0x10: {  	[smem:$0x3FAC] =	sst s8  }
0x11: {  	[smem:$0x3FAD] =	sst s9;
	s0 =	simm.s32 @!p0 $0x0  }
0x12: {  	s1 =	sld [smem:$0x3F93];
	s0 =	simm.s32 @p0 $0x1  }
0x13: {  	[smem:$0x3FAE] =	sst s0;
	s0 =	simm.s32 @!p1 $0x0  }
0x14: {  	s2 =	sld [smem:$0x3F92];
	s0 =	simm.s32 @p1 $0x1  }
0x15: {  	[smem:$0x3FAF] =	sst s0;
	s0 =	simm.s32 @!p2 $0x0  }
0x16: {  	s3 =	sld [smem:$0x3FDB];
	s0 =	simm.s32 @p2 $0x1  }
0x17: {  	s4 =	simm.s32 $0x1BF5;
	[smem:$0x3FB1] =	sst s0  }
0x18: {  	s0 =	sld [smem:$0x3F94];
	_ =	swait.ge [sflag:s4], $0x0  }
0x19: {  	s7 =	sld [smem:$0x3F95]  }
0x1a: {  	s8 =	sadd.s32 $0xFFFFE003, lr  }
0x1b: {  	s9 =	sadd.s32 $0xFFFFFEF7, lr;
	s5 =	simm.s32 $0xFFFFFFFF;
	p2 =	slt.u32 s8, $0xFFFFF086  }
0x1c: {  	p1 =	slt.u32 s9, $0xF7A;
	s5 =	simm.s32 @!p2 $0x0  }
0x1d: {  	s5 =	simm.s32 @p1 $0x1;
	p0 =	seq.s32 s7, s2  }
0x1e: {  	s7 =	smul.u32 @!p0 $0xF7A, s2;
	p2 =	seq.s32 @!p0 s5, $0x0  }
0x1f: {  	s9 =	smul.u32 $0xF7A, s1;
	s8 =	simm.s32 @!p0 $0x1BF5;
	p2 =	por !p2, p0  }
0x20: {  	[sflag:s8] =	ssyncset.s32 @!p0 $0xFFFFF086;
	s6 =	sadd.s32 @!p0 s3, s7;
	s7 =	simm.s32 @!p0 $0x108  }
0x21: {  	s3 =	sadd.s32 s3, s9;
	s6 =	sadd.s32 @!p0 $0x88, s6;
	s7 =	simm.s32 @p2 $0x1082  }
0x22: {  	[simem:s7], [sflag:s8] =	dma.local @!p0 [hbm:s6], $0xF7A  }
0x23: {  	s9 =	sor.u32 $0xD0000000, s2;
	s6 =	simm.s32 $0x108;
	_ =	swait.ge @!p0 [sflag:s8], $0x0  }
0x24: {  	s3 =	sadd.s32 $0x88, s3;
	s6 =	simm.s32 @!p1 $0x1082;
	[sflag:s4] =	ssyncset.s32 $0xFFFFF086  }
0x25: {  	[simem:s6], [sflag:s4] =	dma.local [hbm:s3], $0xF7A  }
0x26: {  	[smem:$0x3F95] =	sst s1;
	(tag) =	ssettag s2;
	_ =	strace s9  }
0x27: {  	s1 =	sld [smem:$0x3FA5]  }
0x28: {  	s2 =	sld [smem:$0x3FA6]  }
0x29: {  	s4 =	sld [smem:$0x3FA8]  }
0x2a: {  	p0 =	seq.s32 s5, $0x0;
	s5 =	sld [smem:$0x3FA9]  }
0x2b: {  	s6 =	sld [smem:$0x3FAA]  }
0x2c: {  	s7 =	sld [smem:$0x3FAB]  }
0x2d: {  	s3 =	simm.s32 $0x108;
	s8 =	sld [smem:$0x3FAC]  }
0x2e: {  	s3 =	simm.s32 @!p0 $0x1082;
	s9 =	sld [smem:$0x3FAD]  }
0x2f: {  	lr =	sadd.s32 s0, s3;
	s0 =	sld [smem:$0x3FA4]  }
0x30: {  	s3 =	sld [smem:$0x3FA7]  }
0x31: {  	[smem:$0x3FB0] =	sst s10  }
0x32: {  	s10 =	sld [smem:$0x3FAE];
	_ =	sdelay $0x3  }
0x33: {  	p0 =	seq.s32 s10, $0x1;
	s10 =	sld [smem:$0x3FB0];
	_ =	sdelay $0x3  }
0x34: {  	[smem:$0x3FB0] =	sst s10  }
0x35: {  	s10 =	sld [smem:$0x3FAF];
	_ =	sdelay $0x3  }
0x36: {  	p1 =	seq.s32 s10, $0x1;
	s10 =	sld [smem:$0x3FB0];
	_ =	sdelay $0x3  }
0x37: {  	[smem:$0x3FB0] =	sst s10  }
0x38: {  	s10 =	sld [smem:$0x3FB1]  }
0x39: {  	_ = 	snop;
	(pc) =	sbr.ind lr, $3  }
0x3a: {  	_ = 	snop  }
0x3b: {  	_ = 	snop  }
0x3c: {  	p2 =	seq.s32 s10, $0x1;
	s10 =	sld [smem:$0x3FB0]  }
0x3d: {  	_ =	shalt  }
0x3e: {  	_ =	shalt  }
0x3f: {  	_ =	shalt  }
0x40: {  	_ =	shalt  }
0x41: {  	_ =	shalt  }
0x42: {  	_ =	shalt  }
0x43: {  	_ =	shalt  }
0x44: {  	_ =	shalt  }
0x45: {  	_ =	shalt  }
0x46: {  	_ =	shalt  }
0x47: {  	_ =	shalt  }
0x48: {  	_ =	shalt  }
0x49: {  	_ =	shalt  }
0x4a: {  	_ =	shalt  }
0x4b: {  	_ =	shalt  }
0x4c: {  	_ =	shalt  }
0x4d: {  	_ =	shalt  }
0x4e: {  	_ =	shalt  }
0x4f: {  	_ =	shalt  }
0x50: {  	_ =	shalt  }
0x51: {  	_ =	shalt  }
0x52: {  	_ =	shalt  }
0x53: {  	_ =	shalt  }
0x54: {  	_ =	shalt  }
0x55: {  	_ =	shalt  }
0x56: {  	_ =	shalt  }
0x57: {  	_ =	shalt  }
0x58: {  	_ =	shalt  }
0x59: {  	_ =	shalt  }
0x5a: {  	_ =	shalt  }
0x5b: {  	_ =	shalt  }
0x5c: {  	_ =	shalt  }
0x5d: {  	_ =	shalt  }
0x5e: {  	_ =	shalt  }
0x5f: {  	_ =	shalt  }
0x60: {  	_ =	shalt  }
0x61: {  	_ =	shalt  }
0x62: {  	_ =	shalt  }
0x63: {  	_ =	shalt  }
0x64: {  	_ =	shalt  }
0x65: {  	_ =	shalt  }
0x66: {  	_ =	shalt  }
0x67: {  	_ =	shalt  }
0x68: {  	_ =	shalt  }
0x69: {  	_ =	shalt  }
0x6a: {  	_ =	shalt  }
0x6b: {  	_ =	shalt  }
0x6c: {  	_ =	shalt  }
0x6d: {  	_ =	shalt  }
0x6e: {  	_ =	shalt  }
0x6f: {  	_ =	shalt  }
0x70: {  	_ =	shalt  }
0x71: {  	_ =	shalt  }
0x72: {  	_ =	shalt  }
0x73: {  	_ =	shalt  }
0x74: {  	_ =	shalt  }
0x75: {  	_ =	shalt  }
0x76: {  	_ =	shalt  }
0x77: {  	_ =	shalt  }
0x78: {  	_ =	shalt  }
0x79: {  	_ =	shalt  }
0x7a: {  	_ =	shalt  }
0x7b: {  	_ =	shalt  }
0x7c: {  	_ =	shalt  }
0x7d: {  	_ =	shalt  }
0x7e: {  	_ =	shalt  }
0x7f: {  	_ =	shalt  }
0x80: {  	_ =	shalt  }
0x81: {  	_ =	shalt  }
0x82: {  	_ =	shalt  }
0x83: {  	_ =	shalt  }
0x84: {  	_ =	shalt  }
0x85: {  	_ =	shalt  }
0x86: {  	_ =	shalt  }
0x87: {  	_ =	shalt  }
.Lfunc_end0:
.L_simem_size_0:
called_computation.1_lowered:
.L_overlay_start_0:
0x88: {  	s2 =	sld [smem:$0x3FD9]  }
0x89: {  	s3 =	sld [smem:$0x3FFE];
	_ =	sdelay $0x1  }
0x8a: {  	s1 =	srdreg.scid  }
0x8b: {  	s0 =	sand.u32 $0x1, s1  }
0x8c: {  	s17 =	sshll.u32 s0, $0xA;
	s2 =	sadd.s32 s3, s2  }
0x8d: {  	s2 =	sadd.s32 s2, s17  }
0x8e: {  	[smem:$0x3FBC] =	sst s2  }
0x8f: {  	_ = 	snop  }
0x90: {  	s2 =	sld [smem:$0x3FD0];
	(tm) =	ssettm $0x1  }
0x91: {  	s18 =	sld [smem:$0x3FFB];
	_ =	sdelay $0x3  }
0x92: {  	_ =	strace s18  }
0x93: {  	s3 =	sld [smem:$0x3FFC];
	_ =	sdelay $0x3  }
0x94: {  	_ =	strace s3  }
0x95: {  	s3 =	sld [smem:$0x3FFD];
	_ =	sdelay $0x3  }
0x96: {  	_ =	strace s3  }
0x97: {  	_ =	strace $0x8FFFFFFF  }
0x98: {  	s19 =	sld [smem:$0x3FDB];
	_ =	sdelay $0x1  }
0x99: {  	s4 =	simm.s32 $_scs_section_size  }
0x9a: {  	s5 =	simm.s32 $_size__tile_overlayer_lowered;
	s6 =	simm.s32 $_tile_overlayer_lowered  }
0x9b: {  	s22 =	simm.s32 $0x1BFF;
	s21 =	sshll.u32 s6, $0x1;
	s3 =	sadd.s32 s4, s19  }
0x9c: {  	s7 =	simm.s32 $0x0;
	s20 =	sshll.u32 s5, $0x1;
	s5 =	sadd.s32 s21, s3  }
0x9d: {  	[timem:s7], [sflag:s22] =	dma.local [hbm:s5], s20  }
0x9e: {  	_ =	swait.ge [sflag:s22], s20  }
0x9f: {  	s4 =	ssub.s32 $0x0, s20;
	[sflag:s22] =	ssyncset.done $0x0  }
0xa0: {  	[sflag:s22] =	ssyncadd.s32 s4;
	_ =	sdelay $0x1  }
0xa1: {  	s23 =	simm.s32 $0x1B8B  }
0xa2: {  	_ =	swait.ge [sflag:s23], $0x1  }
0xa3: {  	[sflag:s23] =	ssyncset.done $0x0  }
0xa4: {  	s25 =	simm.s32 $0x1B8E;
	s24 =	sld [smem:$0x3FFE];
	[sflag:s23] =	ssyncadd.s32 $0xFFFFFFFF  }
0xa5: {  	s26 =	simm.s32 $execute0_lowered;
	[smem:$0x3FD2] =	sst s25  }
0xa6: {  	s5 =	sshll.u32 s26, $0x1;
	_ =	strace $0x80000049;
	[dreg:$0x1] =	wrdreg $0xFFFFFFFF  }
0xa7: {  	s28 =	simm.s32 $_size_execute0_lowered;
	s3 =	sadd.s32 s3, s5;
	[dreg:$0x0] =	wrdreg $0x0  }
0xa8: {  	s5 =	sshll.u32 s28, $0x1;
	[dreg:$0x2] =	wrdreg s3  }
0xa9: {  	[dreg:$0x3] =	wrdreg s5  }
0xaa: {  	[dreg:$0x4] =	wrdreg $0xC0  }
0xab: {  	_ =	task [dreg:s7], $0x5FFFF  }
0xac: {  	[dreg:$0x1] =	wrdreg $0xFFFFFFFF  }
0xad: {  	[dreg:$0x0] =	wrdreg $0x60  }
0xae: {  	[dreg:$0x2] =	wrdreg s24  }
0xaf: {  	[dreg:$0x3] =	wrdreg s2  }
0xb0: {  	[dreg:$0x4] =	wrdreg $0x0  }
0xb1: {  	[dreg:$0x5] =	wrdreg $0x9  }
0xb2: {  	_ =	task.clear_ibuf [dreg:s7], $0x6FFFF;
	_ =	strace $0x90000049  }
0xb3: {  	s29 =	simm.s32 $0x9;
	_ =	strace $0x8000004B  }
0xb4: {  	_ =	swait.ge [sflag:s29], $0x1  }
0xb5: {  	[sflag:s29] =	ssyncadd.s32 $0xFFFFFFFF  }
0xb6: {  	_ =	strace $0x9000004B  }
0xb7: {  	_ =	sfence  }
0xb8: {  	s30 =	sld [smem:$0x0];
	_ =	sdelay $0x2  }
0xb9: {  	s31 =	sshll.u32 s1, $0xD;
	s1 =	sshrl.u32 s1, $0x2  }
0xba: {  	s3 =	sand.u32 $0x4000, s31;
	s1 =	sadd.s32 s1, s30  }
0xbb: {  	s0 =	sor.u32 s3, s0;
	s1 =	sshll.u32 s1, $0x11  }
0xbc: {  	s0 =	sor.u32 s1, s0  }
0xbd: {  	s0 =	sadd.s32 $0x8F2B, s0  }
0xbe: {  	[sflag:s0] =	ssyncadd.remote.s32 $0x1  }
0xbf: {  	_ =	sfence.sel $0xFFFF  }
0xc0: {  	[dreg:$0x0] =	wrdreg $0xFFFFFFFF;
	(pc) =	sbr.abs _section_cstart, $3  }
0xc1: {  	[dreg:$0x1] =	wrdreg $0xFFFFFFFF  }
0xc2: {  	_ =	task.clear_ibuf [dreg:s7], $0x2FFFF;
	_ =	strace $0x9FFFFFFF  }
0xc3: {  	(tm) =	ssettm $0x7FFFFFFF  }
tec
execute0_lowered:
.L_overlay_start_1:
0x0: {  	(tag) =	ssettag $0x1  }
0x1: {  	s0 =	rddreg [dreg:$0x0]  }
0x2: {  	s1 =	rddreg [dreg:$0x1]  }
0x3: {  	s3 =	srdreg.scid;
	s2 =	rddreg [dreg:$0x2]  }
0x4: {  	s11 =	stileid.u32;
	s13 =	simm.s32 $0x14100;
	s14 =	simm.s32 $0x14880  }
0x5: {  	s15 =	simm.s32 $0x14180;
	s5 =	sand.u32 $0x1, s3;
	s3 =	simm.s32 $0x0  }
0x6: {  	s17 =	simm.s32 $0x14900;
	s9 =	sadd.s32 $0x4000, s0;
	[smem:$0x7FF] =	sst s3  }
0x7: {  	s18 =	simm.s32 $0x14200;
	_ =	strace $0x8000004A;
	[dreg:$0x14] =	wrdreg s9  }
0x8: {  	s19 =	simm.s32 $0x14980;
	s20 =	simm.s32 $0x14280;
	[dreg:$0x7] =	wrdreg s13  }
0x9: {  	s21 =	simm.s32 $0x14A00;
	s22 =	simm.s32 $0x14300;
	[dreg:$0x8] =	wrdreg s14  }
0xa: {  	s23 =	simm.s32 $0x14A80;
	s24 =	simm.s32 $0x14380;
	[dreg:$0x9] =	wrdreg s15  }
0xb: {  	s28 =	simm.s32 $0x14680;
	s29 =	simm.s32 $0x14E00;
	[dreg:$0xa] =	wrdreg s17  }
0xc: {  	s30 =	simm.s32 $0x14700;
	s6 =	smul.u32 $0x2800, s11;
	[dreg:$0xb] =	wrdreg s18  }
0xd: {  	s31 =	simm.s32 $0x14E80;
	s8 =	smul.u32 $0x14000, s11;
	[dreg:$0xc] =	wrdreg s19  }
0xe: {  	s10 =	smul.u32 $0x50000, s11;
	s12 =	sshll.u32 s11, $0x6;
	[dreg:$0xd] =	wrdreg s20  }
0xf: {  	s11 =	simm.s32 $0x14000;
	s4 =	smul.u32 $0x28000, s5;
	[dreg:$0xe] =	wrdreg s21  }
0x10: {  	s7 =	smul.u32 $0x140000, s5;
	s5 =	ssub.s32 $0x2, s5;
	[dreg:$0xf] =	wrdreg s22  }
0x11: {  	s26 =	sshrl.u32 s5, $0x1;
	s13 =	simm.s32 $0x80;
	[dreg:$0x10] =	wrdreg s23  }
0x12: {  	s14 =	simm.s32 $0x15000;
	s15 =	simm.s32 $0x19000;
	[dreg:$0x11] =	wrdreg s24  }
0x13: {  	s17 =	simm.s32 $0x2;
	s18 =	simm.s32 $0x14B80;
	s19 =	simm.s32 $0x14480  }
0x14: {  	s20 =	simm.s32 $0x14C00;
	s21 =	simm.s32 $0x14500;
	s22 =	simm.s32 $0x14C80  }
0x15: {  	s23 =	simm.s32 $0x14580;
	s24 =	simm.s32 $0x14D00;
	s6 =	sadd.s32 s6, s4  }
0x16: {  	s4 =	sadd.s32 $0x68E00, s0;
	s7 =	sadd.s32 s8, s7;
	s5 =	ssub.s32 s5, s26  }
0x17: {  	s8 =	sshrl.u32 s10, $0x2;
	s10 =	simm.s32 $0x14080;
	s26 =	simm.s32 $0x14400  }
0x18: {  	s6 =	sshrl.u32 s6, $0x3;
	s7 =	sshrl.u32 s7, $0x3;
	[dreg:$0x6] =	wrdreg s10  }
0x19: {  	s16 =	smax.u32 s5, $0x1;
	s10 =	simm.s32 $0x3;
	[dreg:$0x13] =	wrdreg s26  }
0x1a: {  	s26 =	simm.s32 $0x14D80;
	s5 =	simm.s32 $0x14F80;
	s25 =	sadd.s32 s6, s0  }
0x1b: {  	s0 =	sadd.s32 s7, s0;
	s1 =	sadd.s32 s6, s1;
	[dreg:$0x17] =	wrdreg s16  }
0x1c: {  	s6 =	sadd.s32 s8, s2;
	s7 =	sor.u32 $0x1C03, s12;
	[dreg:$0x4] =	wrdreg s1  }
0x1d: {  	s12 =	simm.s32 $0x14800;
	s9 =	sadd.s32 $0xEE00, s25;
	[dreg:$0x15] =	wrdreg s7  }
0x1e: {  	s16 =	simm.s32 $0x1;
	s0 =	sadd.s32 $0x90E00, s0;
	[dreg:$0x5] =	wrdreg s9  }
0x1f: {  	s8 =	sshrl.u32 s6, $0x3;
	s25 =	simm.s32 $0x14B00;
	[dreg:$0x16] =	wrdreg s0  }
0x20: {  	s1 =	simm.s32 $0x14F00;
	[dreg:$0x12] =	wrdreg s25;
	s25 =	simm.s32 $0x14600  }
0x21: {  	s0 =	simm.s32 $0x14780;
	s9 =	simm.s32 $0x0;
	[dreg:$0x18] =	wrdreg s8  }
.LBB2_1:
0x22: {  	[dreg:$0x19] =	wrdreg s9  }
0x23: {  	s6 =	rddreg [dreg:$0x14]  }
0x24: {  	[spmem:s8], [sflag:s7] =	dma.local [hbm:s6], $0x2800  }
0x25: {  	_ =	swait.ge [sflag:s10], $0x2800  }
0x26: {  	[sflag:s10] =	ssyncset.done $0x0  }
0x27: {  	[sflag:s10] =	ssyncadd.s32 $0xFFFFD800  }
0x28: {  	[bflag:$0x0] =	sbarrier.arrive $0xFFFF  }
0x29: {  	s9 =	rddreg [dreg:$0x5]  }
0x2a: {  	s6 =	sadd.s32 $0x0, s9  }
0x2b: {  	[tilespmem:s11], [sflag:$0x3] =	stream.linear.gather [hbm4b:s6+s3], $0x800, $0x38;
	[tilespmem:$0x1D000] =	vst v63  }
0x2c: {  	_ =	swait.ge [sflag:s10], $0x800  }
0x2d: {  	s7 =	rddreg [dreg:$0x4];
	[sflag:s10] =	ssyncset.done $0x0  }
0x2e: {  	[sflag:s10] =	ssyncadd.s32 $0xFFFFF800;
	s6 =	sadd.s32 $0x0, s7  }
0x2f: {  	[tilespmem:s12], [sflag:$0x3] =	stream.linear.gather [hbm4b:s6+s3], $0x800, $0x38;
	[tilespmem:$0x1D000] =	vst v63  }
0x30: {  	_ =	swait.ge [sflag:s10], $0x800  }
0x31: {  	[sflag:s10] =	ssyncset.done $0x0  }
0x32: {  	[sflag:s10] =	ssyncadd.s32 $0xFFFFF800  }
0x33: {  	[tilespmem:s14], [sflag:$0x1] =	stream.indirect.gather [hbm4b:s4+s13], $0x80, s11, s13, $0xb8;
	[tilespmem:$0x1D000] =	vst v63  }
0x34: {  	s8 =	rddreg [dreg:$0x6]  }
0x35: {  	[tilespmem:s15], [sflag:$0x2] =	stream.indirect.gather [hbm4b:s4+s13], $0x80, s8, s13, $0xb8;
	[tilespmem:$0x1D000] =	vst v63  }
0x36: {  	_ =	swait.ge [sflag:s16], $0x4000  }
0x37: {  	[sflag:s16] =	ssyncset.done $0x0  }
0x38: {  	[sflag:s16] =	ssyncadd.s32 $0xFFFFC000  }
0x39: {  	[spmem:s2] =	stream.indirect.scatter.add.f32 [tilespmem:s14], [sflag:$0x3], $0x80, s12, s13, $0xb8;
	[tilespmem:$0x1D000] =	vst v63  }
0x3a: {  	_ =	swait.ge [sflag:s10], $0x4000  }
0x3b: {  	[sflag:s10] =	ssyncset.done $0x0  }
0x3c: {  	s9 =	rddreg [dreg:$0x7];
	[sflag:s10] =	ssyncadd.s32 $0xFFFFC000  }
0x3d: {  	[tilespmem:s14], [sflag:$0x1] =	stream.indirect.gather [hbm4b:s4+s13], $0x80, s9, s13, $0xb8;
	[tilespmem:$0x1D000] =	vst v63  }
0x3e: {  	_ =	swait.ge [sflag:s17], $0x4000  }
0x3f: {  	[sflag:s17] =	ssyncset.done $0x0  }
0x40: {  	s7 =	rddreg [dreg:$0x8];
	[sflag:s17] =	ssyncadd.s32 $0xFFFFC000  }
0x41: {  	[spmem:s2] =	stream.indirect.scatter.add.f32 [tilespmem:s15], [sflag:$0x3], $0x80, s7, s13, $0xb8;
	[tilespmem:$0x1D000] =	vst v63  }
0x42: {  	_ =	swait.ge [sflag:s10], $0x4000  }
0x43: {  	[sflag:s10] =	ssyncset.done $0x0  }
0x44: {  	s8 =	rddreg [dreg:$0x9];
	[sflag:s10] =	ssyncadd.s32 $0xFFFFC000  }
0x45: {  	[tilespmem:s15], [sflag:$0x2] =	stream.indirect.gather [hbm4b:s4+s13], $0x80, s8, s13, $0xb8;
	[tilespmem:$0x1D000] =	vst v63  }
0x46: {  	_ =	swait.ge [sflag:s16], $0x4000  }
0x47: {  	[sflag:s16] =	ssyncset.done $0x0  }
0x48: {  	s9 =	rddreg [dreg:$0xa];
	[sflag:s16] =	ssyncadd.s32 $0xFFFFC000  }
0x49: {  	[spmem:s2] =	stream.indirect.scatter.add.f32 [tilespmem:s14], [sflag:$0x3], $0x80, s9, s13, $0xb8;
	[tilespmem:$0x1D000] =	vst v63  }
0x4a: {  	_ =	swait.ge [sflag:s10], $0x4000  }
0x4b: {  	[sflag:s10] =	ssyncset.done $0x0  }
0x4c: {  	s7 =	rddreg [dreg:$0xb];
	[sflag:s10] =	ssyncadd.s32 $0xFFFFC000  }
0x4d: {  	[tilespmem:s14], [sflag:$0x1] =	stream.indirect.gather [hbm4b:s4+s13], $0x80, s7, s13, $0xb8;
	[tilespmem:$0x1D000] =	vst v63  }
0x4e: {  	_ =	swait.ge [sflag:s17], $0x4000  }
0x4f: {  	[sflag:s17] =	ssyncset.done $0x0  }
0x50: {  	s8 =	rddreg [dreg:$0xc];
	[sflag:s17] =	ssyncadd.s32 $0xFFFFC000  }
0x51: {  	[spmem:s2] =	stream.indirect.scatter.add.f32 [tilespmem:s15], [sflag:$0x3], $0x80, s8, s13, $0xb8;
	[tilespmem:$0x1D000] =	vst v63  }
0x52: {  	_ =	swait.ge [sflag:s10], $0x4000  }
0x53: {  	[sflag:s10] =	ssyncset.done $0x0  }
0x54: {  	s9 =	rddreg [dreg:$0xd];
	[sflag:s10] =	ssyncadd.s32 $0xFFFFC000  }
0x55: {  	[tilespmem:s15], [sflag:$0x2] =	stream.indirect.gather [hbm4b:s4+s13], $0x80, s9, s13, $0xb8;
	[tilespmem:$0x1D000] =	vst v63  }
0x56: {  	_ =	swait.ge [sflag:s16], $0x4000  }
0x57: {  	[sflag:s16] =	ssyncset.done $0x0  }
0x58: {  	s7 =	rddreg [dreg:$0xe];
	[sflag:s16] =	ssyncadd.s32 $0xFFFFC000  }
0x59: {  	[spmem:s2] =	stream.indirect.scatter.add.f32 [tilespmem:s14], [sflag:$0x3], $0x80, s7, s13, $0xb8;
	[tilespmem:$0x1D000] =	vst v63  }
0x5a: {  	_ =	swait.ge [sflag:s10], $0x4000  }
0x5b: {  	[sflag:s10] =	ssyncset.done $0x0  }
0x5c: {  	s8 =	rddreg [dreg:$0xf];
	[sflag:s10] =	ssyncadd.s32 $0xFFFFC000  }
0x5d: {  	[tilespmem:s14], [sflag:$0x1] =	stream.indirect.gather [hbm4b:s4+s13], $0x80, s8, s13, $0xb8;
	[tilespmem:$0x1D000] =	vst v63  }
0x5e: {  	_ =	swait.ge [sflag:s17], $0x4000  }
0x5f: {  	[sflag:s17] =	ssyncset.done $0x0  }
0x60: {  	s9 =	rddreg [dreg:$0x10];
	[sflag:s17] =	ssyncadd.s32 $0xFFFFC000  }
0x61: {  	[spmem:s2] =	stream.indirect.scatter.add.f32 [tilespmem:s15], [sflag:$0x3], $0x80, s9, s13, $0xb8;
	[tilespmem:$0x1D000] =	vst v63  }
0x62: {  	_ =	swait.ge [sflag:s10], $0x4000  }
0x63: {  	[sflag:s10] =	ssyncset.done $0x0  }
0x64: {  	s7 =	rddreg [dreg:$0x11];
	[sflag:s10] =	ssyncadd.s32 $0xFFFFC000  }
0x65: {  	[tilespmem:s15], [sflag:$0x2] =	stream.indirect.gather [hbm4b:s4+s13], $0x80, s7, s13, $0xb8;
	[tilespmem:$0x1D000] =	vst v63  }
0x66: {  	_ =	swait.ge [sflag:s16], $0x4000  }
0x67: {  	[sflag:s16] =	ssyncset.done $0x0  }
0x68: {  	s8 =	rddreg [dreg:$0x12];
	[sflag:s16] =	ssyncadd.s32 $0xFFFFC000  }
0x69: {  	[spmem:s2] =	stream.indirect.scatter.add.f32 [tilespmem:s14], [sflag:$0x3], $0x80, s8, s13, $0xb8;
	[tilespmem:$0x1D000] =	vst v63  }
0x6a: {  	_ =	swait.ge [sflag:s10], $0x4000  }
0x6b: {  	[sflag:s10] =	ssyncset.done $0x0  }
0x6c: {  	s9 =	rddreg [dreg:$0x13];
	[sflag:s10] =	ssyncadd.s32 $0xFFFFC000  }
0x6d: {  	[tilespmem:s14], [sflag:$0x1] =	stream.indirect.gather [hbm4b:s4+s13], $0x80, s9, s13, $0xb8;
	[tilespmem:$0x1D000] =	vst v63  }
0x6e: {  	_ =	swait.ge [sflag:s17], $0x4000  }
0x6f: {  	[sflag:s17] =	ssyncset.done $0x0  }
0x70: {  	[sflag:s17] =	ssyncadd.s32 $0xFFFFC000  }
0x71: {  	[spmem:s2] =	stream.indirect.scatter.add.f32 [tilespmem:s15], [sflag:$0x3], $0x80, s18, s13, $0xb8;
	[tilespmem:$0x1D000] =	vst v63  }
0x72: {  	_ =	swait.ge [sflag:s10], $0x4000  }
0x73: {  	[sflag:s10] =	ssyncset.done $0x0  }
0x74: {  	[sflag:s10] =	ssyncadd.s32 $0xFFFFC000  }
0x75: {  	[tilespmem:s15], [sflag:$0x2] =	stream.indirect.gather [hbm4b:s4+s13], $0x80, s19, s13, $0xb8;
	[tilespmem:$0x1D000] =	vst v63  }
0x76: {  	_ =	swait.ge [sflag:s16], $0x4000  }
0x77: {  	[sflag:s16] =	ssyncset.done $0x0  }
0x78: {  	[sflag:s16] =	ssyncadd.s32 $0xFFFFC000  }
0x79: {  	[spmem:s2] =	stream.indirect.scatter.add.f32 [tilespmem:s14], [sflag:$0x3], $0x80, s20, s13, $0xb8;
	[tilespmem:$0x1D000] =	vst v63  }
0x7a: {  	_ =	swait.ge [sflag:s10], $0x4000  }
0x7b: {  	[sflag:s10] =	ssyncset.done $0x0  }
0x7c: {  	[sflag:s10] =	ssyncadd.s32 $0xFFFFC000  }
0x7d: {  	[tilespmem:s14], [sflag:$0x1] =	stream.indirect.gather [hbm4b:s4+s13], $0x80, s21, s13, $0xb8;
	[tilespmem:$0x1D000] =	vst v63  }
0x7e: {  	_ =	swait.ge [sflag:s17], $0x4000  }
0x7f: {  	[sflag:s17] =	ssyncset.done $0x0  }
0x80: {  	[sflag:s17] =	ssyncadd.s32 $0xFFFFC000  }
0x81: {  	[spmem:s2] =	stream.indirect.scatter.add.f32 [tilespmem:s15], [sflag:$0x3], $0x80, s22, s13, $0xb8;
	[tilespmem:$0x1D000] =	vst v63  }
0x82: {  	_ =	swait.ge [sflag:s10], $0x4000  }
0x83: {  	[sflag:s10] =	ssyncset.done $0x0  }
0x84: {  	[sflag:s10] =	ssyncadd.s32 $0xFFFFC000  }
0x85: {  	[tilespmem:s15], [sflag:$0x2] =	stream.indirect.gather [hbm4b:s4+s13], $0x80, s23, s13, $0xb8;
	[tilespmem:$0x1D000] =	vst v63  }
0x86: {  	_ =	swait.ge [sflag:s16], $0x4000  }
0x87: {  	[sflag:s16] =	ssyncset.done $0x0  }
0x88: {  	[sflag:s16] =	ssyncadd.s32 $0xFFFFC000  }
0x89: {  	[spmem:s2] =	stream.indirect.scatter.add.f32 [tilespmem:s14], [sflag:$0x3], $0x80, s24, s13, $0xb8;
	[tilespmem:$0x1D000] =	vst v63  }
0x8a: {  	_ =	swait.ge [sflag:s10], $0x4000  }
0x8b: {  	[sflag:s10] =	ssyncset.done $0x0  }
0x8c: {  	[sflag:s10] =	ssyncadd.s32 $0xFFFFC000  }
0x8d: {  	[tilespmem:s14], [sflag:$0x1] =	stream.indirect.gather [hbm4b:s4+s13], $0x80, s25, s13, $0xb8;
	[tilespmem:$0x1D000] =	vst v63  }
0x8e: {  	_ =	swait.ge [sflag:s17], $0x4000  }
0x8f: {  	[sflag:s17] =	ssyncset.done $0x0  }
0x90: {  	[sflag:s17] =	ssyncadd.s32 $0xFFFFC000  }
0x91: {  	[spmem:s2] =	stream.indirect.scatter.add.f32 [tilespmem:s15], [sflag:$0x3], $0x80, s26, s13, $0xb8;
	[tilespmem:$0x1D000] =	vst v63  }
0x92: {  	_ =	swait.ge [sflag:s10], $0x4000  }
0x93: {  	[sflag:s10] =	ssyncset.done $0x0  }
0x94: {  	[sflag:s10] =	ssyncadd.s32 $0xFFFFC000  }
0x95: {  	[tilespmem:s15], [sflag:$0x2] =	stream.indirect.gather [hbm4b:s4+s13], $0x80, s28, s13, $0xb8;
	[tilespmem:$0x1D000] =	vst v63  }
0x96: {  	_ =	swait.ge [sflag:s16], $0x4000  }
0x97: {  	[sflag:s16] =	ssyncset.done $0x0  }
0x98: {  	[sflag:s16] =	ssyncadd.s32 $0xFFFFC000  }
0x99: {  	[spmem:s2] =	stream.indirect.scatter.add.f32 [tilespmem:s14], [sflag:$0x3], $0x80, s29, s13, $0xb8;
	[tilespmem:$0x1D000] =	vst v63  }
0x9a: {  	_ =	swait.ge [sflag:s10], $0x4000  }
0x9b: {  	[sflag:s10] =	ssyncset.done $0x0  }
0x9c: {  	[sflag:s10] =	ssyncadd.s32 $0xFFFFC000  }
0x9d: {  	[tilespmem:s14], [sflag:$0x1] =	stream.indirect.gather [hbm4b:s4+s13], $0x80, s30, s13, $0xb8;
	[tilespmem:$0x1D000] =	vst v63  }
0x9e: {  	_ =	swait.ge [sflag:s17], $0x4000  }
0x9f: {  	[sflag:s17] =	ssyncset.done $0x0  }
0xa0: {  	[sflag:s17] =	ssyncadd.s32 $0xFFFFC000  }
0xa1: {  	[spmem:s2] =	stream.indirect.scatter.add.f32 [tilespmem:s15], [sflag:$0x3], $0x80, s31, s13, $0xb8;
	[tilespmem:$0x1D000] =	vst v63  }
0xa2: {  	_ =	swait.ge [sflag:s10], $0x4000  }
0xa3: {  	[sflag:s10] =	ssyncset.done $0x0  }
0xa4: {  	[sflag:s10] =	ssyncadd.s32 $0xFFFFC000  }
0xa5: {  	[tilespmem:s15], [sflag:$0x2] =	stream.indirect.gather [hbm4b:s4+s13], $0x80, s0, s13, $0xb8;
	[tilespmem:$0x1D000] =	vst v63  }
0xa6: {  	_ =	swait.ge [sflag:s16], $0x4000  }
0xa7: {  	[sflag:s16] =	ssyncset.done $0x0  }
0xa8: {  	[sflag:s16] =	ssyncadd.s32 $0xFFFFC000  }
0xa9: {  	[spmem:s2] =	stream.indirect.scatter.add.f32 [tilespmem:s14], [sflag:$0x3], $0x80, s1, s13, $0xb8;
	[tilespmem:$0x1D000] =	vst v63  }
0xaa: {  	_ =	swait.ge [sflag:s10], $0x4000  }
0xab: {  	[sflag:s10] =	ssyncset.done $0x0  }
0xac: {  	[sflag:s10] =	ssyncadd.s32 $0xFFFFC000  }
0xad: {  	[tilespmem:s14], [sflag:$0x1] =	stream.indirect.gather [hbm4b:s4+s13], $0x80, s0, s13, $0xb8;
	[tilespmem:$0x1D000] =	vst v63  }
0xae: {  	_ =	swait.ge [sflag:s17], $0x4000  }
0xaf: {  	[sflag:s17] =	ssyncset.done $0x0  }
0xb0: {  	[sflag:s17] =	ssyncadd.s32 $0xFFFFC000  }
0xb1: {  	[spmem:s2] =	stream.indirect.scatter.add.f32 [tilespmem:s15], [sflag:$0x3], $0x80, s5, s13, $0xb8;
	[tilespmem:$0x1D000] =	vst v63  }
0xb2: {  	_ =	swait.ge [sflag:s10], $0x4000  }
0xb3: {  	[sflag:s10] =	ssyncset.done $0x0  }
0xb4: {  	[sflag:s10] =	ssyncadd.s32 $0xFFFFC000  }
0xb5: {  	s6 =	simm.s32 $0x200;
	_ =	swait.ge [sflag:s16], $0x4000  }
0xb6: {  	s8 =	simm.s32 $0x100;
	s9 =	rddreg [dreg:$0x5];
	[sflag:s16] =	ssyncset.done $0x0  }
.LBB2_2:
0xb7: {  	[sflag:s16] =	ssyncadd.s32 $0xFFFFC000;
	s9 =	sadd.s32 s8, s9  }
0xb8: {  	[tilespmem:s11], [sflag:$0x3] =	stream.linear.gather [hbm4b:s9+s3], $0x800, $0x38;
	[tilespmem:$0x1D000] =	vst v63  }
0xb9: {  	_ =	swait.ge [sflag:s10], $0x800  }
0xba: {  	s9 =	rddreg [dreg:$0x4];
	[sflag:s10] =	ssyncset.done $0x0  }
0xbb: {  	[sflag:s10] =	ssyncadd.s32 $0xFFFFF800;
	s9 =	sadd.s32 s8, s9  }
0xbc: {  	[tilespmem:s12], [sflag:$0x3] =	stream.linear.gather [hbm4b:s9+s3], $0x800, $0x38;
	[tilespmem:$0x1D000] =	vst v63  }
0xbd: {  	_ =	swait.ge [sflag:s10], $0x800  }
0xbe: {  	[sflag:s10] =	ssyncset.done $0x0  }
0xbf: {  	[sflag:s10] =	ssyncadd.s32 $0xFFFFF800  }
0xc0: {  	[tilespmem:s14], [sflag:$0x1] =	stream.indirect.gather [hbm4b:s4+s13], $0x80, s11, s13, $0xb8;
	[tilespmem:$0x1D000] =	vst v63  }
0xc1: {  	s9 =	rddreg [dreg:$0x6]  }
0xc2: {  	[tilespmem:s15], [sflag:$0x2] =	stream.indirect.gather [hbm4b:s4+s13], $0x80, s9, s13, $0xb8;
	[tilespmem:$0x1D000] =	vst v63  }
0xc3: {  	_ =	swait.ge [sflag:s16], $0x4000  }
0xc4: {  	[sflag:s16] =	ssyncset.done $0x0  }
0xc5: {  	[sflag:s16] =	ssyncadd.s32 $0xFFFFC000  }
0xc6: {  	[spmem:s2] =	stream.indirect.scatter.add.f32 [tilespmem:s14], [sflag:$0x3], $0x80, s12, s13, $0xb8;
	[tilespmem:$0x1D000] =	vst v63  }
0xc7: {  	_ =	swait.ge [sflag:s10], $0x4000  }
0xc8: {  	[sflag:s10] =	ssyncset.done $0x0  }
0xc9: {  	s9 =	rddreg [dreg:$0x7];
	[sflag:s10] =	ssyncadd.s32 $0xFFFFC000  }
0xca: {  	[tilespmem:s14], [sflag:$0x1] =	stream.indirect.gather [hbm4b:s4+s13], $0x80, s9, s13, $0xb8;
	[tilespmem:$0x1D000] =	vst v63  }
0xcb: {  	_ =	swait.ge [sflag:s17], $0x4000  }
0xcc: {  	[sflag:s17] =	ssyncset.done $0x0  }
0xcd: {  	s9 =	rddreg [dreg:$0x8];
	[sflag:s17] =	ssyncadd.s32 $0xFFFFC000  }
0xce: {  	[spmem:s2] =	stream.indirect.scatter.add.f32 [tilespmem:s15], [sflag:$0x3], $0x80, s9, s13, $0xb8;
	[tilespmem:$0x1D000] =	vst v63  }
0xcf: {  	_ =	swait.ge [sflag:s10], $0x4000  }
0xd0: {  	[sflag:s10] =	ssyncset.done $0x0  }
0xd1: {  	s9 =	rddreg [dreg:$0x9];
	[sflag:s10] =	ssyncadd.s32 $0xFFFFC000  }
0xd2: {  	[tilespmem:s15], [sflag:$0x2] =	stream.indirect.gather [hbm4b:s4+s13], $0x80, s9, s13, $0xb8;
	[tilespmem:$0x1D000] =	vst v63  }
0xd3: {  	_ =	swait.ge [sflag:s16], $0x4000  }
0xd4: {  	[sflag:s16] =	ssyncset.done $0x0  }
0xd5: {  	s9 =	rddreg [dreg:$0xa];
	[sflag:s16] =	ssyncadd.s32 $0xFFFFC000  }
0xd6: {  	[spmem:s2] =	stream.indirect.scatter.add.f32 [tilespmem:s14], [sflag:$0x3], $0x80, s9, s13, $0xb8;
	[tilespmem:$0x1D000] =	vst v63  }
0xd7: {  	_ =	swait.ge [sflag:s10], $0x4000  }
0xd8: {  	[sflag:s10] =	ssyncset.done $0x0  }
0xd9: {  	s9 =	rddreg [dreg:$0xb];
	[sflag:s10] =	ssyncadd.s32 $0xFFFFC000  }
0xda: {  	[tilespmem:s14], [sflag:$0x1] =	stream.indirect.gather [hbm4b:s4+s13], $0x80, s9, s13, $0xb8;
	[tilespmem:$0x1D000] =	vst v63  }
0xdb: {  	_ =	swait.ge [sflag:s17], $0x4000  }
0xdc: {  	[sflag:s17] =	ssyncset.done $0x0  }
0xdd: {  	s9 =	rddreg [dreg:$0xc];
	[sflag:s17] =	ssyncadd.s32 $0xFFFFC000  }
0xde: {  	[spmem:s2] =	stream.indirect.scatter.add.f32 [tilespmem:s15], [sflag:$0x3], $0x80, s9, s13, $0xb8;
	[tilespmem:$0x1D000] =	vst v63  }
0xdf: {  	_ =	swait.ge [sflag:s10], $0x4000  }
0xe0: {  	[sflag:s10] =	ssyncset.done $0x0  }
0xe1: {  	s9 =	rddreg [dreg:$0xd];
	[sflag:s10] =	ssyncadd.s32 $0xFFFFC000  }
0xe2: {  	[tilespmem:s15], [sflag:$0x2] =	stream.indirect.gather [hbm4b:s4+s13], $0x80, s9, s13, $0xb8;
	[tilespmem:$0x1D000] =	vst v63  }
0xe3: {  	_ =	swait.ge [sflag:s16], $0x4000  }
0xe4: {  	[sflag:s16] =	ssyncset.done $0x0  }
0xe5: {  	s9 =	rddreg [dreg:$0xe];
	[sflag:s16] =	ssyncadd.s32 $0xFFFFC000  }
0xe6: {  	[spmem:s2] =	stream.indirect.scatter.add.f32 [tilespmem:s14], [sflag:$0x3], $0x80, s9, s13, $0xb8;
	[tilespmem:$0x1D000] =	vst v63  }
0xe7: {  	_ =	swait.ge [sflag:s10], $0x4000  }
0xe8: {  	[sflag:s10] =	ssyncset.done $0x0  }
0xe9: {  	s9 =	rddreg [dreg:$0xf];
	[sflag:s10] =	ssyncadd.s32 $0xFFFFC000  }
0xea: {  	[tilespmem:s14], [sflag:$0x1] =	stream.indirect.gather [hbm4b:s4+s13], $0x80, s9, s13, $0xb8;
	[tilespmem:$0x1D000] =	vst v63  }
0xeb: {  	_ =	swait.ge [sflag:s17], $0x4000  }
0xec: {  	[sflag:s17] =	ssyncset.done $0x0  }
0xed: {  	s9 =	rddreg [dreg:$0x10];
	[sflag:s17] =	ssyncadd.s32 $0xFFFFC000  }
0xee: {  	[spmem:s2] =	stream.indirect.scatter.add.f32 [tilespmem:s15], [sflag:$0x3], $0x80, s9, s13, $0xb8;
	[tilespmem:$0x1D000] =	vst v63  }
0xef: {  	_ =	swait.ge [sflag:s10], $0x4000  }
0xf0: {  	[sflag:s10] =	ssyncset.done $0x0  }
0xf1: {  	s9 =	rddreg [dreg:$0x11];
	[sflag:s10] =	ssyncadd.s32 $0xFFFFC000  }
0xf2: {  	[tilespmem:s15], [sflag:$0x2] =	stream.indirect.gather [hbm4b:s4+s13], $0x80, s9, s13, $0xb8;
	[tilespmem:$0x1D000] =	vst v63  }
0xf3: {  	_ =	swait.ge [sflag:s16], $0x4000  }
0xf4: {  	[sflag:s16] =	ssyncset.done $0x0  }
0xf5: {  	s9 =	rddreg [dreg:$0x12];
	[sflag:s16] =	ssyncadd.s32 $0xFFFFC000  }
0xf6: {  	[spmem:s2] =	stream.indirect.scatter.add.f32 [tilespmem:s14], [sflag:$0x3], $0x80, s9, s13, $0xb8;
	[tilespmem:$0x1D000] =	vst v63  }
0xf7: {  	_ =	swait.ge [sflag:s10], $0x4000  }
0xf8: {  	[sflag:s10] =	ssyncset.done $0x0  }
0xf9: {  	s9 =	rddreg [dreg:$0x13];
	[sflag:s10] =	ssyncadd.s32 $0xFFFFC000  }
0xfa: {  	[tilespmem:s14], [sflag:$0x1] =	stream.indirect.gather [hbm4b:s4+s13], $0x80, s9, s13, $0xb8;
	[tilespmem:$0x1D000] =	vst v63  }
0xfb: {  	_ =	swait.ge [sflag:s17], $0x4000  }
0xfc: {  	[sflag:s17] =	ssyncset.done $0x0  }
0xfd: {  	[sflag:s17] =	ssyncadd.s32 $0xFFFFC000  }
0xfe: {  	[spmem:s2] =	stream.indirect.scatter.add.f32 [tilespmem:s15], [sflag:$0x3], $0x80, s18, s13, $0xb8;
	[tilespmem:$0x1D000] =	vst v63  }
0xff: {  	_ =	swait.ge [sflag:s10], $0x4000  }
0x100: {  	[sflag:s10] =	ssyncset.done $0x0  }
0x101: {  	[sflag:s10] =	ssyncadd.s32 $0xFFFFC000  }
0x102: {  	[tilespmem:s15], [sflag:$0x2] =	stream.indirect.gather [hbm4b:s4+s13], $0x80, s19, s13, $0xb8;
	[tilespmem:$0x1D000] =	vst v63  }
0x103: {  	_ =	swait.ge [sflag:s16], $0x4000  }
0x104: {  	[sflag:s16] =	ssyncset.done $0x0  }
0x105: {  	[sflag:s16] =	ssyncadd.s32 $0xFFFFC000  }
0x106: {  	[spmem:s2] =	stream.indirect.scatter.add.f32 [tilespmem:s14], [sflag:$0x3], $0x80, s20, s13, $0xb8;
	[tilespmem:$0x1D000] =	vst v63  }
0x107: {  	_ =	swait.ge [sflag:s10], $0x4000  }
0x108: {  	[sflag:s10] =	ssyncset.done $0x0  }
0x109: {  	[sflag:s10] =	ssyncadd.s32 $0xFFFFC000  }
0x10a: {  	[tilespmem:s14], [sflag:$0x1] =	stream.indirect.gather [hbm4b:s4+s13], $0x80, s21, s13, $0xb8;
	[tilespmem:$0x1D000] =	vst v63  }
0x10b: {  	_ =	swait.ge [sflag:s17], $0x4000  }
0x10c: {  	[sflag:s17] =	ssyncset.done $0x0  }
0x10d: {  	[sflag:s17] =	ssyncadd.s32 $0xFFFFC000  }
0x10e: {  	[spmem:s2] =	stream.indirect.scatter.add.f32 [tilespmem:s15], [sflag:$0x3], $0x80, s22, s13, $0xb8;
	[tilespmem:$0x1D000] =	vst v63  }
0x10f: {  	_ =	swait.ge [sflag:s10], $0x4000  }
0x110: {  	[sflag:s10] =	ssyncset.done $0x0  }
0x111: {  	[sflag:s10] =	ssyncadd.s32 $0xFFFFC000  }
0x112: {  	[tilespmem:s15], [sflag:$0x2] =	stream.indirect.gather [hbm4b:s4+s13], $0x80, s23, s13, $0xb8;
	[tilespmem:$0x1D000] =	vst v63  }
0x113: {  	_ =	swait.ge [sflag:s16], $0x4000  }
0x114: {  	[sflag:s16] =	ssyncset.done $0x0  }
0x115: {  	[sflag:s16] =	ssyncadd.s32 $0xFFFFC000  }
0x116: {  	[spmem:s2] =	stream.indirect.scatter.add.f32 [tilespmem:s14], [sflag:$0x3], $0x80, s24, s13, $0xb8;
	[tilespmem:$0x1D000] =	vst v63  }
0x117: {  	_ =	swait.ge [sflag:s10], $0x4000  }
0x118: {  	[sflag:s10] =	ssyncset.done $0x0  }
0x119: {  	[sflag:s10] =	ssyncadd.s32 $0xFFFFC000  }
0x11a: {  	[tilespmem:s14], [sflag:$0x1] =	stream.indirect.gather [hbm4b:s4+s13], $0x80, s25, s13, $0xb8;
	[tilespmem:$0x1D000] =	vst v63  }
0x11b: {  	_ =	swait.ge [sflag:s17], $0x4000  }
0x11c: {  	[sflag:s17] =	ssyncset.done $0x0  }
0x11d: {  	[sflag:s17] =	ssyncadd.s32 $0xFFFFC000  }
0x11e: {  	[spmem:s2] =	stream.indirect.scatter.add.f32 [tilespmem:s15], [sflag:$0x3], $0x80, s26, s13, $0xb8;
	[tilespmem:$0x1D000] =	vst v63  }
0x11f: {  	_ =	swait.ge [sflag:s10], $0x4000  }
0x120: {  	[sflag:s10] =	ssyncset.done $0x0  }
0x121: {  	[sflag:s10] =	ssyncadd.s32 $0xFFFFC000  }
0x122: {  	[tilespmem:s15], [sflag:$0x2] =	stream.indirect.gather [hbm4b:s4+s13], $0x80, s28, s13, $0xb8;
	[tilespmem:$0x1D000] =	vst v63  }
0x123: {  	_ =	swait.ge [sflag:s16], $0x4000  }
0x124: {  	[sflag:s16] =	ssyncset.done $0x0  }
0x125: {  	[sflag:s16] =	ssyncadd.s32 $0xFFFFC000  }
0x126: {  	[spmem:s2] =	stream.indirect.scatter.add.f32 [tilespmem:s14], [sflag:$0x3], $0x80, s29, s13, $0xb8;
	[tilespmem:$0x1D000] =	vst v63  }
0x127: {  	_ =	swait.ge [sflag:s10], $0x4000  }
0x128: {  	[sflag:s10] =	ssyncset.done $0x0  }
0x129: {  	[sflag:s10] =	ssyncadd.s32 $0xFFFFC000  }
0x12a: {  	[tilespmem:s14], [sflag:$0x1] =	stream.indirect.gather [hbm4b:s4+s13], $0x80, s30, s13, $0xb8;
	[tilespmem:$0x1D000] =	vst v63  }
0x12b: {  	_ =	swait.ge [sflag:s17], $0x4000  }
0x12c: {  	[sflag:s17] =	ssyncset.done $0x0  }
0x12d: {  	[sflag:s17] =	ssyncadd.s32 $0xFFFFC000  }
0x12e: {  	[spmem:s2] =	stream.indirect.scatter.add.f32 [tilespmem:s15], [sflag:$0x3], $0x80, s31, s13, $0xb8;
	[tilespmem:$0x1D000] =	vst v63  }
0x12f: {  	_ =	swait.ge [sflag:s10], $0x4000  }
0x130: {  	[sflag:s10] =	ssyncset.done $0x0  }
0x131: {  	[sflag:s10] =	ssyncadd.s32 $0xFFFFC000  }
0x132: {  	[tilespmem:s15], [sflag:$0x2] =	stream.indirect.gather [hbm4b:s4+s13], $0x80, s0, s13, $0xb8;
	[tilespmem:$0x1D000] =	vst v63  }
0x133: {  	_ =	swait.ge [sflag:s16], $0x4000  }
0x134: {  	[sflag:s16] =	ssyncset.done $0x0  }
0x135: {  	[sflag:s16] =	ssyncadd.s32 $0xFFFFC000  }
0x136: {  	[spmem:s2] =	stream.indirect.scatter.add.f32 [tilespmem:s14], [sflag:$0x3], $0x80, s1, s13, $0xb8;
	[tilespmem:$0x1D000] =	vst v63  }
0x137: {  	_ =	swait.ge [sflag:s10], $0x4000  }
0x138: {  	[sflag:s10] =	ssyncset.done $0x0  }
0x139: {  	[sflag:s10] =	ssyncadd.s32 $0xFFFFC000  }
0x13a: {  	[tilespmem:s14], [sflag:$0x1] =	stream.indirect.gather [hbm4b:s4+s13], $0x80, s0, s13, $0xb8;
	[tilespmem:$0x1D000] =	vst v63  }
0x13b: {  	_ =	swait.ge [sflag:s17], $0x4000  }
0x13c: {  	[sflag:s17] =	ssyncset.done $0x0  }
0x13d: {  	p0 =	sne.s32 s6, $0x400;
	[sflag:s17] =	ssyncadd.s32 $0xFFFFC000  }
0x13e: {  	[spmem:s2] =	stream.indirect.scatter.add.f32 [tilespmem:s15], [sflag:$0x3], $0x80, s5, s13, $0xb8;
	[tilespmem:$0x1D000] =	vst v63  }
.Ltmp0:
0x13f: {  	_ =	swait.ge [sflag:s10], $0x4000;
	(pc) =	sbr.rel @p0 .LBB2_2-.Ltmp0, $4  }
0x140: {  	[sflag:s10] =	ssyncset.done $0x0  }
0x141: {  	[sflag:s10] =	ssyncadd.s32 $0xFFFFC000  }
0x142: {  	s7 =	smov.u32 s6;
	s6 =	sadd.s32 $0x100, s6;
	_ =	swait.ge [sflag:s16], $0x4000  }
0x143: {  	s8 =	smov.u32 s7;
	s9 =	rddreg [dreg:$0x5];
	[sflag:s16] =	ssyncset.done $0x0  }
0x144: {  	[sflag:s16] =	ssyncadd.s32 $0xFFFFC000;
	s6 =	sadd.s32 s8, s9  }
0x145: {  	[tilespmem:s11], [sflag:$0x3] =	stream.linear.gather [hbm4b:s6+s3], $0x800, $0x38;
	[tilespmem:$0x1D000] =	vst v63  }
0x146: {  	_ =	swait.ge [sflag:s10], $0x800  }
0x147: {  	s9 =	rddreg [dreg:$0x4];
	[sflag:s10] =	ssyncset.done $0x0  }
0x148: {  	s6 =	sadd.s32 s8, s9;
	[sflag:s10] =	ssyncadd.s32 $0xFFFFF800  }
0x149: {  	[tilespmem:s12], [sflag:$0x3] =	stream.linear.gather [hbm4b:s6+s3], $0x800, $0x38;
	[tilespmem:$0x1D000] =	vst v63  }
0x14a: {  	_ =	swait.ge [sflag:s10], $0x800  }
0x14b: {  	[sflag:s10] =	ssyncset.done $0x0  }
0x14c: {  	[sflag:s10] =	ssyncadd.s32 $0xFFFFF800  }
0x14d: {  	[tilespmem:s14], [sflag:$0x1] =	stream.indirect.gather [hbm4b:s4+s13], $0x80, s11, s13, $0xb8;
	[tilespmem:$0x1D000] =	vst v63  }
0x14e: {  	s7 =	rddreg [dreg:$0x6]  }
0x14f: {  	[tilespmem:s15], [sflag:$0x2] =	stream.indirect.gather [hbm4b:s4+s13], $0x80, s7, s13, $0xb8;
	[tilespmem:$0x1D000] =	vst v63  }
0x150: {  	_ =	swait.ge [sflag:s16], $0x4000  }
0x151: {  	[sflag:s16] =	ssyncset.done $0x0  }
0x152: {  	[sflag:s16] =	ssyncadd.s32 $0xFFFFC000  }
0x153: {  	[spmem:s2] =	stream.indirect.scatter.add.f32 [tilespmem:s14], [sflag:$0x3], $0x80, s12, s13, $0xb8;
	[tilespmem:$0x1D000] =	vst v63  }
0x154: {  	_ =	swait.ge [sflag:s10], $0x4000  }
0x155: {  	[sflag:s10] =	ssyncset.done $0x0  }
0x156: {  	s8 =	rddreg [dreg:$0x7];
	[sflag:s10] =	ssyncadd.s32 $0xFFFFC000  }
0x157: {  	[tilespmem:s14], [sflag:$0x1] =	stream.indirect.gather [hbm4b:s4+s13], $0x80, s8, s13, $0xb8;
	[tilespmem:$0x1D000] =	vst v63  }
0x158: {  	_ =	swait.ge [sflag:s17], $0x4000  }
0x159: {  	[sflag:s17] =	ssyncset.done $0x0  }
0x15a: {  	s9 =	rddreg [dreg:$0x8];
	[sflag:s17] =	ssyncadd.s32 $0xFFFFC000  }
0x15b: {  	[spmem:s2] =	stream.indirect.scatter.add.f32 [tilespmem:s15], [sflag:$0x3], $0x80, s9, s13, $0xb8;
	[tilespmem:$0x1D000] =	vst v63  }
0x15c: {  	_ =	swait.ge [sflag:s10], $0x4000  }
0x15d: {  	[sflag:s10] =	ssyncset.done $0x0  }
0x15e: {  	s7 =	rddreg [dreg:$0x9];
	[sflag:s10] =	ssyncadd.s32 $0xFFFFC000  }
0x15f: {  	[tilespmem:s15], [sflag:$0x2] =	stream.indirect.gather [hbm4b:s4+s13], $0x80, s7, s13, $0xb8;
	[tilespmem:$0x1D000] =	vst v63  }
0x160: {  	_ =	swait.ge [sflag:s16], $0x4000  }
0x161: {  	[sflag:s16] =	ssyncset.done $0x0  }
0x162: {  	s8 =	rddreg [dreg:$0xa];
	[sflag:s16] =	ssyncadd.s32 $0xFFFFC000  }
0x163: {  	[spmem:s2] =	stream.indirect.scatter.add.f32 [tilespmem:s14], [sflag:$0x3], $0x80, s8, s13, $0xb8;
	[tilespmem:$0x1D000] =	vst v63  }
0x164: {  	_ =	swait.ge [sflag:s10], $0x4000  }
0x165: {  	[sflag:s10] =	ssyncset.done $0x0  }
0x166: {  	s9 =	rddreg [dreg:$0xb];
	[sflag:s10] =	ssyncadd.s32 $0xFFFFC000  }
0x167: {  	[tilespmem:s14], [sflag:$0x1] =	stream.indirect.gather [hbm4b:s4+s13], $0x80, s9, s13, $0xb8;
	[tilespmem:$0x1D000] =	vst v63  }
0x168: {  	_ =	swait.ge [sflag:s17], $0x4000  }
0x169: {  	[sflag:s17] =	ssyncset.done $0x0  }
0x16a: {  	s7 =	rddreg [dreg:$0xc];
	[sflag:s17] =	ssyncadd.s32 $0xFFFFC000  }
0x16b: {  	[spmem:s2] =	stream.indirect.scatter.add.f32 [tilespmem:s15], [sflag:$0x3], $0x80, s7, s13, $0xb8;
	[tilespmem:$0x1D000] =	vst v63  }
0x16c: {  	_ =	swait.ge [sflag:s10], $0x4000  }
0x16d: {  	[sflag:s10] =	ssyncset.done $0x0  }
0x16e: {  	s8 =	rddreg [dreg:$0xd];
	[sflag:s10] =	ssyncadd.s32 $0xFFFFC000  }
0x16f: {  	[tilespmem:s15], [sflag:$0x2] =	stream.indirect.gather [hbm4b:s4+s13], $0x80, s8, s13, $0xb8;
	[tilespmem:$0x1D000] =	vst v63  }
0x170: {  	_ =	swait.ge [sflag:s16], $0x4000  }
0x171: {  	[sflag:s16] =	ssyncset.done $0x0  }
0x172: {  	s9 =	rddreg [dreg:$0xe];
	[sflag:s16] =	ssyncadd.s32 $0xFFFFC000  }
0x173: {  	[spmem:s2] =	stream.indirect.scatter.add.f32 [tilespmem:s14], [sflag:$0x3], $0x80, s9, s13, $0xb8;
	[tilespmem:$0x1D000] =	vst v63  }
0x174: {  	_ =	swait.ge [sflag:s10], $0x4000  }
0x175: {  	[sflag:s10] =	ssyncset.done $0x0  }
0x176: {  	s7 =	rddreg [dreg:$0xf];
	[sflag:s10] =	ssyncadd.s32 $0xFFFFC000  }
0x177: {  	[tilespmem:s14], [sflag:$0x1] =	stream.indirect.gather [hbm4b:s4+s13], $0x80, s7, s13, $0xb8;
	[tilespmem:$0x1D000] =	vst v63  }
0x178: {  	_ =	swait.ge [sflag:s17], $0x4000  }
0x179: {  	[sflag:s17] =	ssyncset.done $0x0  }
0x17a: {  	s8 =	rddreg [dreg:$0x10];
	[sflag:s17] =	ssyncadd.s32 $0xFFFFC000  }
0x17b: {  	[spmem:s2] =	stream.indirect.scatter.add.f32 [tilespmem:s15], [sflag:$0x3], $0x80, s8, s13, $0xb8;
	[tilespmem:$0x1D000] =	vst v63  }
0x17c: {  	_ =	swait.ge [sflag:s10], $0x4000  }
0x17d: {  	[sflag:s10] =	ssyncset.done $0x0  }
0x17e: {  	s9 =	rddreg [dreg:$0x11];
	[sflag:s10] =	ssyncadd.s32 $0xFFFFC000  }
0x17f: {  	[tilespmem:s15], [sflag:$0x2] =	stream.indirect.gather [hbm4b:s4+s13], $0x80, s9, s13, $0xb8;
	[tilespmem:$0x1D000] =	vst v63  }
0x180: {  	_ =	swait.ge [sflag:s16], $0x4000  }
0x181: {  	[sflag:s16] =	ssyncset.done $0x0  }
0x182: {  	s7 =	rddreg [dreg:$0x12];
	[sflag:s16] =	ssyncadd.s32 $0xFFFFC000  }
0x183: {  	[spmem:s2] =	stream.indirect.scatter.add.f32 [tilespmem:s14], [sflag:$0x3], $0x80, s7, s13, $0xb8;
	[tilespmem:$0x1D000] =	vst v63  }
0x184: {  	_ =	swait.ge [sflag:s10], $0x4000  }
0x185: {  	[sflag:s10] =	ssyncset.done $0x0  }
0x186: {  	s8 =	rddreg [dreg:$0x13];
	[sflag:s10] =	ssyncadd.s32 $0xFFFFC000  }
0x187: {  	[tilespmem:s14], [sflag:$0x1] =	stream.indirect.gather [hbm4b:s4+s13], $0x80, s8, s13, $0xb8;
	[tilespmem:$0x1D000] =	vst v63  }
0x188: {  	_ =	swait.ge [sflag:s17], $0x4000  }
0x189: {  	[sflag:s17] =	ssyncset.done $0x0  }
0x18a: {  	[sflag:s17] =	ssyncadd.s32 $0xFFFFC000  }
0x18b: {  	[spmem:s2] =	stream.indirect.scatter.add.f32 [tilespmem:s15], [sflag:$0x3], $0x80, s18, s13, $0xb8;
	[tilespmem:$0x1D000] =	vst v63  }
0x18c: {  	_ =	swait.ge [sflag:s10], $0x4000  }
0x18d: {  	[sflag:s10] =	ssyncset.done $0x0  }
0x18e: {  	[sflag:s10] =	ssyncadd.s32 $0xFFFFC000  }
0x18f: {  	[tilespmem:s15], [sflag:$0x2] =	stream.indirect.gather [hbm4b:s4+s13], $0x80, s19, s13, $0xb8;
	[tilespmem:$0x1D000] =	vst v63  }
0x190: {  	_ =	swait.ge [sflag:s16], $0x4000  }
0x191: {  	[sflag:s16] =	ssyncset.done $0x0  }
0x192: {  	[sflag:s16] =	ssyncadd.s32 $0xFFFFC000  }
0x193: {  	[spmem:s2] =	stream.indirect.scatter.add.f32 [tilespmem:s14], [sflag:$0x3], $0x80, s20, s13, $0xb8;
	[tilespmem:$0x1D000] =	vst v63  }
0x194: {  	_ =	swait.ge [sflag:s10], $0x4000  }
0x195: {  	[sflag:s10] =	ssyncset.done $0x0  }
0x196: {  	[sflag:s10] =	ssyncadd.s32 $0xFFFFC000  }
0x197: {  	[tilespmem:s14], [sflag:$0x1] =	stream.indirect.gather [hbm4b:s4+s13], $0x80, s21, s13, $0xb8;
	[tilespmem:$0x1D000] =	vst v63  }
0x198: {  	_ =	swait.ge [sflag:s17], $0x4000  }
0x199: {  	[sflag:s17] =	ssyncset.done $0x0  }
0x19a: {  	[sflag:s17] =	ssyncadd.s32 $0xFFFFC000  }
0x19b: {  	[spmem:s2] =	stream.indirect.scatter.add.f32 [tilespmem:s15], [sflag:$0x3], $0x80, s22, s13, $0xb8;
	[tilespmem:$0x1D000] =	vst v63  }
0x19c: {  	_ =	swait.ge [sflag:s10], $0x4000  }
0x19d: {  	[sflag:s10] =	ssyncset.done $0x0  }
0x19e: {  	[sflag:s10] =	ssyncadd.s32 $0xFFFFC000  }
0x19f: {  	[tilespmem:s15], [sflag:$0x2] =	stream.indirect.gather [hbm4b:s4+s13], $0x80, s23, s13, $0xb8;
	[tilespmem:$0x1D000] =	vst v63  }
0x1a0: {  	_ =	swait.ge [sflag:s16], $0x4000  }
0x1a1: {  	[sflag:s16] =	ssyncset.done $0x0  }
0x1a2: {  	[sflag:s16] =	ssyncadd.s32 $0xFFFFC000  }
0x1a3: {  	[spmem:s2] =	stream.indirect.scatter.add.f32 [tilespmem:s14], [sflag:$0x3], $0x80, s24, s13, $0xb8;
	[tilespmem:$0x1D000] =	vst v63  }
0x1a4: {  	_ =	swait.ge [sflag:s10], $0x4000  }
0x1a5: {  	[sflag:s10] =	ssyncset.done $0x0  }
0x1a6: {  	[sflag:s10] =	ssyncadd.s32 $0xFFFFC000  }
0x1a7: {  	[tilespmem:s14], [sflag:$0x1] =	stream.indirect.gather [hbm4b:s4+s13], $0x80, s25, s13, $0xb8;
	[tilespmem:$0x1D000] =	vst v63  }
0x1a8: {  	_ =	swait.ge [sflag:s17], $0x4000  }
0x1a9: {  	[sflag:s17] =	ssyncset.done $0x0  }
0x1aa: {  	[sflag:s17] =	ssyncadd.s32 $0xFFFFC000  }
0x1ab: {  	[spmem:s2] =	stream.indirect.scatter.add.f32 [tilespmem:s15], [sflag:$0x3], $0x80, s26, s13, $0xb8;
	[tilespmem:$0x1D000] =	vst v63  }
0x1ac: {  	_ =	swait.ge [sflag:s10], $0x4000  }
0x1ad: {  	[sflag:s10] =	ssyncset.done $0x0  }
0x1ae: {  	[sflag:s10] =	ssyncadd.s32 $0xFFFFC000  }
0x1af: {  	[tilespmem:s15], [sflag:$0x2] =	stream.indirect.gather [hbm4b:s4+s13], $0x80, s28, s13, $0xb8;
	[tilespmem:$0x1D000] =	vst v63  }
0x1b0: {  	_ =	swait.ge [sflag:s16], $0x4000  }
0x1b1: {  	[sflag:s16] =	ssyncset.done $0x0  }
0x1b2: {  	[sflag:s16] =	ssyncadd.s32 $0xFFFFC000  }
0x1b3: {  	[spmem:s2] =	stream.indirect.scatter.add.f32 [tilespmem:s14], [sflag:$0x3], $0x80, s29, s13, $0xb8;
	[tilespmem:$0x1D000] =	vst v63  }
0x1b4: {  	_ =	swait.ge [sflag:s10], $0x4000  }
0x1b5: {  	[sflag:s10] =	ssyncset.done $0x0  }
0x1b6: {  	[sflag:s10] =	ssyncadd.s32 $0xFFFFC000  }
0x1b7: {  	[tilespmem:s14], [sflag:$0x1] =	stream.indirect.gather [hbm4b:s4+s13], $0x80, s30, s13, $0xb8;
	[tilespmem:$0x1D000] =	vst v63  }
0x1b8: {  	_ =	swait.ge [sflag:s17], $0x4000  }
0x1b9: {  	[sflag:s17] =	ssyncset.done $0x0  }
0x1ba: {  	[sflag:s17] =	ssyncadd.s32 $0xFFFFC000  }
0x1bb: {  	[spmem:s2] =	stream.indirect.scatter.add.f32 [tilespmem:s15], [sflag:$0x3], $0x80, s31, s13, $0xb8;
	[tilespmem:$0x1D000] =	vst v63  }
0x1bc: {  	_ =	swait.ge [sflag:s10], $0x4000  }
0x1bd: {  	[sflag:s10] =	ssyncset.done $0x0  }
0x1be: {  	[sflag:s10] =	ssyncadd.s32 $0xFFFFC000  }
0x1bf: {  	[tilespmem:s15], [sflag:$0x2] =	stream.indirect.gather [hbm4b:s4+s13], $0x80, s0, s13, $0xb8;
	[tilespmem:$0x1D000] =	vst v63  }
0x1c0: {  	_ =	swait.ge [sflag:s16], $0x4000  }
0x1c1: {  	[sflag:s16] =	ssyncset.done $0x0  }
0x1c2: {  	[sflag:s16] =	ssyncadd.s32 $0xFFFFC000  }
0x1c3: {  	[spmem:s2] =	stream.indirect.scatter.add.f32 [tilespmem:s14], [sflag:$0x3], $0x80, s1, s13, $0xb8;
	[tilespmem:$0x1D000] =	vst v63  }
0x1c4: {  	_ =	swait.ge [sflag:s10], $0x4000  }
0x1c5: {  	[sflag:s10] =	ssyncset.done $0x0  }
0x1c6: {  	[sflag:s10] =	ssyncadd.s32 $0xFFFFC000  }
0x1c7: {  	[tilespmem:s14], [sflag:$0x1] =	stream.indirect.gather [hbm4b:s4+s13], $0x80, s0, s13, $0xb8;
	[tilespmem:$0x1D000] =	vst v63  }
0x1c8: {  	_ =	swait.ge [sflag:s17], $0x4000  }
0x1c9: {  	[sflag:s17] =	ssyncset.done $0x0  }
0x1ca: {  	[sflag:s17] =	ssyncadd.s32 $0xFFFFC000  }
0x1cb: {  	[spmem:s2] =	stream.indirect.scatter.add.f32 [tilespmem:s15], [sflag:$0x3], $0x80, s5, s13, $0xb8;
	[tilespmem:$0x1D000] =	vst v63  }
0x1cc: {  	_ =	swait.ge [sflag:s10], $0x4000  }
0x1cd: {  	[sflag:s10] =	ssyncset.done $0x0  }
0x1ce: {  	[sflag:s10] =	ssyncadd.s32 $0xFFFFC000  }
0x1cf: {  	_ =	swait.ge [sflag:s16], $0x4000  }
0x1d0: {  	[sflag:s16] =	ssyncset.done $0x0  }
0x1d1: {  	[sflag:s16] =	ssyncadd.s32 $0xFFFFC000  }
0x1d2: {  	[bflag:$0x0] =	sbarrier.arrive $0xFFFF  }
0x1d3: {  	s7 =	rddreg [dreg:$0x15]  }
0x1d4: {  	s9 =	rddreg [dreg:$0x16]  }
0x1d5: {  	s8 =	rddreg [dreg:$0x18]  }
0x1d6: {  	[hbm:s9], [sflag:s7] =	dma.local [spmem:s8], $0x2800  }
0x1d7: {  	_ =	swait.ge [sflag:s10], $0x2800  }
0x1d8: {  	s6 =	rddreg [dreg:$0x19]  }
0x1d9: {  	s9 =	sadd.s32 $0x1, s6;
	s6 =	rddreg [dreg:$0x17]  }
0x1da: {  	p0 =	sne.s32 s9, s6  }
.Ltmp1:
0x1db: {  	_ = 	snop;
	(pc) =	sbr.rel @p0 .LBB2_1-.Ltmp1, $3  }
0x1dc: {  	_ =	sdelay $0x1  }
0x1dd: {  	[sflag:s10] =	ssyncset.done $0x0  }
0x1de: {  	[sflag:s10] =	ssyncadd.s32 $0xFFFFD800  }
0x1df: {  	_ =	sfence.sel $0x180000  }
0x1e0: {  	[bflag:$0x0] =	sbarrier.arrive $0xFFFF  }
0x1e1: {  	_ =	strace $0x9000004A  }
0x1e2: {  	s0 =	stileid.u32;
	[bflag:$0x2] =	sbarrier.arrive $0xFFFF  }
0x1e3: {  	p0 =	sne.s32 s0, $0x0;
	s0 =	rddreg [dreg:$0x3]  }
0x1e4: {  	s0 =	sadd.s32 @!p0 $0x100000, s0  }
0x1e5: {  	[sflag:s0] =	ssyncadd.tile.s32 @!p0 $0x1;
	_ =	shalt  }
.Lfunc_end2:
_tile_overlayer_lowered:
.L_overlay_start_2:
0x1e6: {  	(tag) =	ssettag $0x2  }
0x1e7: {  	s0 =	rddreg [dreg:$0x0];
	s2 =	stileid.u32  }
0x1e8: {  	s1 =	rddreg [dreg:$0x1];
	p0 =	sne.s32 s2, $0x0  }
0x1e9: {  	s3 =	rddreg [dreg:$0x2];
	[bflag:$0x3] =	sbarrier.arrive $0xFFFF;
	s2 =	simm.s32 @!p0 $0x1C03  }
0x1ea: {  	[timem:s3], [sflag:s2] =	dma.local @!p0 [hbm:s0], s1  }
0x1eb: {  	s0 =	simm.s32 @!p0 $0x3  }
0x1ec: {  	_ =	swait.ge @!p0 [sflag:s0], s1  }
0x1ed: {  	s1 =	ssub.s32 @!p0 $0x0, s1;
	[sflag:s0] =	ssyncset.done @!p0 $0x0  }
0x1ee: {  	[sflag:s0] =	ssyncadd.s32 @!p0 s1  }
0x1ef: {  	[bflag:$0x3] =	sbarrier.arrive $0xFFFF  }
0x1f0: {  	_ =	shalt  }

// kernel: kernel.16.cloned.1.call-start
scs
__scs_entry_jumppad:
0x0: {  	(pc) =	sbr.rel $0x88, $3  }
0x1: {  	(tag) =	ssettag $0x0;
	lr =	simm.s32 $0x1  }
0x2: {  	[smem:$0x3F95] =	sst lr;
	_ =	strace $0xD0000000  }
0x3: {  	_ = 	snop  }
0x4: {  	_ = 	snop  }
0x5: {  	_ = 	snop  }
0x6: {  	_ = 	snop  }
0x7: {  	_ = 	snop  }
__scs_overlays_trampoline_lowered:
0x8: {  	[smem:$0x3FA4] =	sst s0  }
0x9: {  	[smem:$0x3FA5] =	sst s1  }
0xa: {  	[smem:$0x3FA6] =	sst s2  }
0xb: {  	[smem:$0x3FA7] =	sst s3  }
0xc: {  	[smem:$0x3FA8] =	sst s4  }
0xd: {  	[smem:$0x3FA9] =	sst s5  }
0xe: {  	[smem:$0x3FAA] =	sst s6  }
0xf: {  	[smem:$0x3FAB] =	sst s7  }
0x10: {  	[smem:$0x3FAC] =	sst s8  }
0x11: {  	[smem:$0x3FAD] =	sst s9;
	s0 =	simm.s32 @!p0 $0x0  }
0x12: {  	s1 =	sld [smem:$0x3F93];
	s0 =	simm.s32 @p0 $0x1  }
0x13: {  	[smem:$0x3FAE] =	sst s0;
	s0 =	simm.s32 @!p1 $0x0  }
0x14: {  	s2 =	sld [smem:$0x3F92];
	s0 =	simm.s32 @p1 $0x1  }
0x15: {  	[smem:$0x3FAF] =	sst s0;
	s0 =	simm.s32 @!p2 $0x0  }
0x16: {  	s3 =	sld [smem:$0x3FDB];
	s0 =	simm.s32 @p2 $0x1  }
0x17: {  	s4 =	simm.s32 $0x1BF5;
	[smem:$0x3FB1] =	sst s0  }
0x18: {  	s0 =	sld [smem:$0x3F94];
	_ =	swait.ge [sflag:s4], $0x0  }
0x19: {  	s7 =	sld [smem:$0x3F95]  }
0x1a: {  	s8 =	sadd.s32 $0xFFFFE003, lr  }
0x1b: {  	s9 =	sadd.s32 $0xFFFFFEF7, lr;
	s5 =	simm.s32 $0xFFFFFFFF;
	p2 =	slt.u32 s8, $0xFFFFF086  }
0x1c: {  	p1 =	slt.u32 s9, $0xF7A;
	s5 =	simm.s32 @!p2 $0x0  }
0x1d: {  	s5 =	simm.s32 @p1 $0x1;
	p0 =	seq.s32 s7, s2  }
0x1e: {  	s7 =	smul.u32 @!p0 $0xF7A, s2;
	p2 =	seq.s32 @!p0 s5, $0x0  }
0x1f: {  	s9 =	smul.u32 $0xF7A, s1;
	s8 =	simm.s32 @!p0 $0x1BF5;
	p2 =	por !p2, p0  }
0x20: {  	[sflag:s8] =	ssyncset.s32 @!p0 $0xFFFFF086;
	s6 =	sadd.s32 @!p0 s3, s7;
	s7 =	simm.s32 @!p0 $0x108  }
0x21: {  	s3 =	sadd.s32 s3, s9;
	s6 =	sadd.s32 @!p0 $0x88, s6;
	s7 =	simm.s32 @p2 $0x1082  }
0x22: {  	[simem:s7], [sflag:s8] =	dma.local @!p0 [hbm:s6], $0xF7A  }
0x23: {  	s9 =	sor.u32 $0xD0000000, s2;
	s6 =	simm.s32 $0x108;
	_ =	swait.ge @!p0 [sflag:s8], $0x0  }
0x24: {  	s3 =	sadd.s32 $0x88, s3;
	s6 =	simm.s32 @!p1 $0x1082;
	[sflag:s4] =	ssyncset.s32 $0xFFFFF086  }
0x25: {  	[simem:s6], [sflag:s4] =	dma.local [hbm:s3], $0xF7A  }
0x26: {  	[smem:$0x3F95] =	sst s1;
	(tag) =	ssettag s2;
	_ =	strace s9  }
0x27: {  	s1 =	sld [smem:$0x3FA5]  }
0x28: {  	s2 =	sld [smem:$0x3FA6]  }
0x29: {  	s4 =	sld [smem:$0x3FA8]  }
0x2a: {  	p0 =	seq.s32 s5, $0x0;
	s5 =	sld [smem:$0x3FA9]  }
0x2b: {  	s6 =	sld [smem:$0x3FAA]  }
0x2c: {  	s7 =	sld [smem:$0x3FAB]  }
0x2d: {  	s3 =	simm.s32 $0x108;
	s8 =	sld [smem:$0x3FAC]  }
0x2e: {  	s3 =	simm.s32 @!p0 $0x1082;
	s9 =	sld [smem:$0x3FAD]  }
0x2f: {  	lr =	sadd.s32 s0, s3;
	s0 =	sld [smem:$0x3FA4]  }
0x30: {  	s3 =	sld [smem:$0x3FA7]  }
0x31: {  	[smem:$0x3FB0] =	sst s10  }
0x32: {  	s10 =	sld [smem:$0x3FAE];
	_ =	sdelay $0x3  }
0x33: {  	p0 =	seq.s32 s10, $0x1;
	s10 =	sld [smem:$0x3FB0];
	_ =	sdelay $0x3  }
0x34: {  	[smem:$0x3FB0] =	sst s10  }
0x35: {  	s10 =	sld [smem:$0x3FAF];
	_ =	sdelay $0x3  }
0x36: {  	p1 =	seq.s32 s10, $0x1;
	s10 =	sld [smem:$0x3FB0];
	_ =	sdelay $0x3  }
0x37: {  	[smem:$0x3FB0] =	sst s10  }
0x38: {  	s10 =	sld [smem:$0x3FB1]  }
0x39: {  	_ = 	snop;
	(pc) =	sbr.ind lr, $3  }
0x3a: {  	_ = 	snop  }
0x3b: {  	_ = 	snop  }
0x3c: {  	p2 =	seq.s32 s10, $0x1;
	s10 =	sld [smem:$0x3FB0]  }
0x3d: {  	_ =	shalt  }
0x3e: {  	_ =	shalt  }
0x3f: {  	_ =	shalt  }
0x40: {  	_ =	shalt  }
0x41: {  	_ =	shalt  }
0x42: {  	_ =	shalt  }
0x43: {  	_ =	shalt  }
0x44: {  	_ =	shalt  }
0x45: {  	_ =	shalt  }
0x46: {  	_ =	shalt  }
0x47: {  	_ =	shalt  }
0x48: {  	_ =	shalt  }
0x49: {  	_ =	shalt  }
0x4a: {  	_ =	shalt  }
0x4b: {  	_ =	shalt  }
0x4c: {  	_ =	shalt  }
0x4d: {  	_ =	shalt  }
0x4e: {  	_ =	shalt  }
0x4f: {  	_ =	shalt  }
0x50: {  	_ =	shalt  }
0x51: {  	_ =	shalt  }
0x52: {  	_ =	shalt  }
0x53: {  	_ =	shalt  }
0x54: {  	_ =	shalt  }
0x55: {  	_ =	shalt  }
0x56: {  	_ =	shalt  }
0x57: {  	_ =	shalt  }
0x58: {  	_ =	shalt  }
0x59: {  	_ =	shalt  }
0x5a: {  	_ =	shalt  }
0x5b: {  	_ =	shalt  }
0x5c: {  	_ =	shalt  }
0x5d: {  	_ =	shalt  }
0x5e: {  	_ =	shalt  }
0x5f: {  	_ =	shalt  }
0x60: {  	_ =	shalt  }
0x61: {  	_ =	shalt  }
0x62: {  	_ =	shalt  }
0x63: {  	_ =	shalt  }
0x64: {  	_ =	shalt  }
0x65: {  	_ =	shalt  }
0x66: {  	_ =	shalt  }
0x67: {  	_ =	shalt  }
0x68: {  	_ =	shalt  }
0x69: {  	_ =	shalt  }
0x6a: {  	_ =	shalt  }
0x6b: {  	_ =	shalt  }
0x6c: {  	_ =	shalt  }
0x6d: {  	_ =	shalt  }
0x6e: {  	_ =	shalt  }
0x6f: {  	_ =	shalt  }
0x70: {  	_ =	shalt  }
0x71: {  	_ =	shalt  }
0x72: {  	_ =	shalt  }
0x73: {  	_ =	shalt  }
0x74: {  	_ =	shalt  }
0x75: {  	_ =	shalt  }
0x76: {  	_ =	shalt  }
0x77: {  	_ =	shalt  }
0x78: {  	_ =	shalt  }
0x79: {  	_ =	shalt  }
0x7a: {  	_ =	shalt  }
0x7b: {  	_ =	shalt  }
0x7c: {  	_ =	shalt  }
0x7d: {  	_ =	shalt  }
0x7e: {  	_ =	shalt  }
0x7f: {  	_ =	shalt  }
0x80: {  	_ =	shalt  }
0x81: {  	_ =	shalt  }
0x82: {  	_ =	shalt  }
0x83: {  	_ =	shalt  }
0x84: {  	_ =	shalt  }
0x85: {  	_ =	shalt  }
0x86: {  	_ =	shalt  }
0x87: {  	_ =	shalt  }
.Lfunc_end0:
.L_simem_size_0:
called_computation.2_lowered:
.L_overlay_start_0:
0x88: {  	s2 =	sld [smem:$0x3FD9]  }
0x89: {  	s3 =	sld [smem:$0x3FFE];
	_ =	sdelay $0x1  }
0x8a: {  	s1 =	srdreg.scid  }
0x8b: {  	s0 =	sand.u32 $0x1, s1  }
0x8c: {  	s17 =	sshll.u32 s0, $0xA;
	s2 =	sadd.s32 s3, s2  }
0x8d: {  	s2 =	sadd.s32 s2, s17  }
0x8e: {  	[smem:$0x3FBC] =	sst s2  }
0x8f: {  	_ = 	snop  }
0x90: {  	s2 =	sld [smem:$0x3FD0];
	(tm) =	ssettm $0x1  }
0x91: {  	s18 =	sld [smem:$0x3FFB];
	_ =	sdelay $0x3  }
0x92: {  	_ =	strace s18  }
0x93: {  	s3 =	sld [smem:$0x3FFC];
	_ =	sdelay $0x3  }
0x94: {  	_ =	strace s3  }
0x95: {  	s3 =	sld [smem:$0x3FFD];
	_ =	sdelay $0x3  }
0x96: {  	_ =	strace s3  }
0x97: {  	_ =	strace $0x8FFFFFFF  }
0x98: {  	s19 =	sld [smem:$0x3FDB];
	_ =	sdelay $0x1  }
0x99: {  	s4 =	simm.s32 $_scs_section_size  }
0x9a: {  	s5 =	simm.s32 $_size__tile_overlayer_lowered;
	s6 =	simm.s32 $_tile_overlayer_lowered  }
0x9b: {  	s22 =	simm.s32 $0x1BFF;
	s21 =	sshll.u32 s6, $0x1;
	s3 =	sadd.s32 s4, s19  }
0x9c: {  	s7 =	simm.s32 $0x0;
	s20 =	sshll.u32 s5, $0x1;
	s5 =	sadd.s32 s21, s3  }
0x9d: {  	[timem:s7], [sflag:s22] =	dma.local [hbm:s5], s20  }
0x9e: {  	_ =	swait.ge [sflag:s22], s20  }
0x9f: {  	s4 =	ssub.s32 $0x0, s20;
	[sflag:s22] =	ssyncset.done $0x0  }
0xa0: {  	[sflag:s22] =	ssyncadd.s32 s4;
	_ =	sdelay $0x1  }
0xa1: {  	s23 =	simm.s32 $0x1B8B  }
0xa2: {  	_ =	swait.ge [sflag:s23], $0x1  }
0xa3: {  	[sflag:s23] =	ssyncset.done $0x0  }
0xa4: {  	s25 =	simm.s32 $0x1B8E;
	s24 =	sld [smem:$0x3FFE];
	[sflag:s23] =	ssyncadd.s32 $0xFFFFFFFF  }
0xa5: {  	s26 =	simm.s32 $execute0_lowered;
	[smem:$0x3FD2] =	sst s25  }
0xa6: {  	s5 =	sshll.u32 s26, $0x1;
	_ =	strace $0x8000004C;
	[dreg:$0x1] =	wrdreg $0xFFFFFFFF  }
0xa7: {  	s28 =	simm.s32 $_size_execute0_lowered;
	s3 =	sadd.s32 s3, s5;
	[dreg:$0x0] =	wrdreg $0x0  }
0xa8: {  	s5 =	sshll.u32 s28, $0x1;
	[dreg:$0x2] =	wrdreg s3  }
0xa9: {  	[dreg:$0x3] =	wrdreg s5  }
0xaa: {  	[dreg:$0x4] =	wrdreg $0xC0  }
0xab: {  	_ =	task [dreg:s7], $0x5FFFF  }
0xac: {  	[dreg:$0x1] =	wrdreg $0xFFFFFFFF  }
0xad: {  	[dreg:$0x0] =	wrdreg $0x60  }
0xae: {  	[dreg:$0x2] =	wrdreg s24  }
0xaf: {  	[dreg:$0x3] =	wrdreg s2  }
0xb0: {  	[dreg:$0x4] =	wrdreg $0x0  }
0xb1: {  	[dreg:$0x5] =	wrdreg $0x9  }
0xb2: {  	_ =	task.clear_ibuf [dreg:s7], $0x6FFFF;
	_ =	strace $0x9000004C  }
0xb3: {  	s29 =	simm.s32 $0x9;
	_ =	strace $0x8000004E  }
0xb4: {  	_ =	swait.ge [sflag:s29], $0x1  }
0xb5: {  	[sflag:s29] =	ssyncadd.s32 $0xFFFFFFFF  }
0xb6: {  	_ =	strace $0x9000004E  }
0xb7: {  	_ =	sfence  }
0xb8: {  	s30 =	sld [smem:$0x0];
	_ =	sdelay $0x2  }
0xb9: {  	s31 =	sshll.u32 s1, $0xD;
	s1 =	sshrl.u32 s1, $0x2  }
0xba: {  	s3 =	sand.u32 $0x4000, s31;
	s1 =	sadd.s32 s1, s30  }
0xbb: {  	s0 =	sor.u32 s3, s0;
	s1 =	sshll.u32 s1, $0x11  }
0xbc: {  	s0 =	sor.u32 s1, s0  }
0xbd: {  	s0 =	sadd.s32 $0x8F2B, s0  }
0xbe: {  	[sflag:s0] =	ssyncadd.remote.s32 $0x1  }
0xbf: {  	_ =	sfence.sel $0xFFFF  }
0xc0: {  	[dreg:$0x0] =	wrdreg $0xFFFFFFFF;
	(pc) =	sbr.abs _section_cstart, $3  }
0xc1: {  	[dreg:$0x1] =	wrdreg $0xFFFFFFFF  }
0xc2: {  	_ =	task.clear_ibuf [dreg:s7], $0x2FFFF;
	_ =	strace $0x9FFFFFFF  }
0xc3: {  	(tm) =	ssettm $0x7FFFFFFF  }
tec
execute0_lowered:
.L_overlay_start_1:
0x0: {  	(tag) =	ssettag $0x1  }
0x1: {  	s0 =	rddreg [dreg:$0x0]  }
0x2: {  	s1 =	rddreg [dreg:$0x1]  }
0x3: {  	s3 =	srdreg.scid;
	s2 =	rddreg [dreg:$0x2]  }
0x4: {  	s11 =	stileid.u32;
	s13 =	simm.s32 $0x14100;
	s14 =	simm.s32 $0x14880  }
0x5: {  	s15 =	simm.s32 $0x14180;
	s5 =	sand.u32 $0x1, s3;
	s3 =	simm.s32 $0x0  }
0x6: {  	s17 =	simm.s32 $0x14900;
	s9 =	sadd.s32 $0x4000, s0;
	[smem:$0x7FF] =	sst s3  }
0x7: {  	s18 =	simm.s32 $0x14200;
	_ =	strace $0x8000004D;
	[dreg:$0x14] =	wrdreg s9  }
0x8: {  	s19 =	simm.s32 $0x14980;
	s20 =	simm.s32 $0x14280;
	[dreg:$0x7] =	wrdreg s13  }
0x9: {  	s21 =	simm.s32 $0x14A00;
	s22 =	simm.s32 $0x14300;
	[dreg:$0x8] =	wrdreg s14  }
0xa: {  	s23 =	simm.s32 $0x14A80;
	s24 =	simm.s32 $0x14380;
	[dreg:$0x9] =	wrdreg s15  }
0xb: {  	s28 =	simm.s32 $0x14680;
	s29 =	simm.s32 $0x14E00;
	[dreg:$0xa] =	wrdreg s17  }
0xc: {  	s30 =	simm.s32 $0x14700;
	s6 =	smul.u32 $0x2800, s11;
	[dreg:$0xb] =	wrdreg s18  }
0xd: {  	s31 =	simm.s32 $0x14E80;
	s8 =	smul.u32 $0x14000, s11;
	[dreg:$0xc] =	wrdreg s19  }
0xe: {  	s10 =	smul.u32 $0x50000, s11;
	s12 =	sshll.u32 s11, $0x6;
	[dreg:$0xd] =	wrdreg s20  }
0xf: {  	s11 =	simm.s32 $0x14000;
	s4 =	smul.u32 $0x28000, s5;
	[dreg:$0xe] =	wrdreg s21  }
0x10: {  	s7 =	smul.u32 $0x140000, s5;
	s5 =	ssub.s32 $0x2, s5;
	[dreg:$0xf] =	wrdreg s22  }
0x11: {  	s26 =	sshrl.u32 s5, $0x1;
	s13 =	simm.s32 $0x80;
	[dreg:$0x10] =	wrdreg s23  }
0x12: {  	s14 =	simm.s32 $0x15000;
	s15 =	simm.s32 $0x19000;
	[dreg:$0x11] =	wrdreg s24  }
0x13: {  	s17 =	simm.s32 $0x2;
	s18 =	simm.s32 $0x14B80;
	s19 =	simm.s32 $0x14480  }
0x14: {  	s20 =	simm.s32 $0x14C00;
	s21 =	simm.s32 $0x14500;
	s22 =	simm.s32 $0x14C80  }
0x15: {  	s23 =	simm.s32 $0x14580;
	s24 =	simm.s32 $0x14D00;
	s6 =	sadd.s32 s6, s4  }
0x16: {  	s4 =	sadd.s32 $0x68E00, s0;
	s7 =	sadd.s32 s8, s7;
	s5 =	ssub.s32 s5, s26  }
0x17: {  	s8 =	sshrl.u32 s10, $0x2;
	s10 =	simm.s32 $0x14080;
	s26 =	simm.s32 $0x14400  }
0x18: {  	s6 =	sshrl.u32 s6, $0x3;
	s7 =	sshrl.u32 s7, $0x3;
	[dreg:$0x6] =	wrdreg s10  }
0x19: {  	s16 =	smax.u32 s5, $0x1;
	s10 =	simm.s32 $0x3;
	[dreg:$0x13] =	wrdreg s26  }
0x1a: {  	s26 =	simm.s32 $0x14D80;
	s5 =	simm.s32 $0x14F80;
	s25 =	sadd.s32 s6, s0  }
0x1b: {  	s0 =	sadd.s32 s7, s0;
	s1 =	sadd.s32 s6, s1;
	[dreg:$0x17] =	wrdreg s16  }
0x1c: {  	s6 =	sadd.s32 s8, s2;
	s7 =	sor.u32 $0x1C03, s12;
	[dreg:$0x4] =	wrdreg s1  }
0x1d: {  	s12 =	simm.s32 $0x14800;
	s9 =	sadd.s32 $0xEE00, s25;
	[dreg:$0x15] =	wrdreg s7  }
0x1e: {  	s16 =	simm.s32 $0x1;
	s0 =	sadd.s32 $0x90E00, s0;
	[dreg:$0x5] =	wrdreg s9  }
0x1f: {  	s8 =	sshrl.u32 s6, $0x3;
	s25 =	simm.s32 $0x14B00;
	[dreg:$0x16] =	wrdreg s0  }
0x20: {  	s1 =	simm.s32 $0x14F00;
	[dreg:$0x12] =	wrdreg s25;
	s25 =	simm.s32 $0x14600  }
0x21: {  	s0 =	simm.s32 $0x14780;
	s9 =	simm.s32 $0x0;
	[dreg:$0x18] =	wrdreg s8  }
.LBB2_1:
0x22: {  	[dreg:$0x19] =	wrdreg s9  }
0x23: {  	s6 =	rddreg [dreg:$0x14]  }
0x24: {  	[spmem:s8], [sflag:s7] =	dma.local [hbm:s6], $0x2800  }
0x25: {  	_ =	swait.ge [sflag:s10], $0x2800  }
0x26: {  	[sflag:s10] =	ssyncset.done $0x0  }
0x27: {  	[sflag:s10] =	ssyncadd.s32 $0xFFFFD800  }
0x28: {  	[bflag:$0x0] =	sbarrier.arrive $0xFFFF  }
0x29: {  	s9 =	rddreg [dreg:$0x5]  }
0x2a: {  	s6 =	sadd.s32 $0x0, s9  }
0x2b: {  	[tilespmem:s11], [sflag:$0x3] =	stream.linear.gather [hbm4b:s6+s3], $0x800, $0x38;
	[tilespmem:$0x1D000] =	vst v63  }
0x2c: {  	_ =	swait.ge [sflag:s10], $0x800  }
0x2d: {  	s7 =	rddreg [dreg:$0x4];
	[sflag:s10] =	ssyncset.done $0x0  }
0x2e: {  	[sflag:s10] =	ssyncadd.s32 $0xFFFFF800;
	s6 =	sadd.s32 $0x0, s7  }
0x2f: {  	[tilespmem:s12], [sflag:$0x3] =	stream.linear.gather [hbm4b:s6+s3], $0x800, $0x38;
	[tilespmem:$0x1D000] =	vst v63  }
0x30: {  	_ =	swait.ge [sflag:s10], $0x800  }
0x31: {  	[sflag:s10] =	ssyncset.done $0x0  }
0x32: {  	[sflag:s10] =	ssyncadd.s32 $0xFFFFF800  }
0x33: {  	[tilespmem:s14], [sflag:$0x1] =	stream.indirect.gather [hbm4b:s4+s13], $0x80, s11, s13, $0xb8;
	[tilespmem:$0x1D000] =	vst v63  }
0x34: {  	s8 =	rddreg [dreg:$0x6]  }
0x35: {  	[tilespmem:s15], [sflag:$0x2] =	stream.indirect.gather [hbm4b:s4+s13], $0x80, s8, s13, $0xb8;
	[tilespmem:$0x1D000] =	vst v63  }
0x36: {  	_ =	swait.ge [sflag:s16], $0x4000  }
0x37: {  	[sflag:s16] =	ssyncset.done $0x0  }
0x38: {  	[sflag:s16] =	ssyncadd.s32 $0xFFFFC000  }
0x39: {  	[spmem:s2] =	stream.indirect.scatter.add.f32 [tilespmem:s14], [sflag:$0x3], $0x80, s12, s13, $0xb8;
	[tilespmem:$0x1D000] =	vst v63  }
0x3a: {  	_ =	swait.ge [sflag:s10], $0x4000  }
0x3b: {  	[sflag:s10] =	ssyncset.done $0x0  }
0x3c: {  	s9 =	rddreg [dreg:$0x7];
	[sflag:s10] =	ssyncadd.s32 $0xFFFFC000  }
0x3d: {  	[tilespmem:s14], [sflag:$0x1] =	stream.indirect.gather [hbm4b:s4+s13], $0x80, s9, s13, $0xb8;
	[tilespmem:$0x1D000] =	vst v63  }
0x3e: {  	_ =	swait.ge [sflag:s17], $0x4000  }
0x3f: {  	[sflag:s17] =	ssyncset.done $0x0  }
0x40: {  	s7 =	rddreg [dreg:$0x8];
	[sflag:s17] =	ssyncadd.s32 $0xFFFFC000  }
0x41: {  	[spmem:s2] =	stream.indirect.scatter.add.f32 [tilespmem:s15], [sflag:$0x3], $0x80, s7, s13, $0xb8;
	[tilespmem:$0x1D000] =	vst v63  }
0x42: {  	_ =	swait.ge [sflag:s10], $0x4000  }
0x43: {  	[sflag:s10] =	ssyncset.done $0x0  }
0x44: {  	s8 =	rddreg [dreg:$0x9];
	[sflag:s10] =	ssyncadd.s32 $0xFFFFC000  }
0x45: {  	[tilespmem:s15], [sflag:$0x2] =	stream.indirect.gather [hbm4b:s4+s13], $0x80, s8, s13, $0xb8;
	[tilespmem:$0x1D000] =	vst v63  }
0x46: {  	_ =	swait.ge [sflag:s16], $0x4000  }
0x47: {  	[sflag:s16] =	ssyncset.done $0x0  }
0x48: {  	s9 =	rddreg [dreg:$0xa];
	[sflag:s16] =	ssyncadd.s32 $0xFFFFC000  }
0x49: {  	[spmem:s2] =	stream.indirect.scatter.add.f32 [tilespmem:s14], [sflag:$0x3], $0x80, s9, s13, $0xb8;
	[tilespmem:$0x1D000] =	vst v63  }
0x4a: {  	_ =	swait.ge [sflag:s10], $0x4000  }
0x4b: {  	[sflag:s10] =	ssyncset.done $0x0  }
0x4c: {  	s7 =	rddreg [dreg:$0xb];
	[sflag:s10] =	ssyncadd.s32 $0xFFFFC000  }
0x4d: {  	[tilespmem:s14], [sflag:$0x1] =	stream.indirect.gather [hbm4b:s4+s13], $0x80, s7, s13, $0xb8;
	[tilespmem:$0x1D000] =	vst v63  }
0x4e: {  	_ =	swait.ge [sflag:s17], $0x4000  }
0x4f: {  	[sflag:s17] =	ssyncset.done $0x0  }
0x50: {  	s8 =	rddreg [dreg:$0xc];
	[sflag:s17] =	ssyncadd.s32 $0xFFFFC000  }
0x51: {  	[spmem:s2] =	stream.indirect.scatter.add.f32 [tilespmem:s15], [sflag:$0x3], $0x80, s8, s13, $0xb8;
	[tilespmem:$0x1D000] =	vst v63  }
0x52: {  	_ =	swait.ge [sflag:s10], $0x4000  }
0x53: {  	[sflag:s10] =	ssyncset.done $0x0  }
0x54: {  	s9 =	rddreg [dreg:$0xd];
	[sflag:s10] =	ssyncadd.s32 $0xFFFFC000  }
0x55: {  	[tilespmem:s15], [sflag:$0x2] =	stream.indirect.gather [hbm4b:s4+s13], $0x80, s9, s13, $0xb8;
	[tilespmem:$0x1D000] =	vst v63  }
0x56: {  	_ =	swait.ge [sflag:s16], $0x4000  }
0x57: {  	[sflag:s16] =	ssyncset.done $0x0  }
0x58: {  	s7 =	rddreg [dreg:$0xe];
	[sflag:s16] =	ssyncadd.s32 $0xFFFFC000  }
0x59: {  	[spmem:s2] =	stream.indirect.scatter.add.f32 [tilespmem:s14], [sflag:$0x3], $0x80, s7, s13, $0xb8;
	[tilespmem:$0x1D000] =	vst v63  }
0x5a: {  	_ =	swait.ge [sflag:s10], $0x4000  }
0x5b: {  	[sflag:s10] =	ssyncset.done $0x0  }
0x5c: {  	s8 =	rddreg [dreg:$0xf];
	[sflag:s10] =	ssyncadd.s32 $0xFFFFC000  }
0x5d: {  	[tilespmem:s14], [sflag:$0x1] =	stream.indirect.gather [hbm4b:s4+s13], $0x80, s8, s13, $0xb8;
	[tilespmem:$0x1D000] =	vst v63  }
0x5e: {  	_ =	swait.ge [sflag:s17], $0x4000  }
0x5f: {  	[sflag:s17] =	ssyncset.done $0x0  }
0x60: {  	s9 =	rddreg [dreg:$0x10];
	[sflag:s17] =	ssyncadd.s32 $0xFFFFC000  }
0x61: {  	[spmem:s2] =	stream.indirect.scatter.add.f32 [tilespmem:s15], [sflag:$0x3], $0x80, s9, s13, $0xb8;
	[tilespmem:$0x1D000] =	vst v63  }
0x62: {  	_ =	swait.ge [sflag:s10], $0x4000  }
0x63: {  	[sflag:s10] =	ssyncset.done $0x0  }
0x64: {  	s7 =	rddreg [dreg:$0x11];
	[sflag:s10] =	ssyncadd.s32 $0xFFFFC000  }
0x65: {  	[tilespmem:s15], [sflag:$0x2] =	stream.indirect.gather [hbm4b:s4+s13], $0x80, s7, s13, $0xb8;
	[tilespmem:$0x1D000] =	vst v63  }
0x66: {  	_ =	swait.ge [sflag:s16], $0x4000  }
0x67: {  	[sflag:s16] =	ssyncset.done $0x0  }
0x68: {  	s8 =	rddreg [dreg:$0x12];
	[sflag:s16] =	ssyncadd.s32 $0xFFFFC000  }
0x69: {  	[spmem:s2] =	stream.indirect.scatter.add.f32 [tilespmem:s14], [sflag:$0x3], $0x80, s8, s13, $0xb8;
	[tilespmem:$0x1D000] =	vst v63  }
0x6a: {  	_ =	swait.ge [sflag:s10], $0x4000  }
0x6b: {  	[sflag:s10] =	ssyncset.done $0x0  }
0x6c: {  	s9 =	rddreg [dreg:$0x13];
	[sflag:s10] =	ssyncadd.s32 $0xFFFFC000  }
0x6d: {  	[tilespmem:s14], [sflag:$0x1] =	stream.indirect.gather [hbm4b:s4+s13], $0x80, s9, s13, $0xb8;
	[tilespmem:$0x1D000] =	vst v63  }
0x6e: {  	_ =	swait.ge [sflag:s17], $0x4000  }
0x6f: {  	[sflag:s17] =	ssyncset.done $0x0  }
0x70: {  	[sflag:s17] =	ssyncadd.s32 $0xFFFFC000  }
0x71: {  	[spmem:s2] =	stream.indirect.scatter.add.f32 [tilespmem:s15], [sflag:$0x3], $0x80, s18, s13, $0xb8;
	[tilespmem:$0x1D000] =	vst v63  }
0x72: {  	_ =	swait.ge [sflag:s10], $0x4000  }
0x73: {  	[sflag:s10] =	ssyncset.done $0x0  }
0x74: {  	[sflag:s10] =	ssyncadd.s32 $0xFFFFC000  }
0x75: {  	[tilespmem:s15], [sflag:$0x2] =	stream.indirect.gather [hbm4b:s4+s13], $0x80, s19, s13, $0xb8;
	[tilespmem:$0x1D000] =	vst v63  }
0x76: {  	_ =	swait.ge [sflag:s16], $0x4000  }
0x77: {  	[sflag:s16] =	ssyncset.done $0x0  }
0x78: {  	[sflag:s16] =	ssyncadd.s32 $0xFFFFC000  }
0x79: {  	[spmem:s2] =	stream.indirect.scatter.add.f32 [tilespmem:s14], [sflag:$0x3], $0x80, s20, s13, $0xb8;
	[tilespmem:$0x1D000] =	vst v63  }
0x7a: {  	_ =	swait.ge [sflag:s10], $0x4000  }
0x7b: {  	[sflag:s10] =	ssyncset.done $0x0  }
0x7c: {  	[sflag:s10] =	ssyncadd.s32 $0xFFFFC000  }
0x7d: {  	[tilespmem:s14], [sflag:$0x1] =	stream.indirect.gather [hbm4b:s4+s13], $0x80, s21, s13, $0xb8;
	[tilespmem:$0x1D000] =	vst v63  }
0x7e: {  	_ =	swait.ge [sflag:s17], $0x4000  }
0x7f: {  	[sflag:s17] =	ssyncset.done $0x0  }
0x80: {  	[sflag:s17] =	ssyncadd.s32 $0xFFFFC000  }
0x81: {  	[spmem:s2] =	stream.indirect.scatter.add.f32 [tilespmem:s15], [sflag:$0x3], $0x80, s22, s13, $0xb8;
	[tilespmem:$0x1D000] =	vst v63  }
0x82: {  	_ =	swait.ge [sflag:s10], $0x4000  }
0x83: {  	[sflag:s10] =	ssyncset.done $0x0  }
0x84: {  	[sflag:s10] =	ssyncadd.s32 $0xFFFFC000  }
0x85: {  	[tilespmem:s15], [sflag:$0x2] =	stream.indirect.gather [hbm4b:s4+s13], $0x80, s23, s13, $0xb8;
	[tilespmem:$0x1D000] =	vst v63  }
0x86: {  	_ =	swait.ge [sflag:s16], $0x4000  }
0x87: {  	[sflag:s16] =	ssyncset.done $0x0  }
0x88: {  	[sflag:s16] =	ssyncadd.s32 $0xFFFFC000  }
0x89: {  	[spmem:s2] =	stream.indirect.scatter.add.f32 [tilespmem:s14], [sflag:$0x3], $0x80, s24, s13, $0xb8;
	[tilespmem:$0x1D000] =	vst v63  }
0x8a: {  	_ =	swait.ge [sflag:s10], $0x4000  }
0x8b: {  	[sflag:s10] =	ssyncset.done $0x0  }
0x8c: {  	[sflag:s10] =	ssyncadd.s32 $0xFFFFC000  }
0x8d: {  	[tilespmem:s14], [sflag:$0x1] =	stream.indirect.gather [hbm4b:s4+s13], $0x80, s25, s13, $0xb8;
	[tilespmem:$0x1D000] =	vst v63  }
0x8e: {  	_ =	swait.ge [sflag:s17], $0x4000  }
0x8f: {  	[sflag:s17] =	ssyncset.done $0x0  }
0x90: {  	[sflag:s17] =	ssyncadd.s32 $0xFFFFC000  }
0x91: {  	[spmem:s2] =	stream.indirect.scatter.add.f32 [tilespmem:s15], [sflag:$0x3], $0x80, s26, s13, $0xb8;
	[tilespmem:$0x1D000] =	vst v63  }
0x92: {  	_ =	swait.ge [sflag:s10], $0x4000  }
0x93: {  	[sflag:s10] =	ssyncset.done $0x0  }
0x94: {  	[sflag:s10] =	ssyncadd.s32 $0xFFFFC000  }
0x95: {  	[tilespmem:s15], [sflag:$0x2] =	stream.indirect.gather [hbm4b:s4+s13], $0x80, s28, s13, $0xb8;
	[tilespmem:$0x1D000] =	vst v63  }
0x96: {  	_ =	swait.ge [sflag:s16], $0x4000  }
0x97: {  	[sflag:s16] =	ssyncset.done $0x0  }
0x98: {  	[sflag:s16] =	ssyncadd.s32 $0xFFFFC000  }
0x99: {  	[spmem:s2] =	stream.indirect.scatter.add.f32 [tilespmem:s14], [sflag:$0x3], $0x80, s29, s13, $0xb8;
	[tilespmem:$0x1D000] =	vst v63  }
0x9a: {  	_ =	swait.ge [sflag:s10], $0x4000  }
0x9b: {  	[sflag:s10] =	ssyncset.done $0x0  }
0x9c: {  	[sflag:s10] =	ssyncadd.s32 $0xFFFFC000  }
0x9d: {  	[tilespmem:s14], [sflag:$0x1] =	stream.indirect.gather [hbm4b:s4+s13], $0x80, s30, s13, $0xb8;
	[tilespmem:$0x1D000] =	vst v63  }
0x9e: {  	_ =	swait.ge [sflag:s17], $0x4000  }
0x9f: {  	[sflag:s17] =	ssyncset.done $0x0  }
0xa0: {  	[sflag:s17] =	ssyncadd.s32 $0xFFFFC000  }
0xa1: {  	[spmem:s2] =	stream.indirect.scatter.add.f32 [tilespmem:s15], [sflag:$0x3], $0x80, s31, s13, $0xb8;
	[tilespmem:$0x1D000] =	vst v63  }
0xa2: {  	_ =	swait.ge [sflag:s10], $0x4000  }
0xa3: {  	[sflag:s10] =	ssyncset.done $0x0  }
0xa4: {  	[sflag:s10] =	ssyncadd.s32 $0xFFFFC000  }
0xa5: {  	[tilespmem:s15], [sflag:$0x2] =	stream.indirect.gather [hbm4b:s4+s13], $0x80, s0, s13, $0xb8;
	[tilespmem:$0x1D000] =	vst v63  }
0xa6: {  	_ =	swait.ge [sflag:s16], $0x4000  }
0xa7: {  	[sflag:s16] =	ssyncset.done $0x0  }
0xa8: {  	[sflag:s16] =	ssyncadd.s32 $0xFFFFC000  }
0xa9: {  	[spmem:s2] =	stream.indirect.scatter.add.f32 [tilespmem:s14], [sflag:$0x3], $0x80, s1, s13, $0xb8;
	[tilespmem:$0x1D000] =	vst v63  }
0xaa: {  	_ =	swait.ge [sflag:s10], $0x4000  }
0xab: {  	[sflag:s10] =	ssyncset.done $0x0  }
0xac: {  	[sflag:s10] =	ssyncadd.s32 $0xFFFFC000  }
0xad: {  	[tilespmem:s14], [sflag:$0x1] =	stream.indirect.gather [hbm4b:s4+s13], $0x80, s0, s13, $0xb8;
	[tilespmem:$0x1D000] =	vst v63  }
0xae: {  	_ =	swait.ge [sflag:s17], $0x4000  }
0xaf: {  	[sflag:s17] =	ssyncset.done $0x0  }
0xb0: {  	[sflag:s17] =	ssyncadd.s32 $0xFFFFC000  }
0xb1: {  	[spmem:s2] =	stream.indirect.scatter.add.f32 [tilespmem:s15], [sflag:$0x3], $0x80, s5, s13, $0xb8;
	[tilespmem:$0x1D000] =	vst v63  }
0xb2: {  	_ =	swait.ge [sflag:s10], $0x4000  }
0xb3: {  	[sflag:s10] =	ssyncset.done $0x0  }
0xb4: {  	[sflag:s10] =	ssyncadd.s32 $0xFFFFC000  }
0xb5: {  	s6 =	simm.s32 $0x200;
	_ =	swait.ge [sflag:s16], $0x4000  }
0xb6: {  	s8 =	simm.s32 $0x100;
	s9 =	rddreg [dreg:$0x5];
	[sflag:s16] =	ssyncset.done $0x0  }
.LBB2_2:
0xb7: {  	[sflag:s16] =	ssyncadd.s32 $0xFFFFC000;
	s9 =	sadd.s32 s8, s9  }
0xb8: {  	[tilespmem:s11], [sflag:$0x3] =	stream.linear.gather [hbm4b:s9+s3], $0x800, $0x38;
	[tilespmem:$0x1D000] =	vst v63  }
0xb9: {  	_ =	swait.ge [sflag:s10], $0x800  }
0xba: {  	s9 =	rddreg [dreg:$0x4];
	[sflag:s10] =	ssyncset.done $0x0  }
0xbb: {  	[sflag:s10] =	ssyncadd.s32 $0xFFFFF800;
	s9 =	sadd.s32 s8, s9  }
0xbc: {  	[tilespmem:s12], [sflag:$0x3] =	stream.linear.gather [hbm4b:s9+s3], $0x800, $0x38;
	[tilespmem:$0x1D000] =	vst v63  }
0xbd: {  	_ =	swait.ge [sflag:s10], $0x800  }
0xbe: {  	[sflag:s10] =	ssyncset.done $0x0  }
0xbf: {  	[sflag:s10] =	ssyncadd.s32 $0xFFFFF800  }
0xc0: {  	[tilespmem:s14], [sflag:$0x1] =	stream.indirect.gather [hbm4b:s4+s13], $0x80, s11, s13, $0xb8;
	[tilespmem:$0x1D000] =	vst v63  }
0xc1: {  	s9 =	rddreg [dreg:$0x6]  }
0xc2: {  	[tilespmem:s15], [sflag:$0x2] =	stream.indirect.gather [hbm4b:s4+s13], $0x80, s9, s13, $0xb8;
	[tilespmem:$0x1D000] =	vst v63  }
0xc3: {  	_ =	swait.ge [sflag:s16], $0x4000  }
0xc4: {  	[sflag:s16] =	ssyncset.done $0x0  }
0xc5: {  	[sflag:s16] =	ssyncadd.s32 $0xFFFFC000  }
0xc6: {  	[spmem:s2] =	stream.indirect.scatter.add.f32 [tilespmem:s14], [sflag:$0x3], $0x80, s12, s13, $0xb8;
	[tilespmem:$0x1D000] =	vst v63  }
0xc7: {  	_ =	swait.ge [sflag:s10], $0x4000  }
0xc8: {  	[sflag:s10] =	ssyncset.done $0x0  }
0xc9: {  	s9 =	rddreg [dreg:$0x7];
	[sflag:s10] =	ssyncadd.s32 $0xFFFFC000  }
0xca: {  	[tilespmem:s14], [sflag:$0x1] =	stream.indirect.gather [hbm4b:s4+s13], $0x80, s9, s13, $0xb8;
	[tilespmem:$0x1D000] =	vst v63  }
0xcb: {  	_ =	swait.ge [sflag:s17], $0x4000  }
0xcc: {  	[sflag:s17] =	ssyncset.done $0x0  }
0xcd: {  	s9 =	rddreg [dreg:$0x8];
	[sflag:s17] =	ssyncadd.s32 $0xFFFFC000  }
0xce: {  	[spmem:s2] =	stream.indirect.scatter.add.f32 [tilespmem:s15], [sflag:$0x3], $0x80, s9, s13, $0xb8;
	[tilespmem:$0x1D000] =	vst v63  }
0xcf: {  	_ =	swait.ge [sflag:s10], $0x4000  }
0xd0: {  	[sflag:s10] =	ssyncset.done $0x0  }
0xd1: {  	s9 =	rddreg [dreg:$0x9];
	[sflag:s10] =	ssyncadd.s32 $0xFFFFC000  }
0xd2: {  	[tilespmem:s15], [sflag:$0x2] =	stream.indirect.gather [hbm4b:s4+s13], $0x80, s9, s13, $0xb8;
	[tilespmem:$0x1D000] =	vst v63  }
0xd3: {  	_ =	swait.ge [sflag:s16], $0x4000  }
0xd4: {  	[sflag:s16] =	ssyncset.done $0x0  }
0xd5: {  	s9 =	rddreg [dreg:$0xa];
	[sflag:s16] =	ssyncadd.s32 $0xFFFFC000  }
0xd6: {  	[spmem:s2] =	stream.indirect.scatter.add.f32 [tilespmem:s14], [sflag:$0x3], $0x80, s9, s13, $0xb8;
	[tilespmem:$0x1D000] =	vst v63  }
0xd7: {  	_ =	swait.ge [sflag:s10], $0x4000  }
0xd8: {  	[sflag:s10] =	ssyncset.done $0x0  }
0xd9: {  	s9 =	rddreg [dreg:$0xb];
	[sflag:s10] =	ssyncadd.s32 $0xFFFFC000  }
0xda: {  	[tilespmem:s14], [sflag:$0x1] =	stream.indirect.gather [hbm4b:s4+s13], $0x80, s9, s13, $0xb8;
	[tilespmem:$0x1D000] =	vst v63  }
0xdb: {  	_ =	swait.ge [sflag:s17], $0x4000  }
0xdc: {  	[sflag:s17] =	ssyncset.done $0x0  }
0xdd: {  	s9 =	rddreg [dreg:$0xc];
	[sflag:s17] =	ssyncadd.s32 $0xFFFFC000  }
0xde: {  	[spmem:s2] =	stream.indirect.scatter.add.f32 [tilespmem:s15], [sflag:$0x3], $0x80, s9, s13, $0xb8;
	[tilespmem:$0x1D000] =	vst v63  }
0xdf: {  	_ =	swait.ge [sflag:s10], $0x4000  }
0xe0: {  	[sflag:s10] =	ssyncset.done $0x0  }
0xe1: {  	s9 =	rddreg [dreg:$0xd];
	[sflag:s10] =	ssyncadd.s32 $0xFFFFC000  }
0xe2: {  	[tilespmem:s15], [sflag:$0x2] =	stream.indirect.gather [hbm4b:s4+s13], $0x80, s9, s13, $0xb8;
	[tilespmem:$0x1D000] =	vst v63  }
0xe3: {  	_ =	swait.ge [sflag:s16], $0x4000  }
0xe4: {  	[sflag:s16] =	ssyncset.done $0x0  }
0xe5: {  	s9 =	rddreg [dreg:$0xe];
	[sflag:s16] =	ssyncadd.s32 $0xFFFFC000  }
0xe6: {  	[spmem:s2] =	stream.indirect.scatter.add.f32 [tilespmem:s14], [sflag:$0x3], $0x80, s9, s13, $0xb8;
	[tilespmem:$0x1D000] =	vst v63  }
0xe7: {  	_ =	swait.ge [sflag:s10], $0x4000  }
0xe8: {  	[sflag:s10] =	ssyncset.done $0x0  }
0xe9: {  	s9 =	rddreg [dreg:$0xf];
	[sflag:s10] =	ssyncadd.s32 $0xFFFFC000  }
0xea: {  	[tilespmem:s14], [sflag:$0x1] =	stream.indirect.gather [hbm4b:s4+s13], $0x80, s9, s13, $0xb8;
	[tilespmem:$0x1D000] =	vst v63  }
0xeb: {  	_ =	swait.ge [sflag:s17], $0x4000  }
0xec: {  	[sflag:s17] =	ssyncset.done $0x0  }
0xed: {  	s9 =	rddreg [dreg:$0x10];
	[sflag:s17] =	ssyncadd.s32 $0xFFFFC000  }
0xee: {  	[spmem:s2] =	stream.indirect.scatter.add.f32 [tilespmem:s15], [sflag:$0x3], $0x80, s9, s13, $0xb8;
	[tilespmem:$0x1D000] =	vst v63  }
0xef: {  	_ =	swait.ge [sflag:s10], $0x4000  }
0xf0: {  	[sflag:s10] =	ssyncset.done $0x0  }
0xf1: {  	s9 =	rddreg [dreg:$0x11];
	[sflag:s10] =	ssyncadd.s32 $0xFFFFC000  }
0xf2: {  	[tilespmem:s15], [sflag:$0x2] =	stream.indirect.gather [hbm4b:s4+s13], $0x80, s9, s13, $0xb8;
	[tilespmem:$0x1D000] =	vst v63  }
0xf3: {  	_ =	swait.ge [sflag:s16], $0x4000  }
0xf4: {  	[sflag:s16] =	ssyncset.done $0x0  }
0xf5: {  	s9 =	rddreg [dreg:$0x12];
	[sflag:s16] =	ssyncadd.s32 $0xFFFFC000  }
0xf6: {  	[spmem:s2] =	stream.indirect.scatter.add.f32 [tilespmem:s14], [sflag:$0x3], $0x80, s9, s13, $0xb8;
	[tilespmem:$0x1D000] =	vst v63  }
0xf7: {  	_ =	swait.ge [sflag:s10], $0x4000  }
0xf8: {  	[sflag:s10] =	ssyncset.done $0x0  }
0xf9: {  	s9 =	rddreg [dreg:$0x13];
	[sflag:s10] =	ssyncadd.s32 $0xFFFFC000  }
0xfa: {  	[tilespmem:s14], [sflag:$0x1] =	stream.indirect.gather [hbm4b:s4+s13], $0x80, s9, s13, $0xb8;
	[tilespmem:$0x1D000] =	vst v63  }
0xfb: {  	_ =	swait.ge [sflag:s17], $0x4000  }
0xfc: {  	[sflag:s17] =	ssyncset.done $0x0  }
0xfd: {  	[sflag:s17] =	ssyncadd.s32 $0xFFFFC000  }
0xfe: {  	[spmem:s2] =	stream.indirect.scatter.add.f32 [tilespmem:s15], [sflag:$0x3], $0x80, s18, s13, $0xb8;
	[tilespmem:$0x1D000] =	vst v63  }
0xff: {  	_ =	swait.ge [sflag:s10], $0x4000  }
0x100: {  	[sflag:s10] =	ssyncset.done $0x0  }
0x101: {  	[sflag:s10] =	ssyncadd.s32 $0xFFFFC000  }
0x102: {  	[tilespmem:s15], [sflag:$0x2] =	stream.indirect.gather [hbm4b:s4+s13], $0x80, s19, s13, $0xb8;
	[tilespmem:$0x1D000] =	vst v63  }
0x103: {  	_ =	swait.ge [sflag:s16], $0x4000  }
0x104: {  	[sflag:s16] =	ssyncset.done $0x0  }
0x105: {  	[sflag:s16] =	ssyncadd.s32 $0xFFFFC000  }
0x106: {  	[spmem:s2] =	stream.indirect.scatter.add.f32 [tilespmem:s14], [sflag:$0x3], $0x80, s20, s13, $0xb8;
	[tilespmem:$0x1D000] =	vst v63  }
0x107: {  	_ =	swait.ge [sflag:s10], $0x4000  }
0x108: {  	[sflag:s10] =	ssyncset.done $0x0  }
0x109: {  	[sflag:s10] =	ssyncadd.s32 $0xFFFFC000  }
0x10a: {  	[tilespmem:s14], [sflag:$0x1] =	stream.indirect.gather [hbm4b:s4+s13], $0x80, s21, s13, $0xb8;
	[tilespmem:$0x1D000] =	vst v63  }
0x10b: {  	_ =	swait.ge [sflag:s17], $0x4000  }
0x10c: {  	[sflag:s17] =	ssyncset.done $0x0  }
0x10d: {  	[sflag:s17] =	ssyncadd.s32 $0xFFFFC000  }
0x10e: {  	[spmem:s2] =	stream.indirect.scatter.add.f32 [tilespmem:s15], [sflag:$0x3], $0x80, s22, s13, $0xb8;
	[tilespmem:$0x1D000] =	vst v63  }
0x10f: {  	_ =	swait.ge [sflag:s10], $0x4000  }
0x110: {  	[sflag:s10] =	ssyncset.done $0x0  }
0x111: {  	[sflag:s10] =	ssyncadd.s32 $0xFFFFC000  }
0x112: {  	[tilespmem:s15], [sflag:$0x2] =	stream.indirect.gather [hbm4b:s4+s13], $0x80, s23, s13, $0xb8;
	[tilespmem:$0x1D000] =	vst v63  }
0x113: {  	_ =	swait.ge [sflag:s16], $0x4000  }
0x114: {  	[sflag:s16] =	ssyncset.done $0x0  }
0x115: {  	[sflag:s16] =	ssyncadd.s32 $0xFFFFC000  }
0x116: {  	[spmem:s2] =	stream.indirect.scatter.add.f32 [tilespmem:s14], [sflag:$0x3], $0x80, s24, s13, $0xb8;
	[tilespmem:$0x1D000] =	vst v63  }
0x117: {  	_ =	swait.ge [sflag:s10], $0x4000  }
0x118: {  	[sflag:s10] =	ssyncset.done $0x0  }
0x119: {  	[sflag:s10] =	ssyncadd.s32 $0xFFFFC000  }
0x11a: {  	[tilespmem:s14], [sflag:$0x1] =	stream.indirect.gather [hbm4b:s4+s13], $0x80, s25, s13, $0xb8;
	[tilespmem:$0x1D000] =	vst v63  }
0x11b: {  	_ =	swait.ge [sflag:s17], $0x4000  }
0x11c: {  	[sflag:s17] =	ssyncset.done $0x0  }
0x11d: {  	[sflag:s17] =	ssyncadd.s32 $0xFFFFC000  }
0x11e: {  	[spmem:s2] =	stream.indirect.scatter.add.f32 [tilespmem:s15], [sflag:$0x3], $0x80, s26, s13, $0xb8;
	[tilespmem:$0x1D000] =	vst v63  }
0x11f: {  	_ =	swait.ge [sflag:s10], $0x4000  }
0x120: {  	[sflag:s10] =	ssyncset.done $0x0  }
0x121: {  	[sflag:s10] =	ssyncadd.s32 $0xFFFFC000  }
0x122: {  	[tilespmem:s15], [sflag:$0x2] =	stream.indirect.gather [hbm4b:s4+s13], $0x80, s28, s13, $0xb8;
	[tilespmem:$0x1D000] =	vst v63  }
0x123: {  	_ =	swait.ge [sflag:s16], $0x4000  }
0x124: {  	[sflag:s16] =	ssyncset.done $0x0  }
0x125: {  	[sflag:s16] =	ssyncadd.s32 $0xFFFFC000  }
0x126: {  	[spmem:s2] =	stream.indirect.scatter.add.f32 [tilespmem:s14], [sflag:$0x3], $0x80, s29, s13, $0xb8;
	[tilespmem:$0x1D000] =	vst v63  }
0x127: {  	_ =	swait.ge [sflag:s10], $0x4000  }
0x128: {  	[sflag:s10] =	ssyncset.done $0x0  }
0x129: {  	[sflag:s10] =	ssyncadd.s32 $0xFFFFC000  }
0x12a: {  	[tilespmem:s14], [sflag:$0x1] =	stream.indirect.gather [hbm4b:s4+s13], $0x80, s30, s13, $0xb8;
	[tilespmem:$0x1D000] =	vst v63  }
0x12b: {  	_ =	swait.ge [sflag:s17], $0x4000  }
0x12c: {  	[sflag:s17] =	ssyncset.done $0x0  }
0x12d: {  	[sflag:s17] =	ssyncadd.s32 $0xFFFFC000  }
0x12e: {  	[spmem:s2] =	stream.indirect.scatter.add.f32 [tilespmem:s15], [sflag:$0x3], $0x80, s31, s13, $0xb8;
	[tilespmem:$0x1D000] =	vst v63  }
0x12f: {  	_ =	swait.ge [sflag:s10], $0x4000  }
0x130: {  	[sflag:s10] =	ssyncset.done $0x0  }
0x131: {  	[sflag:s10] =	ssyncadd.s32 $0xFFFFC000  }
0x132: {  	[tilespmem:s15], [sflag:$0x2] =	stream.indirect.gather [hbm4b:s4+s13], $0x80, s0, s13, $0xb8;
	[tilespmem:$0x1D000] =	vst v63  }
0x133: {  	_ =	swait.ge [sflag:s16], $0x4000  }
0x134: {  	[sflag:s16] =	ssyncset.done $0x0  }
0x135: {  	[sflag:s16] =	ssyncadd.s32 $0xFFFFC000  }
0x136: {  	[spmem:s2] =	stream.indirect.scatter.add.f32 [tilespmem:s14], [sflag:$0x3], $0x80, s1, s13, $0xb8;
	[tilespmem:$0x1D000] =	vst v63  }
0x137: {  	_ =	swait.ge [sflag:s10], $0x4000  }
0x138: {  	[sflag:s10] =	ssyncset.done $0x0  }
0x139: {  	[sflag:s10] =	ssyncadd.s32 $0xFFFFC000  }
0x13a: {  	[tilespmem:s14], [sflag:$0x1] =	stream.indirect.gather [hbm4b:s4+s13], $0x80, s0, s13, $0xb8;
	[tilespmem:$0x1D000] =	vst v63  }
0x13b: {  	_ =	swait.ge [sflag:s17], $0x4000  }
0x13c: {  	[sflag:s17] =	ssyncset.done $0x0  }
0x13d: {  	p0 =	sne.s32 s6, $0x400;
	[sflag:s17] =	ssyncadd.s32 $0xFFFFC000  }
0x13e: {  	[spmem:s2] =	stream.indirect.scatter.add.f32 [tilespmem:s15], [sflag:$0x3], $0x80, s5, s13, $0xb8;
	[tilespmem:$0x1D000] =	vst v63  }
.Ltmp0:
0x13f: {  	_ =	swait.ge [sflag:s10], $0x4000;
	(pc) =	sbr.rel @p0 .LBB2_2-.Ltmp0, $4  }
0x140: {  	[sflag:s10] =	ssyncset.done $0x0  }
0x141: {  	[sflag:s10] =	ssyncadd.s32 $0xFFFFC000  }
0x142: {  	s7 =	smov.u32 s6;
	s6 =	sadd.s32 $0x100, s6;
	_ =	swait.ge [sflag:s16], $0x4000  }
0x143: {  	s8 =	smov.u32 s7;
	s9 =	rddreg [dreg:$0x5];
	[sflag:s16] =	ssyncset.done $0x0  }
0x144: {  	[sflag:s16] =	ssyncadd.s32 $0xFFFFC000;
	s6 =	sadd.s32 s8, s9  }
0x145: {  	[tilespmem:s11], [sflag:$0x3] =	stream.linear.gather [hbm4b:s6+s3], $0x800, $0x38;
	[tilespmem:$0x1D000] =	vst v63  }
0x146: {  	_ =	swait.ge [sflag:s10], $0x800  }
0x147: {  	s9 =	rddreg [dreg:$0x4];
	[sflag:s10] =	ssyncset.done $0x0  }
0x148: {  	s6 =	sadd.s32 s8, s9;
	[sflag:s10] =	ssyncadd.s32 $0xFFFFF800  }
0x149: {  	[tilespmem:s12], [sflag:$0x3] =	stream.linear.gather [hbm4b:s6+s3], $0x800, $0x38;
	[tilespmem:$0x1D000] =	vst v63  }
0x14a: {  	_ =	swait.ge [sflag:s10], $0x800  }
0x14b: {  	[sflag:s10] =	ssyncset.done $0x0  }
0x14c: {  	[sflag:s10] =	ssyncadd.s32 $0xFFFFF800  }
0x14d: {  	[tilespmem:s14], [sflag:$0x1] =	stream.indirect.gather [hbm4b:s4+s13], $0x80, s11, s13, $0xb8;
	[tilespmem:$0x1D000] =	vst v63  }
0x14e: {  	s7 =	rddreg [dreg:$0x6]  }
0x14f: {  	[tilespmem:s15], [sflag:$0x2] =	stream.indirect.gather [hbm4b:s4+s13], $0x80, s7, s13, $0xb8;
	[tilespmem:$0x1D000] =	vst v63  }
0x150: {  	_ =	swait.ge [sflag:s16], $0x4000  }
0x151: {  	[sflag:s16] =	ssyncset.done $0x0  }
0x152: {  	[sflag:s16] =	ssyncadd.s32 $0xFFFFC000  }
0x153: {  	[spmem:s2] =	stream.indirect.scatter.add.f32 [tilespmem:s14], [sflag:$0x3], $0x80, s12, s13, $0xb8;
	[tilespmem:$0x1D000] =	vst v63  }
0x154: {  	_ =	swait.ge [sflag:s10], $0x4000  }
0x155: {  	[sflag:s10] =	ssyncset.done $0x0  }
0x156: {  	s8 =	rddreg [dreg:$0x7];
	[sflag:s10] =	ssyncadd.s32 $0xFFFFC000  }
0x157: {  	[tilespmem:s14], [sflag:$0x1] =	stream.indirect.gather [hbm4b:s4+s13], $0x80, s8, s13, $0xb8;
	[tilespmem:$0x1D000] =	vst v63  }
0x158: {  	_ =	swait.ge [sflag:s17], $0x4000  }
0x159: {  	[sflag:s17] =	ssyncset.done $0x0  }
0x15a: {  	s9 =	rddreg [dreg:$0x8];
	[sflag:s17] =	ssyncadd.s32 $0xFFFFC000  }
0x15b: {  	[spmem:s2] =	stream.indirect.scatter.add.f32 [tilespmem:s15], [sflag:$0x3], $0x80, s9, s13, $0xb8;
	[tilespmem:$0x1D000] =	vst v63  }
0x15c: {  	_ =	swait.ge [sflag:s10], $0x4000  }
0x15d: {  	[sflag:s10] =	ssyncset.done $0x0  }
0x15e: {  	s7 =	rddreg [dreg:$0x9];
	[sflag:s10] =	ssyncadd.s32 $0xFFFFC000  }
0x15f: {  	[tilespmem:s15], [sflag:$0x2] =	stream.indirect.gather [hbm4b:s4+s13], $0x80, s7, s13, $0xb8;
	[tilespmem:$0x1D000] =	vst v63  }
0x160: {  	_ =	swait.ge [sflag:s16], $0x4000  }
0x161: {  	[sflag:s16] =	ssyncset.done $0x0  }
0x162: {  	s8 =	rddreg [dreg:$0xa];
	[sflag:s16] =	ssyncadd.s32 $0xFFFFC000  }
0x163: {  	[spmem:s2] =	stream.indirect.scatter.add.f32 [tilespmem:s14], [sflag:$0x3], $0x80, s8, s13, $0xb8;
	[tilespmem:$0x1D000] =	vst v63  }
0x164: {  	_ =	swait.ge [sflag:s10], $0x4000  }
0x165: {  	[sflag:s10] =	ssyncset.done $0x0  }
0x166: {  	s9 =	rddreg [dreg:$0xb];
	[sflag:s10] =	ssyncadd.s32 $0xFFFFC000  }
0x167: {  	[tilespmem:s14], [sflag:$0x1] =	stream.indirect.gather [hbm4b:s4+s13], $0x80, s9, s13, $0xb8;
	[tilespmem:$0x1D000] =	vst v63  }
0x168: {  	_ =	swait.ge [sflag:s17], $0x4000  }
0x169: {  	[sflag:s17] =	ssyncset.done $0x0  }
0x16a: {  	s7 =	rddreg [dreg:$0xc];
	[sflag:s17] =	ssyncadd.s32 $0xFFFFC000  }
0x16b: {  	[spmem:s2] =	stream.indirect.scatter.add.f32 [tilespmem:s15], [sflag:$0x3], $0x80, s7, s13, $0xb8;
	[tilespmem:$0x1D000] =	vst v63  }
0x16c: {  	_ =	swait.ge [sflag:s10], $0x4000  }
0x16d: {  	[sflag:s10] =	ssyncset.done $0x0  }
0x16e: {  	s8 =	rddreg [dreg:$0xd];
	[sflag:s10] =	ssyncadd.s32 $0xFFFFC000  }
0x16f: {  	[tilespmem:s15], [sflag:$0x2] =	stream.indirect.gather [hbm4b:s4+s13], $0x80, s8, s13, $0xb8;
	[tilespmem:$0x1D000] =	vst v63  }
0x170: {  	_ =	swait.ge [sflag:s16], $0x4000  }
0x171: {  	[sflag:s16] =	ssyncset.done $0x0  }
0x172: {  	s9 =	rddreg [dreg:$0xe];
	[sflag:s16] =	ssyncadd.s32 $0xFFFFC000  }
0x173: {  	[spmem:s2] =	stream.indirect.scatter.add.f32 [tilespmem:s14], [sflag:$0x3], $0x80, s9, s13, $0xb8;
	[tilespmem:$0x1D000] =	vst v63  }
0x174: {  	_ =	swait.ge [sflag:s10], $0x4000  }
0x175: {  	[sflag:s10] =	ssyncset.done $0x0  }
0x176: {  	s7 =	rddreg [dreg:$0xf];
	[sflag:s10] =	ssyncadd.s32 $0xFFFFC000  }
0x177: {  	[tilespmem:s14], [sflag:$0x1] =	stream.indirect.gather [hbm4b:s4+s13], $0x80, s7, s13, $0xb8;
	[tilespmem:$0x1D000] =	vst v63  }
0x178: {  	_ =	swait.ge [sflag:s17], $0x4000  }
0x179: {  	[sflag:s17] =	ssyncset.done $0x0  }
0x17a: {  	s8 =	rddreg [dreg:$0x10];
	[sflag:s17] =	ssyncadd.s32 $0xFFFFC000  }
0x17b: {  	[spmem:s2] =	stream.indirect.scatter.add.f32 [tilespmem:s15], [sflag:$0x3], $0x80, s8, s13, $0xb8;
	[tilespmem:$0x1D000] =	vst v63  }
0x17c: {  	_ =	swait.ge [sflag:s10], $0x4000  }
0x17d: {  	[sflag:s10] =	ssyncset.done $0x0  }
0x17e: {  	s9 =	rddreg [dreg:$0x11];
	[sflag:s10] =	ssyncadd.s32 $0xFFFFC000  }
0x17f: {  	[tilespmem:s15], [sflag:$0x2] =	stream.indirect.gather [hbm4b:s4+s13], $0x80, s9, s13, $0xb8;
	[tilespmem:$0x1D000] =	vst v63  }
0x180: {  	_ =	swait.ge [sflag:s16], $0x4000  }
0x181: {  	[sflag:s16] =	ssyncset.done $0x0  }
0x182: {  	s7 =	rddreg [dreg:$0x12];
	[sflag:s16] =	ssyncadd.s32 $0xFFFFC000  }
0x183: {  	[spmem:s2] =	stream.indirect.scatter.add.f32 [tilespmem:s14], [sflag:$0x3], $0x80, s7, s13, $0xb8;
	[tilespmem:$0x1D000] =	vst v63  }
0x184: {  	_ =	swait.ge [sflag:s10], $0x4000  }
0x185: {  	[sflag:s10] =	ssyncset.done $0x0  }
0x186: {  	s8 =	rddreg [dreg:$0x13];
	[sflag:s10] =	ssyncadd.s32 $0xFFFFC000  }
0x187: {  	[tilespmem:s14], [sflag:$0x1] =	stream.indirect.gather [hbm4b:s4+s13], $0x80, s8, s13, $0xb8;
	[tilespmem:$0x1D000] =	vst v63  }
0x188: {  	_ =	swait.ge [sflag:s17], $0x4000  }
0x189: {  	[sflag:s17] =	ssyncset.done $0x0  }
0x18a: {  	[sflag:s17] =	ssyncadd.s32 $0xFFFFC000  }
0x18b: {  	[spmem:s2] =	stream.indirect.scatter.add.f32 [tilespmem:s15], [sflag:$0x3], $0x80, s18, s13, $0xb8;
	[tilespmem:$0x1D000] =	vst v63  }
0x18c: {  	_ =	swait.ge [sflag:s10], $0x4000  }
0x18d: {  	[sflag:s10] =	ssyncset.done $0x0  }
0x18e: {  	[sflag:s10] =	ssyncadd.s32 $0xFFFFC000  }
0x18f: {  	[tilespmem:s15], [sflag:$0x2] =	stream.indirect.gather [hbm4b:s4+s13], $0x80, s19, s13, $0xb8;
	[tilespmem:$0x1D000] =	vst v63  }
0x190: {  	_ =	swait.ge [sflag:s16], $0x4000  }
0x191: {  	[sflag:s16] =	ssyncset.done $0x0  }
0x192: {  	[sflag:s16] =	ssyncadd.s32 $0xFFFFC000  }
0x193: {  	[spmem:s2] =	stream.indirect.scatter.add.f32 [tilespmem:s14], [sflag:$0x3], $0x80, s20, s13, $0xb8;
	[tilespmem:$0x1D000] =	vst v63  }
0x194: {  	_ =	swait.ge [sflag:s10], $0x4000  }
0x195: {  	[sflag:s10] =	ssyncset.done $0x0  }
0x196: {  	[sflag:s10] =	ssyncadd.s32 $0xFFFFC000  }
0x197: {  	[tilespmem:s14], [sflag:$0x1] =	stream.indirect.gather [hbm4b:s4+s13], $0x80, s21, s13, $0xb8;
	[tilespmem:$0x1D000] =	vst v63  }
0x198: {  	_ =	swait.ge [sflag:s17], $0x4000  }
0x199: {  	[sflag:s17] =	ssyncset.done $0x0  }
0x19a: {  	[sflag:s17] =	ssyncadd.s32 $0xFFFFC000  }
0x19b: {  	[spmem:s2] =	stream.indirect.scatter.add.f32 [tilespmem:s15], [sflag:$0x3], $0x80, s22, s13, $0xb8;
	[tilespmem:$0x1D000] =	vst v63  }
0x19c: {  	_ =	swait.ge [sflag:s10], $0x4000  }
0x19d: {  	[sflag:s10] =	ssyncset.done $0x0  }
0x19e: {  	[sflag:s10] =	ssyncadd.s32 $0xFFFFC000  }
0x19f: {  	[tilespmem:s15], [sflag:$0x2] =	stream.indirect.gather [hbm4b:s4+s13], $0x80, s23, s13, $0xb8;
	[tilespmem:$0x1D000] =	vst v63  }
0x1a0: {  	_ =	swait.ge [sflag:s16], $0x4000  }
0x1a1: {  	[sflag:s16] =	ssyncset.done $0x0  }
0x1a2: {  	[sflag:s16] =	ssyncadd.s32 $0xFFFFC000  }
0x1a3: {  	[spmem:s2] =	stream.indirect.scatter.add.f32 [tilespmem:s14], [sflag:$0x3], $0x80, s24, s13, $0xb8;
	[tilespmem:$0x1D000] =	vst v63  }
0x1a4: {  	_ =	swait.ge [sflag:s10], $0x4000  }
0x1a5: {  	[sflag:s10] =	ssyncset.done $0x0  }
0x1a6: {  	[sflag:s10] =	ssyncadd.s32 $0xFFFFC000  }
0x1a7: {  	[tilespmem:s14], [sflag:$0x1] =	stream.indirect.gather [hbm4b:s4+s13], $0x80, s25, s13, $0xb8;
	[tilespmem:$0x1D000] =	vst v63  }
0x1a8: {  	_ =	swait.ge [sflag:s17], $0x4000  }
0x1a9: {  	[sflag:s17] =	ssyncset.done $0x0  }
0x1aa: {  	[sflag:s17] =	ssyncadd.s32 $0xFFFFC000  }
0x1ab: {  	[spmem:s2] =	stream.indirect.scatter.add.f32 [tilespmem:s15], [sflag:$0x3], $0x80, s26, s13, $0xb8;
	[tilespmem:$0x1D000] =	vst v63  }
0x1ac: {  	_ =	swait.ge [sflag:s10], $0x4000  }
0x1ad: {  	[sflag:s10] =	ssyncset.done $0x0  }
0x1ae: {  	[sflag:s10] =	ssyncadd.s32 $0xFFFFC000  }
0x1af: {  	[tilespmem:s15], [sflag:$0x2] =	stream.indirect.gather [hbm4b:s4+s13], $0x80, s28, s13, $0xb8;
	[tilespmem:$0x1D000] =	vst v63  }
0x1b0: {  	_ =	swait.ge [sflag:s16], $0x4000  }
0x1b1: {  	[sflag:s16] =	ssyncset.done $0x0  }
0x1b2: {  	[sflag:s16] =	ssyncadd.s32 $0xFFFFC000  }
0x1b3: {  	[spmem:s2] =	stream.indirect.scatter.add.f32 [tilespmem:s14], [sflag:$0x3], $0x80, s29, s13, $0xb8;
	[tilespmem:$0x1D000] =	vst v63  }
0x1b4: {  	_ =	swait.ge [sflag:s10], $0x4000  }
0x1b5: {  	[sflag:s10] =	ssyncset.done $0x0  }
0x1b6: {  	[sflag:s10] =	ssyncadd.s32 $0xFFFFC000  }
0x1b7: {  	[tilespmem:s14], [sflag:$0x1] =	stream.indirect.gather [hbm4b:s4+s13], $0x80, s30, s13, $0xb8;
	[tilespmem:$0x1D000] =	vst v63  }
0x1b8: {  	_ =	swait.ge [sflag:s17], $0x4000  }
0x1b9: {  	[sflag:s17] =	ssyncset.done $0x0  }
0x1ba: {  	[sflag:s17] =	ssyncadd.s32 $0xFFFFC000  }
0x1bb: {  	[spmem:s2] =	stream.indirect.scatter.add.f32 [tilespmem:s15], [sflag:$0x3], $0x80, s31, s13, $0xb8;
	[tilespmem:$0x1D000] =	vst v63  }
0x1bc: {  	_ =	swait.ge [sflag:s10], $0x4000  }
0x1bd: {  	[sflag:s10] =	ssyncset.done $0x0  }
0x1be: {  	[sflag:s10] =	ssyncadd.s32 $0xFFFFC000  }
0x1bf: {  	[tilespmem:s15], [sflag:$0x2] =	stream.indirect.gather [hbm4b:s4+s13], $0x80, s0, s13, $0xb8;
	[tilespmem:$0x1D000] =	vst v63  }
0x1c0: {  	_ =	swait.ge [sflag:s16], $0x4000  }
0x1c1: {  	[sflag:s16] =	ssyncset.done $0x0  }
0x1c2: {  	[sflag:s16] =	ssyncadd.s32 $0xFFFFC000  }
0x1c3: {  	[spmem:s2] =	stream.indirect.scatter.add.f32 [tilespmem:s14], [sflag:$0x3], $0x80, s1, s13, $0xb8;
	[tilespmem:$0x1D000] =	vst v63  }
0x1c4: {  	_ =	swait.ge [sflag:s10], $0x4000  }
0x1c5: {  	[sflag:s10] =	ssyncset.done $0x0  }
0x1c6: {  	[sflag:s10] =	ssyncadd.s32 $0xFFFFC000  }
0x1c7: {  	[tilespmem:s14], [sflag:$0x1] =	stream.indirect.gather [hbm4b:s4+s13], $0x80, s0, s13, $0xb8;
	[tilespmem:$0x1D000] =	vst v63  }
0x1c8: {  	_ =	swait.ge [sflag:s17], $0x4000  }
0x1c9: {  	[sflag:s17] =	ssyncset.done $0x0  }
0x1ca: {  	[sflag:s17] =	ssyncadd.s32 $0xFFFFC000  }
0x1cb: {  	[spmem:s2] =	stream.indirect.scatter.add.f32 [tilespmem:s15], [sflag:$0x3], $0x80, s5, s13, $0xb8;
	[tilespmem:$0x1D000] =	vst v63  }
0x1cc: {  	_ =	swait.ge [sflag:s10], $0x4000  }
0x1cd: {  	[sflag:s10] =	ssyncset.done $0x0  }
0x1ce: {  	[sflag:s10] =	ssyncadd.s32 $0xFFFFC000  }
0x1cf: {  	_ =	swait.ge [sflag:s16], $0x4000  }
0x1d0: {  	[sflag:s16] =	ssyncset.done $0x0  }
0x1d1: {  	[sflag:s16] =	ssyncadd.s32 $0xFFFFC000  }
0x1d2: {  	[bflag:$0x0] =	sbarrier.arrive $0xFFFF  }
0x1d3: {  	s7 =	rddreg [dreg:$0x15]  }
0x1d4: {  	s9 =	rddreg [dreg:$0x16]  }
0x1d5: {  	s8 =	rddreg [dreg:$0x18]  }
0x1d6: {  	[hbm:s9], [sflag:s7] =	dma.local [spmem:s8], $0x2800  }
0x1d7: {  	_ =	swait.ge [sflag:s10], $0x2800  }
0x1d8: {  	s6 =	rddreg [dreg:$0x19]  }
0x1d9: {  	s9 =	sadd.s32 $0x1, s6;
	s6 =	rddreg [dreg:$0x17]  }
0x1da: {  	p0 =	sne.s32 s9, s6  }
.Ltmp1:
0x1db: {  	_ = 	snop;
	(pc) =	sbr.rel @p0 .LBB2_1-.Ltmp1, $3  }
0x1dc: {  	_ =	sdelay $0x1  }
0x1dd: {  	[sflag:s10] =	ssyncset.done $0x0  }
0x1de: {  	[sflag:s10] =	ssyncadd.s32 $0xFFFFD800  }
0x1df: {  	_ =	sfence.sel $0x180000  }
0x1e0: {  	[bflag:$0x0] =	sbarrier.arrive $0xFFFF  }
0x1e1: {  	_ =	strace $0x9000004D  }
0x1e2: {  	s0 =	stileid.u32;
	[bflag:$0x2] =	sbarrier.arrive $0xFFFF  }
0x1e3: {  	p0 =	sne.s32 s0, $0x0;
	s0 =	rddreg [dreg:$0x3]  }
0x1e4: {  	s0 =	sadd.s32 @!p0 $0x100000, s0  }
0x1e5: {  	[sflag:s0] =	ssyncadd.tile.s32 @!p0 $0x1;
	_ =	shalt  }
.Lfunc_end2:
_tile_overlayer_lowered:
.L_overlay_start_2:
0x1e6: {  	(tag) =	ssettag $0x2  }
0x1e7: {  	s0 =	rddreg [dreg:$0x0];
	s2 =	stileid.u32  }
0x1e8: {  	s1 =	rddreg [dreg:$0x1];
	p0 =	sne.s32 s2, $0x0  }
0x1e9: {  	s3 =	rddreg [dreg:$0x2];
	[bflag:$0x3] =	sbarrier.arrive $0xFFFF;
	s2 =	simm.s32 @!p0 $0x1C03  }
0x1ea: {  	[timem:s3], [sflag:s2] =	dma.local @!p0 [hbm:s0], s1  }
0x1eb: {  	s0 =	simm.s32 @!p0 $0x3  }
0x1ec: {  	_ =	swait.ge @!p0 [sflag:s0], s1  }
0x1ed: {  	s1 =	ssub.s32 @!p0 $0x0, s1;
	[sflag:s0] =	ssyncset.done @!p0 $0x0  }
0x1ee: {  	[sflag:s0] =	ssyncadd.s32 @!p0 s1  }
0x1ef: {  	[bflag:$0x3] =	sbarrier.arrive $0xFFFF  }
0x1f0: {  	_ =	shalt  }

// kernel: kernel.19.cloned.1.call-start
scs
__scs_entry_jumppad:
0x0: {  	(pc) =	sbr.rel $0x88, $3  }
0x1: {  	(tag) =	ssettag $0x0;
	lr =	simm.s32 $0x1  }
0x2: {  	[smem:$0x3F95] =	sst lr;
	_ =	strace $0xD0000000  }
0x3: {  	_ = 	snop  }
0x4: {  	_ = 	snop  }
0x5: {  	_ = 	snop  }
0x6: {  	_ = 	snop  }
0x7: {  	_ = 	snop  }
__scs_overlays_trampoline_lowered:
0x8: {  	[smem:$0x3FA4] =	sst s0  }
0x9: {  	[smem:$0x3FA5] =	sst s1  }
0xa: {  	[smem:$0x3FA6] =	sst s2  }
0xb: {  	[smem:$0x3FA7] =	sst s3  }
0xc: {  	[smem:$0x3FA8] =	sst s4  }
0xd: {  	[smem:$0x3FA9] =	sst s5  }
0xe: {  	[smem:$0x3FAA] =	sst s6  }
0xf: {  	[smem:$0x3FAB] =	sst s7  }
0x10: {  	[smem:$0x3FAC] =	sst s8  }
0x11: {  	[smem:$0x3FAD] =	sst s9;
	s0 =	simm.s32 @!p0 $0x0  }
0x12: {  	s1 =	sld [smem:$0x3F93];
	s0 =	simm.s32 @p0 $0x1  }
0x13: {  	[smem:$0x3FAE] =	sst s0;
	s0 =	simm.s32 @!p1 $0x0  }
0x14: {  	s2 =	sld [smem:$0x3F92];
	s0 =	simm.s32 @p1 $0x1  }
0x15: {  	[smem:$0x3FAF] =	sst s0;
	s0 =	simm.s32 @!p2 $0x0  }
0x16: {  	s3 =	sld [smem:$0x3FDB];
	s0 =	simm.s32 @p2 $0x1  }
0x17: {  	s4 =	simm.s32 $0x1BF5;
	[smem:$0x3FB1] =	sst s0  }
0x18: {  	s0 =	sld [smem:$0x3F94];
	_ =	swait.ge [sflag:s4], $0x0  }
0x19: {  	s7 =	sld [smem:$0x3F95]  }
0x1a: {  	s8 =	sadd.s32 $0xFFFFE003, lr  }
0x1b: {  	s9 =	sadd.s32 $0xFFFFFEF7, lr;
	s5 =	simm.s32 $0xFFFFFFFF;
	p2 =	slt.u32 s8, $0xFFFFF086  }
0x1c: {  	p1 =	slt.u32 s9, $0xF7A;
	s5 =	simm.s32 @!p2 $0x0  }
0x1d: {  	s5 =	simm.s32 @p1 $0x1;
	p0 =	seq.s32 s7, s2  }
0x1e: {  	s7 =	smul.u32 @!p0 $0xF7A, s2;
	p2 =	seq.s32 @!p0 s5, $0x0  }
0x1f: {  	s9 =	smul.u32 $0xF7A, s1;
	s8 =	simm.s32 @!p0 $0x1BF5;
	p2 =	por !p2, p0  }
0x20: {  	[sflag:s8] =	ssyncset.s32 @!p0 $0xFFFFF086;
	s6 =	sadd.s32 @!p0 s3, s7;
	s7 =	simm.s32 @!p0 $0x108  }
0x21: {  	s3 =	sadd.s32 s3, s9;
	s6 =	sadd.s32 @!p0 $0x88, s6;
	s7 =	simm.s32 @p2 $0x1082  }
0x22: {  	[simem:s7], [sflag:s8] =	dma.local @!p0 [hbm:s6], $0xF7A  }
0x23: {  	s9 =	sor.u32 $0xD0000000, s2;
	s6 =	simm.s32 $0x108;
	_ =	swait.ge @!p0 [sflag:s8], $0x0  }
0x24: {  	s3 =	sadd.s32 $0x88, s3;
	s6 =	simm.s32 @!p1 $0x1082;
	[sflag:s4] =	ssyncset.s32 $0xFFFFF086  }
0x25: {  	[simem:s6], [sflag:s4] =	dma.local [hbm:s3], $0xF7A  }
0x26: {  	[smem:$0x3F95] =	sst s1;
	(tag) =	ssettag s2;
	_ =	strace s9  }
0x27: {  	s1 =	sld [smem:$0x3FA5]  }
0x28: {  	s2 =	sld [smem:$0x3FA6]  }
0x29: {  	s4 =	sld [smem:$0x3FA8]  }
0x2a: {  	p0 =	seq.s32 s5, $0x0;
	s5 =	sld [smem:$0x3FA9]  }
0x2b: {  	s6 =	sld [smem:$0x3FAA]  }
0x2c: {  	s7 =	sld [smem:$0x3FAB]  }
0x2d: {  	s3 =	simm.s32 $0x108;
	s8 =	sld [smem:$0x3FAC]  }
0x2e: {  	s3 =	simm.s32 @!p0 $0x1082;
	s9 =	sld [smem:$0x3FAD]  }
0x2f: {  	lr =	sadd.s32 s0, s3;
	s0 =	sld [smem:$0x3FA4]  }
0x30: {  	s3 =	sld [smem:$0x3FA7]  }
0x31: {  	[smem:$0x3FB0] =	sst s10  }
0x32: {  	s10 =	sld [smem:$0x3FAE];
	_ =	sdelay $0x3  }
0x33: {  	p0 =	seq.s32 s10, $0x1;
	s10 =	sld [smem:$0x3FB0];
	_ =	sdelay $0x3  }
0x34: {  	[smem:$0x3FB0] =	sst s10  }
0x35: {  	s10 =	sld [smem:$0x3FAF];
	_ =	sdelay $0x3  }
0x36: {  	p1 =	seq.s32 s10, $0x1;
	s10 =	sld [smem:$0x3FB0];
	_ =	sdelay $0x3  }
0x37: {  	[smem:$0x3FB0] =	sst s10  }
0x38: {  	s10 =	sld [smem:$0x3FB1]  }
0x39: {  	_ = 	snop;
	(pc) =	sbr.ind lr, $3  }
0x3a: {  	_ = 	snop  }
0x3b: {  	_ = 	snop  }
0x3c: {  	p2 =	seq.s32 s10, $0x1;
	s10 =	sld [smem:$0x3FB0]  }
0x3d: {  	_ =	shalt  }
0x3e: {  	_ =	shalt  }
0x3f: {  	_ =	shalt  }
0x40: {  	_ =	shalt  }
0x41: {  	_ =	shalt  }
0x42: {  	_ =	shalt  }
0x43: {  	_ =	shalt  }
0x44: {  	_ =	shalt  }
0x45: {  	_ =	shalt  }
0x46: {  	_ =	shalt  }
0x47: {  	_ =	shalt  }
0x48: {  	_ =	shalt  }
0x49: {  	_ =	shalt  }
0x4a: {  	_ =	shalt  }
0x4b: {  	_ =	shalt  }
0x4c: {  	_ =	shalt  }
0x4d: {  	_ =	shalt  }
0x4e: {  	_ =	shalt  }
0x4f: {  	_ =	shalt  }
0x50: {  	_ =	shalt  }
0x51: {  	_ =	shalt  }
0x52: {  	_ =	shalt  }
0x53: {  	_ =	shalt  }
0x54: {  	_ =	shalt  }
0x55: {  	_ =	shalt  }
0x56: {  	_ =	shalt  }
0x57: {  	_ =	shalt  }
0x58: {  	_ =	shalt  }
0x59: {  	_ =	shalt  }
0x5a: {  	_ =	shalt  }
0x5b: {  	_ =	shalt  }
0x5c: {  	_ =	shalt  }
0x5d: {  	_ =	shalt  }
0x5e: {  	_ =	shalt  }
0x5f: {  	_ =	shalt  }
0x60: {  	_ =	shalt  }
0x61: {  	_ =	shalt  }
0x62: {  	_ =	shalt  }
0x63: {  	_ =	shalt  }
0x64: {  	_ =	shalt  }
0x65: {  	_ =	shalt  }
0x66: {  	_ =	shalt  }
0x67: {  	_ =	shalt  }
0x68: {  	_ =	shalt  }
0x69: {  	_ =	shalt  }
0x6a: {  	_ =	shalt  }
0x6b: {  	_ =	shalt  }
0x6c: {  	_ =	shalt  }
0x6d: {  	_ =	shalt  }
0x6e: {  	_ =	shalt  }
0x6f: {  	_ =	shalt  }
0x70: {  	_ =	shalt  }
0x71: {  	_ =	shalt  }
0x72: {  	_ =	shalt  }
0x73: {  	_ =	shalt  }
0x74: {  	_ =	shalt  }
0x75: {  	_ =	shalt  }
0x76: {  	_ =	shalt  }
0x77: {  	_ =	shalt  }
0x78: {  	_ =	shalt  }
0x79: {  	_ =	shalt  }
0x7a: {  	_ =	shalt  }
0x7b: {  	_ =	shalt  }
0x7c: {  	_ =	shalt  }
0x7d: {  	_ =	shalt  }
0x7e: {  	_ =	shalt  }
0x7f: {  	_ =	shalt  }
0x80: {  	_ =	shalt  }
0x81: {  	_ =	shalt  }
0x82: {  	_ =	shalt  }
0x83: {  	_ =	shalt  }
0x84: {  	_ =	shalt  }
0x85: {  	_ =	shalt  }
0x86: {  	_ =	shalt  }
0x87: {  	_ =	shalt  }
.Lfunc_end0:
.L_simem_size_0:
called_computation.3_lowered:
.L_overlay_start_0:
0x88: {  	s2 =	sld [smem:$0x3FD9]  }
0x89: {  	s3 =	sld [smem:$0x3FFE];
	_ =	sdelay $0x1  }
0x8a: {  	s1 =	srdreg.scid  }
0x8b: {  	s0 =	sand.u32 $0x1, s1  }
0x8c: {  	s17 =	sshll.u32 s0, $0xA;
	s2 =	sadd.s32 s3, s2  }
0x8d: {  	s2 =	sadd.s32 s2, s17  }
0x8e: {  	[smem:$0x3FBC] =	sst s2  }
0x8f: {  	_ = 	snop  }
0x90: {  	s2 =	sld [smem:$0x3FD0];
	(tm) =	ssettm $0x1  }
0x91: {  	s18 =	sld [smem:$0x3FFB];
	_ =	sdelay $0x3  }
0x92: {  	_ =	strace s18  }
0x93: {  	s3 =	sld [smem:$0x3FFC];
	_ =	sdelay $0x3  }
0x94: {  	_ =	strace s3  }
0x95: {  	s3 =	sld [smem:$0x3FFD];
	_ =	sdelay $0x3  }
0x96: {  	_ =	strace s3  }
0x97: {  	_ =	strace $0x8FFFFFFF  }
0x98: {  	s19 =	sld [smem:$0x3FDB];
	_ =	sdelay $0x1  }
0x99: {  	s4 =	simm.s32 $_scs_section_size  }
0x9a: {  	s5 =	simm.s32 $_size__tile_overlayer_lowered;
	s6 =	simm.s32 $_tile_overlayer_lowered  }
0x9b: {  	s22 =	simm.s32 $0x1BFF;
	s21 =	sshll.u32 s6, $0x1;
	s3 =	sadd.s32 s4, s19  }
0x9c: {  	s7 =	simm.s32 $0x0;
	s20 =	sshll.u32 s5, $0x1;
	s5 =	sadd.s32 s21, s3  }
0x9d: {  	[timem:s7], [sflag:s22] =	dma.local [hbm:s5], s20  }
0x9e: {  	_ =	swait.ge [sflag:s22], s20  }
0x9f: {  	s4 =	ssub.s32 $0x0, s20;
	[sflag:s22] =	ssyncset.done $0x0  }
0xa0: {  	[sflag:s22] =	ssyncadd.s32 s4;
	_ =	sdelay $0x1  }
0xa1: {  	s23 =	simm.s32 $0x1B8B  }
0xa2: {  	_ =	swait.ge [sflag:s23], $0x1  }
0xa3: {  	[sflag:s23] =	ssyncset.done $0x0  }
0xa4: {  	s25 =	simm.s32 $0x1B8E;
	s24 =	sld [smem:$0x3FFE];
	[sflag:s23] =	ssyncadd.s32 $0xFFFFFFFF  }
0xa5: {  	s26 =	simm.s32 $execute0_lowered;
	[smem:$0x3FD2] =	sst s25  }
0xa6: {  	s5 =	sshll.u32 s26, $0x1;
	_ =	strace $0x8000004F;
	[dreg:$0x1] =	wrdreg $0xFFFFFFFF  }
0xa7: {  	s28 =	simm.s32 $_size_execute0_lowered;
	s3 =	sadd.s32 s3, s5;
	[dreg:$0x0] =	wrdreg $0x0  }
0xa8: {  	s5 =	sshll.u32 s28, $0x1;
	[dreg:$0x2] =	wrdreg s3  }
0xa9: {  	[dreg:$0x3] =	wrdreg s5  }
0xaa: {  	[dreg:$0x4] =	wrdreg $0xC0  }
0xab: {  	_ =	task [dreg:s7], $0x5FFFF  }
0xac: {  	[dreg:$0x1] =	wrdreg $0xFFFFFFFF  }
0xad: {  	[dreg:$0x0] =	wrdreg $0x60  }
0xae: {  	[dreg:$0x2] =	wrdreg s24  }
0xaf: {  	[dreg:$0x3] =	wrdreg s2  }
0xb0: {  	[dreg:$0x4] =	wrdreg $0x0  }
0xb1: {  	[dreg:$0x5] =	wrdreg $0x9  }
0xb2: {  	_ =	task.clear_ibuf [dreg:s7], $0x6FFFF;
	_ =	strace $0x9000004F  }
0xb3: {  	s29 =	simm.s32 $0x9;
	_ =	strace $0x80000051  }
0xb4: {  	_ =	swait.ge [sflag:s29], $0x1  }
0xb5: {  	[sflag:s29] =	ssyncadd.s32 $0xFFFFFFFF  }
0xb6: {  	_ =	strace $0x90000051  }
0xb7: {  	_ =	sfence  }
0xb8: {  	s30 =	sld [smem:$0x0];
	_ =	sdelay $0x2  }
0xb9: {  	s31 =	sshll.u32 s1, $0xD;
	s1 =	sshrl.u32 s1, $0x2  }
0xba: {  	s3 =	sand.u32 $0x4000, s31;
	s1 =	sadd.s32 s1, s30  }
0xbb: {  	s0 =	sor.u32 s3, s0;
	s1 =	sshll.u32 s1, $0x11  }
0xbc: {  	s0 =	sor.u32 s1, s0  }
0xbd: {  	s0 =	sadd.s32 $0x8F2B, s0  }
0xbe: {  	[sflag:s0] =	ssyncadd.remote.s32 $0x1  }
0xbf: {  	_ =	sfence.sel $0xFFFF  }
0xc0: {  	[dreg:$0x0] =	wrdreg $0xFFFFFFFF;
	(pc) =	sbr.abs _section_cstart, $3  }
0xc1: {  	[dreg:$0x1] =	wrdreg $0xFFFFFFFF  }
0xc2: {  	_ =	task.clear_ibuf [dreg:s7], $0x2FFFF;
	_ =	strace $0x9FFFFFFF  }
0xc3: {  	(tm) =	ssettm $0x7FFFFFFF  }
tec
execute0_lowered:
.L_overlay_start_1:
0x0: {  	(tag) =	ssettag $0x1  }
0x1: {  	s0 =	rddreg [dreg:$0x0]  }
0x2: {  	s1 =	rddreg [dreg:$0x1]  }
0x3: {  	s3 =	srdreg.scid;
	s2 =	rddreg [dreg:$0x2]  }
0x4: {  	s11 =	stileid.u32;
	s13 =	simm.s32 $0x14100;
	s14 =	simm.s32 $0x14880  }
0x5: {  	s15 =	simm.s32 $0x14180;
	s5 =	sand.u32 $0x1, s3;
	s3 =	simm.s32 $0x0  }
0x6: {  	s17 =	simm.s32 $0x14900;
	s9 =	sadd.s32 $0x4000, s0;
	[smem:$0x7FF] =	sst s3  }
0x7: {  	s18 =	simm.s32 $0x14200;
	_ =	strace $0x80000050;
	[dreg:$0x14] =	wrdreg s9  }
0x8: {  	s19 =	simm.s32 $0x14980;
	s20 =	simm.s32 $0x14280;
	[dreg:$0x7] =	wrdreg s13  }
0x9: {  	s21 =	simm.s32 $0x14A00;
	s22 =	simm.s32 $0x14300;
	[dreg:$0x8] =	wrdreg s14  }
0xa: {  	s23 =	simm.s32 $0x14A80;
	s24 =	simm.s32 $0x14380;
	[dreg:$0x9] =	wrdreg s15  }
0xb: {  	s28 =	simm.s32 $0x14680;
	s29 =	simm.s32 $0x14E00;
	[dreg:$0xa] =	wrdreg s17  }
0xc: {  	s30 =	simm.s32 $0x14700;
	s6 =	smul.u32 $0x2800, s11;
	[dreg:$0xb] =	wrdreg s18  }
0xd: {  	s31 =	simm.s32 $0x14E80;
	s8 =	smul.u32 $0x14000, s11;
	[dreg:$0xc] =	wrdreg s19  }
0xe: {  	s10 =	smul.u32 $0x50000, s11;
	s12 =	sshll.u32 s11, $0x6;
	[dreg:$0xd] =	wrdreg s20  }
0xf: {  	s11 =	simm.s32 $0x14000;
	s4 =	smul.u32 $0x28000, s5;
	[dreg:$0xe] =	wrdreg s21  }
0x10: {  	s7 =	smul.u32 $0x140000, s5;
	s5 =	ssub.s32 $0x2, s5;
	[dreg:$0xf] =	wrdreg s22  }
0x11: {  	s26 =	sshrl.u32 s5, $0x1;
	s13 =	simm.s32 $0x80;
	[dreg:$0x10] =	wrdreg s23  }
0x12: {  	s14 =	simm.s32 $0x15000;
	s15 =	simm.s32 $0x19000;
	[dreg:$0x11] =	wrdreg s24  }
0x13: {  	s17 =	simm.s32 $0x2;
	s18 =	simm.s32 $0x14B80;
	s19 =	simm.s32 $0x14480  }
0x14: {  	s20 =	simm.s32 $0x14C00;
	s21 =	simm.s32 $0x14500;
	s22 =	simm.s32 $0x14C80  }
0x15: {  	s23 =	simm.s32 $0x14580;
	s24 =	simm.s32 $0x14D00;
	s6 =	sadd.s32 s6, s4  }
0x16: {  	s4 =	sadd.s32 $0x68E00, s0;
	s7 =	sadd.s32 s8, s7;
	s5 =	ssub.s32 s5, s26  }
0x17: {  	s8 =	sshrl.u32 s10, $0x2;
	s10 =	simm.s32 $0x14080;
	s26 =	simm.s32 $0x14400  }
0x18: {  	s6 =	sshrl.u32 s6, $0x3;
	s7 =	sshrl.u32 s7, $0x3;
	[dreg:$0x6] =	wrdreg s10  }
0x19: {  	s16 =	smax.u32 s5, $0x1;
	s10 =	simm.s32 $0x3;
	[dreg:$0x13] =	wrdreg s26  }
0x1a: {  	s26 =	simm.s32 $0x14D80;
	s5 =	simm.s32 $0x14F80;
	s25 =	sadd.s32 s6, s0  }
0x1b: {  	s0 =	sadd.s32 s7, s0;
	s1 =	sadd.s32 s6, s1;
	[dreg:$0x17] =	wrdreg s16  }
0x1c: {  	s6 =	sadd.s32 s8, s2;
	s7 =	sor.u32 $0x1C03, s12;
	[dreg:$0x4] =	wrdreg s1  }
0x1d: {  	s12 =	simm.s32 $0x14800;
	s9 =	sadd.s32 $0xEE00, s25;
	[dreg:$0x15] =	wrdreg s7  }
0x1e: {  	s16 =	simm.s32 $0x1;
	s0 =	sadd.s32 $0x90E00, s0;
	[dreg:$0x5] =	wrdreg s9  }
0x1f: {  	s8 =	sshrl.u32 s6, $0x3;
	s25 =	simm.s32 $0x14B00;
	[dreg:$0x16] =	wrdreg s0  }
0x20: {  	s1 =	simm.s32 $0x14F00;
	[dreg:$0x12] =	wrdreg s25;
	s25 =	simm.s32 $0x14600  }
0x21: {  	s0 =	simm.s32 $0x14780;
	s9 =	simm.s32 $0x0;
	[dreg:$0x18] =	wrdreg s8  }
.LBB2_1:
0x22: {  	[dreg:$0x19] =	wrdreg s9  }
0x23: {  	s6 =	rddreg [dreg:$0x14]  }
0x24: {  	[spmem:s8], [sflag:s7] =	dma.local [hbm:s6], $0x2800  }
0x25: {  	_ =	swait.ge [sflag:s10], $0x2800  }
0x26: {  	[sflag:s10] =	ssyncset.done $0x0  }
0x27: {  	[sflag:s10] =	ssyncadd.s32 $0xFFFFD800  }
0x28: {  	[bflag:$0x0] =	sbarrier.arrive $0xFFFF  }
0x29: {  	s9 =	rddreg [dreg:$0x5]  }
0x2a: {  	s6 =	sadd.s32 $0x0, s9  }
0x2b: {  	[tilespmem:s11], [sflag:$0x3] =	stream.linear.gather [hbm4b:s6+s3], $0x800, $0x38;
	[tilespmem:$0x1D000] =	vst v63  }
0x2c: {  	_ =	swait.ge [sflag:s10], $0x800  }
0x2d: {  	s7 =	rddreg [dreg:$0x4];
	[sflag:s10] =	ssyncset.done $0x0  }
0x2e: {  	[sflag:s10] =	ssyncadd.s32 $0xFFFFF800;
	s6 =	sadd.s32 $0x0, s7  }
0x2f: {  	[tilespmem:s12], [sflag:$0x3] =	stream.linear.gather [hbm4b:s6+s3], $0x800, $0x38;
	[tilespmem:$0x1D000] =	vst v63  }
0x30: {  	_ =	swait.ge [sflag:s10], $0x800  }
0x31: {  	[sflag:s10] =	ssyncset.done $0x0  }
0x32: {  	[sflag:s10] =	ssyncadd.s32 $0xFFFFF800  }
0x33: {  	[tilespmem:s14], [sflag:$0x1] =	stream.indirect.gather [hbm4b:s4+s13], $0x80, s11, s13, $0xb8;
	[tilespmem:$0x1D000] =	vst v63  }
0x34: {  	s8 =	rddreg [dreg:$0x6]  }
0x35: {  	[tilespmem:s15], [sflag:$0x2] =	stream.indirect.gather [hbm4b:s4+s13], $0x80, s8, s13, $0xb8;
	[tilespmem:$0x1D000] =	vst v63  }
0x36: {  	_ =	swait.ge [sflag:s16], $0x4000  }
0x37: {  	[sflag:s16] =	ssyncset.done $0x0  }
0x38: {  	[sflag:s16] =	ssyncadd.s32 $0xFFFFC000  }
0x39: {  	[spmem:s2] =	stream.indirect.scatter.add.f32 [tilespmem:s14], [sflag:$0x3], $0x80, s12, s13, $0xb8;
	[tilespmem:$0x1D000] =	vst v63  }
0x3a: {  	_ =	swait.ge [sflag:s10], $0x4000  }
0x3b: {  	[sflag:s10] =	ssyncset.done $0x0  }
0x3c: {  	s9 =	rddreg [dreg:$0x7];
	[sflag:s10] =	ssyncadd.s32 $0xFFFFC000  }
0x3d: {  	[tilespmem:s14], [sflag:$0x1] =	stream.indirect.gather [hbm4b:s4+s13], $0x80, s9, s13, $0xb8;
	[tilespmem:$0x1D000] =	vst v63  }
0x3e: {  	_ =	swait.ge [sflag:s17], $0x4000  }
0x3f: {  	[sflag:s17] =	ssyncset.done $0x0  }
0x40: {  	s7 =	rddreg [dreg:$0x8];
	[sflag:s17] =	ssyncadd.s32 $0xFFFFC000  }
0x41: {  	[spmem:s2] =	stream.indirect.scatter.add.f32 [tilespmem:s15], [sflag:$0x3], $0x80, s7, s13, $0xb8;
	[tilespmem:$0x1D000] =	vst v63  }
0x42: {  	_ =	swait.ge [sflag:s10], $0x4000  }
0x43: {  	[sflag:s10] =	ssyncset.done $0x0  }
0x44: {  	s8 =	rddreg [dreg:$0x9];
	[sflag:s10] =	ssyncadd.s32 $0xFFFFC000  }
0x45: {  	[tilespmem:s15], [sflag:$0x2] =	stream.indirect.gather [hbm4b:s4+s13], $0x80, s8, s13, $0xb8;
	[tilespmem:$0x1D000] =	vst v63  }
0x46: {  	_ =	swait.ge [sflag:s16], $0x4000  }
0x47: {  	[sflag:s16] =	ssyncset.done $0x0  }
0x48: {  	s9 =	rddreg [dreg:$0xa];
	[sflag:s16] =	ssyncadd.s32 $0xFFFFC000  }
0x49: {  	[spmem:s2] =	stream.indirect.scatter.add.f32 [tilespmem:s14], [sflag:$0x3], $0x80, s9, s13, $0xb8;
	[tilespmem:$0x1D000] =	vst v63  }
0x4a: {  	_ =	swait.ge [sflag:s10], $0x4000  }
0x4b: {  	[sflag:s10] =	ssyncset.done $0x0  }
0x4c: {  	s7 =	rddreg [dreg:$0xb];
	[sflag:s10] =	ssyncadd.s32 $0xFFFFC000  }
0x4d: {  	[tilespmem:s14], [sflag:$0x1] =	stream.indirect.gather [hbm4b:s4+s13], $0x80, s7, s13, $0xb8;
	[tilespmem:$0x1D000] =	vst v63  }
0x4e: {  	_ =	swait.ge [sflag:s17], $0x4000  }
0x4f: {  	[sflag:s17] =	ssyncset.done $0x0  }
0x50: {  	s8 =	rddreg [dreg:$0xc];
	[sflag:s17] =	ssyncadd.s32 $0xFFFFC000  }
0x51: {  	[spmem:s2] =	stream.indirect.scatter.add.f32 [tilespmem:s15], [sflag:$0x3], $0x80, s8, s13, $0xb8;
	[tilespmem:$0x1D000] =	vst v63  }
0x52: {  	_ =	swait.ge [sflag:s10], $0x4000  }
0x53: {  	[sflag:s10] =	ssyncset.done $0x0  }
0x54: {  	s9 =	rddreg [dreg:$0xd];
	[sflag:s10] =	ssyncadd.s32 $0xFFFFC000  }
0x55: {  	[tilespmem:s15], [sflag:$0x2] =	stream.indirect.gather [hbm4b:s4+s13], $0x80, s9, s13, $0xb8;
	[tilespmem:$0x1D000] =	vst v63  }
0x56: {  	_ =	swait.ge [sflag:s16], $0x4000  }
0x57: {  	[sflag:s16] =	ssyncset.done $0x0  }
0x58: {  	s7 =	rddreg [dreg:$0xe];
	[sflag:s16] =	ssyncadd.s32 $0xFFFFC000  }
0x59: {  	[spmem:s2] =	stream.indirect.scatter.add.f32 [tilespmem:s14], [sflag:$0x3], $0x80, s7, s13, $0xb8;
	[tilespmem:$0x1D000] =	vst v63  }
0x5a: {  	_ =	swait.ge [sflag:s10], $0x4000  }
0x5b: {  	[sflag:s10] =	ssyncset.done $0x0  }
0x5c: {  	s8 =	rddreg [dreg:$0xf];
	[sflag:s10] =	ssyncadd.s32 $0xFFFFC000  }
0x5d: {  	[tilespmem:s14], [sflag:$0x1] =	stream.indirect.gather [hbm4b:s4+s13], $0x80, s8, s13, $0xb8;
	[tilespmem:$0x1D000] =	vst v63  }
0x5e: {  	_ =	swait.ge [sflag:s17], $0x4000  }
0x5f: {  	[sflag:s17] =	ssyncset.done $0x0  }
0x60: {  	s9 =	rddreg [dreg:$0x10];
	[sflag:s17] =	ssyncadd.s32 $0xFFFFC000  }
0x61: {  	[spmem:s2] =	stream.indirect.scatter.add.f32 [tilespmem:s15], [sflag:$0x3], $0x80, s9, s13, $0xb8;
	[tilespmem:$0x1D000] =	vst v63  }
0x62: {  	_ =	swait.ge [sflag:s10], $0x4000  }
0x63: {  	[sflag:s10] =	ssyncset.done $0x0  }
0x64: {  	s7 =	rddreg [dreg:$0x11];
	[sflag:s10] =	ssyncadd.s32 $0xFFFFC000  }
0x65: {  	[tilespmem:s15], [sflag:$0x2] =	stream.indirect.gather [hbm4b:s4+s13], $0x80, s7, s13, $0xb8;
	[tilespmem:$0x1D000] =	vst v63  }
0x66: {  	_ =	swait.ge [sflag:s16], $0x4000  }
0x67: {  	[sflag:s16] =	ssyncset.done $0x0  }
0x68: {  	s8 =	rddreg [dreg:$0x12];
	[sflag:s16] =	ssyncadd.s32 $0xFFFFC000  }
0x69: {  	[spmem:s2] =	stream.indirect.scatter.add.f32 [tilespmem:s14], [sflag:$0x3], $0x80, s8, s13, $0xb8;
	[tilespmem:$0x1D000] =	vst v63  }
0x6a: {  	_ =	swait.ge [sflag:s10], $0x4000  }
0x6b: {  	[sflag:s10] =	ssyncset.done $0x0  }
0x6c: {  	s9 =	rddreg [dreg:$0x13];
	[sflag:s10] =	ssyncadd.s32 $0xFFFFC000  }
0x6d: {  	[tilespmem:s14], [sflag:$0x1] =	stream.indirect.gather [hbm4b:s4+s13], $0x80, s9, s13, $0xb8;
	[tilespmem:$0x1D000] =	vst v63  }
0x6e: {  	_ =	swait.ge [sflag:s17], $0x4000  }
0x6f: {  	[sflag:s17] =	ssyncset.done $0x0  }
0x70: {  	[sflag:s17] =	ssyncadd.s32 $0xFFFFC000  }
0x71: {  	[spmem:s2] =	stream.indirect.scatter.add.f32 [tilespmem:s15], [sflag:$0x3], $0x80, s18, s13, $0xb8;
	[tilespmem:$0x1D000] =	vst v63  }
0x72: {  	_ =	swait.ge [sflag:s10], $0x4000  }
0x73: {  	[sflag:s10] =	ssyncset.done $0x0  }
0x74: {  	[sflag:s10] =	ssyncadd.s32 $0xFFFFC000  }
0x75: {  	[tilespmem:s15], [sflag:$0x2] =	stream.indirect.gather [hbm4b:s4+s13], $0x80, s19, s13, $0xb8;
	[tilespmem:$0x1D000] =	vst v63  }
0x76: {  	_ =	swait.ge [sflag:s16], $0x4000  }
0x77: {  	[sflag:s16] =	ssyncset.done $0x0  }
0x78: {  	[sflag:s16] =	ssyncadd.s32 $0xFFFFC000  }
0x79: {  	[spmem:s2] =	stream.indirect.scatter.add.f32 [tilespmem:s14], [sflag:$0x3], $0x80, s20, s13, $0xb8;
	[tilespmem:$0x1D000] =	vst v63  }
0x7a: {  	_ =	swait.ge [sflag:s10], $0x4000  }
0x7b: {  	[sflag:s10] =	ssyncset.done $0x0  }
0x7c: {  	[sflag:s10] =	ssyncadd.s32 $0xFFFFC000  }
0x7d: {  	[tilespmem:s14], [sflag:$0x1] =	stream.indirect.gather [hbm4b:s4+s13], $0x80, s21, s13, $0xb8;
	[tilespmem:$0x1D000] =	vst v63  }
0x7e: {  	_ =	swait.ge [sflag:s17], $0x4000  }
0x7f: {  	[sflag:s17] =	ssyncset.done $0x0  }
0x80: {  	[sflag:s17] =	ssyncadd.s32 $0xFFFFC000  }
0x81: {  	[spmem:s2] =	stream.indirect.scatter.add.f32 [tilespmem:s15], [sflag:$0x3], $0x80, s22, s13, $0xb8;
	[tilespmem:$0x1D000] =	vst v63  }
0x82: {  	_ =	swait.ge [sflag:s10], $0x4000  }
0x83: {  	[sflag:s10] =	ssyncset.done $0x0  }
0x84: {  	[sflag:s10] =	ssyncadd.s32 $0xFFFFC000  }
0x85: {  	[tilespmem:s15], [sflag:$0x2] =	stream.indirect.gather [hbm4b:s4+s13], $0x80, s23, s13, $0xb8;
	[tilespmem:$0x1D000] =	vst v63  }
0x86: {  	_ =	swait.ge [sflag:s16], $0x4000  }
0x87: {  	[sflag:s16] =	ssyncset.done $0x0  }
0x88: {  	[sflag:s16] =	ssyncadd.s32 $0xFFFFC000  }
0x89: {  	[spmem:s2] =	stream.indirect.scatter.add.f32 [tilespmem:s14], [sflag:$0x3], $0x80, s24, s13, $0xb8;
	[tilespmem:$0x1D000] =	vst v63  }
0x8a: {  	_ =	swait.ge [sflag:s10], $0x4000  }
0x8b: {  	[sflag:s10] =	ssyncset.done $0x0  }
0x8c: {  	[sflag:s10] =	ssyncadd.s32 $0xFFFFC000  }
0x8d: {  	[tilespmem:s14], [sflag:$0x1] =	stream.indirect.gather [hbm4b:s4+s13], $0x80, s25, s13, $0xb8;
	[tilespmem:$0x1D000] =	vst v63  }
0x8e: {  	_ =	swait.ge [sflag:s17], $0x4000  }
0x8f: {  	[sflag:s17] =	ssyncset.done $0x0  }
0x90: {  	[sflag:s17] =	ssyncadd.s32 $0xFFFFC000  }
0x91: {  	[spmem:s2] =	stream.indirect.scatter.add.f32 [tilespmem:s15], [sflag:$0x3], $0x80, s26, s13, $0xb8;
	[tilespmem:$0x1D000] =	vst v63  }
0x92: {  	_ =	swait.ge [sflag:s10], $0x4000  }
0x93: {  	[sflag:s10] =	ssyncset.done $0x0  }
0x94: {  	[sflag:s10] =	ssyncadd.s32 $0xFFFFC000  }
0x95: {  	[tilespmem:s15], [sflag:$0x2] =	stream.indirect.gather [hbm4b:s4+s13], $0x80, s28, s13, $0xb8;
	[tilespmem:$0x1D000] =	vst v63  }
0x96: {  	_ =	swait.ge [sflag:s16], $0x4000  }
0x97: {  	[sflag:s16] =	ssyncset.done $0x0  }
0x98: {  	[sflag:s16] =	ssyncadd.s32 $0xFFFFC000  }
0x99: {  	[spmem:s2] =	stream.indirect.scatter.add.f32 [tilespmem:s14], [sflag:$0x3], $0x80, s29, s13, $0xb8;
	[tilespmem:$0x1D000] =	vst v63  }
0x9a: {  	_ =	swait.ge [sflag:s10], $0x4000  }
0x9b: {  	[sflag:s10] =	ssyncset.done $0x0  }
0x9c: {  	[sflag:s10] =	ssyncadd.s32 $0xFFFFC000  }
0x9d: {  	[tilespmem:s14], [sflag:$0x1] =	stream.indirect.gather [hbm4b:s4+s13], $0x80, s30, s13, $0xb8;
	[tilespmem:$0x1D000] =	vst v63  }
0x9e: {  	_ =	swait.ge [sflag:s17], $0x4000  }
0x9f: {  	[sflag:s17] =	ssyncset.done $0x0  }
0xa0: {  	[sflag:s17] =	ssyncadd.s32 $0xFFFFC000  }
0xa1: {  	[spmem:s2] =	stream.indirect.scatter.add.f32 [tilespmem:s15], [sflag:$0x3], $0x80, s31, s13, $0xb8;
	[tilespmem:$0x1D000] =	vst v63  }
0xa2: {  	_ =	swait.ge [sflag:s10], $0x4000  }
0xa3: {  	[sflag:s10] =	ssyncset.done $0x0  }
0xa4: {  	[sflag:s10] =	ssyncadd.s32 $0xFFFFC000  }
0xa5: {  	[tilespmem:s15], [sflag:$0x2] =	stream.indirect.gather [hbm4b:s4+s13], $0x80, s0, s13, $0xb8;
	[tilespmem:$0x1D000] =	vst v63  }
0xa6: {  	_ =	swait.ge [sflag:s16], $0x4000  }
0xa7: {  	[sflag:s16] =	ssyncset.done $0x0  }
0xa8: {  	[sflag:s16] =	ssyncadd.s32 $0xFFFFC000  }
0xa9: {  	[spmem:s2] =	stream.indirect.scatter.add.f32 [tilespmem:s14], [sflag:$0x3], $0x80, s1, s13, $0xb8;
	[tilespmem:$0x1D000] =	vst v63  }
0xaa: {  	_ =	swait.ge [sflag:s10], $0x4000  }
0xab: {  	[sflag:s10] =	ssyncset.done $0x0  }
0xac: {  	[sflag:s10] =	ssyncadd.s32 $0xFFFFC000  }
0xad: {  	[tilespmem:s14], [sflag:$0x1] =	stream.indirect.gather [hbm4b:s4+s13], $0x80, s0, s13, $0xb8;
	[tilespmem:$0x1D000] =	vst v63  }
0xae: {  	_ =	swait.ge [sflag:s17], $0x4000  }
0xaf: {  	[sflag:s17] =	ssyncset.done $0x0  }
0xb0: {  	[sflag:s17] =	ssyncadd.s32 $0xFFFFC000  }
0xb1: {  	[spmem:s2] =	stream.indirect.scatter.add.f32 [tilespmem:s15], [sflag:$0x3], $0x80, s5, s13, $0xb8;
	[tilespmem:$0x1D000] =	vst v63  }
0xb2: {  	_ =	swait.ge [sflag:s10], $0x4000  }
0xb3: {  	[sflag:s10] =	ssyncset.done $0x0  }
0xb4: {  	[sflag:s10] =	ssyncadd.s32 $0xFFFFC000  }
0xb5: {  	s6 =	simm.s32 $0x200;
	_ =	swait.ge [sflag:s16], $0x4000  }
0xb6: {  	s8 =	simm.s32 $0x100;
	s9 =	rddreg [dreg:$0x5];
	[sflag:s16] =	ssyncset.done $0x0  }
.LBB2_2:
0xb7: {  	[sflag:s16] =	ssyncadd.s32 $0xFFFFC000;
	s9 =	sadd.s32 s8, s9  }
0xb8: {  	[tilespmem:s11], [sflag:$0x3] =	stream.linear.gather [hbm4b:s9+s3], $0x800, $0x38;
	[tilespmem:$0x1D000] =	vst v63  }
0xb9: {  	_ =	swait.ge [sflag:s10], $0x800  }
0xba: {  	s9 =	rddreg [dreg:$0x4];
	[sflag:s10] =	ssyncset.done $0x0  }
0xbb: {  	[sflag:s10] =	ssyncadd.s32 $0xFFFFF800;
	s9 =	sadd.s32 s8, s9  }
0xbc: {  	[tilespmem:s12], [sflag:$0x3] =	stream.linear.gather [hbm4b:s9+s3], $0x800, $0x38;
	[tilespmem:$0x1D000] =	vst v63  }
0xbd: {  	_ =	swait.ge [sflag:s10], $0x800  }
0xbe: {  	[sflag:s10] =	ssyncset.done $0x0  }
0xbf: {  	[sflag:s10] =	ssyncadd.s32 $0xFFFFF800  }
0xc0: {  	[tilespmem:s14], [sflag:$0x1] =	stream.indirect.gather [hbm4b:s4+s13], $0x80, s11, s13, $0xb8;
	[tilespmem:$0x1D000] =	vst v63  }
0xc1: {  	s9 =	rddreg [dreg:$0x6]  }
0xc2: {  	[tilespmem:s15], [sflag:$0x2] =	stream.indirect.gather [hbm4b:s4+s13], $0x80, s9, s13, $0xb8;
	[tilespmem:$0x1D000] =	vst v63  }
0xc3: {  	_ =	swait.ge [sflag:s16], $0x4000  }
0xc4: {  	[sflag:s16] =	ssyncset.done $0x0  }
0xc5: {  	[sflag:s16] =	ssyncadd.s32 $0xFFFFC000  }
0xc6: {  	[spmem:s2] =	stream.indirect.scatter.add.f32 [tilespmem:s14], [sflag:$0x3], $0x80, s12, s13, $0xb8;
	[tilespmem:$0x1D000] =	vst v63  }
0xc7: {  	_ =	swait.ge [sflag:s10], $0x4000  }
0xc8: {  	[sflag:s10] =	ssyncset.done $0x0  }
0xc9: {  	s9 =	rddreg [dreg:$0x7];
	[sflag:s10] =	ssyncadd.s32 $0xFFFFC000  }
0xca: {  	[tilespmem:s14], [sflag:$0x1] =	stream.indirect.gather [hbm4b:s4+s13], $0x80, s9, s13, $0xb8;
	[tilespmem:$0x1D000] =	vst v63  }
0xcb: {  	_ =	swait.ge [sflag:s17], $0x4000  }
0xcc: {  	[sflag:s17] =	ssyncset.done $0x0  }
0xcd: {  	s9 =	rddreg [dreg:$0x8];
	[sflag:s17] =	ssyncadd.s32 $0xFFFFC000  }
0xce: {  	[spmem:s2] =	stream.indirect.scatter.add.f32 [tilespmem:s15], [sflag:$0x3], $0x80, s9, s13, $0xb8;
	[tilespmem:$0x1D000] =	vst v63  }
0xcf: {  	_ =	swait.ge [sflag:s10], $0x4000  }
0xd0: {  	[sflag:s10] =	ssyncset.done $0x0  }
0xd1: {  	s9 =	rddreg [dreg:$0x9];
	[sflag:s10] =	ssyncadd.s32 $0xFFFFC000  }
0xd2: {  	[tilespmem:s15], [sflag:$0x2] =	stream.indirect.gather [hbm4b:s4+s13], $0x80, s9, s13, $0xb8;
	[tilespmem:$0x1D000] =	vst v63  }
0xd3: {  	_ =	swait.ge [sflag:s16], $0x4000  }
0xd4: {  	[sflag:s16] =	ssyncset.done $0x0  }
0xd5: {  	s9 =	rddreg [dreg:$0xa];
	[sflag:s16] =	ssyncadd.s32 $0xFFFFC000  }
0xd6: {  	[spmem:s2] =	stream.indirect.scatter.add.f32 [tilespmem:s14], [sflag:$0x3], $0x80, s9, s13, $0xb8;
	[tilespmem:$0x1D000] =	vst v63  }
0xd7: {  	_ =	swait.ge [sflag:s10], $0x4000  }
0xd8: {  	[sflag:s10] =	ssyncset.done $0x0  }
0xd9: {  	s9 =	rddreg [dreg:$0xb];
	[sflag:s10] =	ssyncadd.s32 $0xFFFFC000  }
0xda: {  	[tilespmem:s14], [sflag:$0x1] =	stream.indirect.gather [hbm4b:s4+s13], $0x80, s9, s13, $0xb8;
	[tilespmem:$0x1D000] =	vst v63  }
0xdb: {  	_ =	swait.ge [sflag:s17], $0x4000  }
0xdc: {  	[sflag:s17] =	ssyncset.done $0x0  }
0xdd: {  	s9 =	rddreg [dreg:$0xc];
	[sflag:s17] =	ssyncadd.s32 $0xFFFFC000  }
0xde: {  	[spmem:s2] =	stream.indirect.scatter.add.f32 [tilespmem:s15], [sflag:$0x3], $0x80, s9, s13, $0xb8;
	[tilespmem:$0x1D000] =	vst v63  }
0xdf: {  	_ =	swait.ge [sflag:s10], $0x4000  }
0xe0: {  	[sflag:s10] =	ssyncset.done $0x0  }
0xe1: {  	s9 =	rddreg [dreg:$0xd];
	[sflag:s10] =	ssyncadd.s32 $0xFFFFC000  }
0xe2: {  	[tilespmem:s15], [sflag:$0x2] =	stream.indirect.gather [hbm4b:s4+s13], $0x80, s9, s13, $0xb8;
	[tilespmem:$0x1D000] =	vst v63  }
0xe3: {  	_ =	swait.ge [sflag:s16], $0x4000  }
0xe4: {  	[sflag:s16] =	ssyncset.done $0x0  }
0xe5: {  	s9 =	rddreg [dreg:$0xe];
	[sflag:s16] =	ssyncadd.s32 $0xFFFFC000  }
0xe6: {  	[spmem:s2] =	stream.indirect.scatter.add.f32 [tilespmem:s14], [sflag:$0x3], $0x80, s9, s13, $0xb8;
	[tilespmem:$0x1D000] =	vst v63  }
0xe7: {  	_ =	swait.ge [sflag:s10], $0x4000  }
0xe8: {  	[sflag:s10] =	ssyncset.done $0x0  }
0xe9: {  	s9 =	rddreg [dreg:$0xf];
	[sflag:s10] =	ssyncadd.s32 $0xFFFFC000  }
0xea: {  	[tilespmem:s14], [sflag:$0x1] =	stream.indirect.gather [hbm4b:s4+s13], $0x80, s9, s13, $0xb8;
	[tilespmem:$0x1D000] =	vst v63  }
0xeb: {  	_ =	swait.ge [sflag:s17], $0x4000  }
0xec: {  	[sflag:s17] =	ssyncset.done $0x0  }
0xed: {  	s9 =	rddreg [dreg:$0x10];
	[sflag:s17] =	ssyncadd.s32 $0xFFFFC000  }
0xee: {  	[spmem:s2] =	stream.indirect.scatter.add.f32 [tilespmem:s15], [sflag:$0x3], $0x80, s9, s13, $0xb8;
	[tilespmem:$0x1D000] =	vst v63  }
0xef: {  	_ =	swait.ge [sflag:s10], $0x4000  }
0xf0: {  	[sflag:s10] =	ssyncset.done $0x0  }
0xf1: {  	s9 =	rddreg [dreg:$0x11];
	[sflag:s10] =	ssyncadd.s32 $0xFFFFC000  }
0xf2: {  	[tilespmem:s15], [sflag:$0x2] =	stream.indirect.gather [hbm4b:s4+s13], $0x80, s9, s13, $0xb8;
	[tilespmem:$0x1D000] =	vst v63  }
0xf3: {  	_ =	swait.ge [sflag:s16], $0x4000  }
0xf4: {  	[sflag:s16] =	ssyncset.done $0x0  }
0xf5: {  	s9 =	rddreg [dreg:$0x12];
	[sflag:s16] =	ssyncadd.s32 $0xFFFFC000  }
0xf6: {  	[spmem:s2] =	stream.indirect.scatter.add.f32 [tilespmem:s14], [sflag:$0x3], $0x80, s9, s13, $0xb8;
	[tilespmem:$0x1D000] =	vst v63  }
0xf7: {  	_ =	swait.ge [sflag:s10], $0x4000  }
0xf8: {  	[sflag:s10] =	ssyncset.done $0x0  }
0xf9: {  	s9 =	rddreg [dreg:$0x13];
	[sflag:s10] =	ssyncadd.s32 $0xFFFFC000  }
0xfa: {  	[tilespmem:s14], [sflag:$0x1] =	stream.indirect.gather [hbm4b:s4+s13], $0x80, s9, s13, $0xb8;
	[tilespmem:$0x1D000] =	vst v63  }
0xfb: {  	_ =	swait.ge [sflag:s17], $0x4000  }
0xfc: {  	[sflag:s17] =	ssyncset.done $0x0  }
0xfd: {  	[sflag:s17] =	ssyncadd.s32 $0xFFFFC000  }
0xfe: {  	[spmem:s2] =	stream.indirect.scatter.add.f32 [tilespmem:s15], [sflag:$0x3], $0x80, s18, s13, $0xb8;
	[tilespmem:$0x1D000] =	vst v63  }
0xff: {  	_ =	swait.ge [sflag:s10], $0x4000  }
0x100: {  	[sflag:s10] =	ssyncset.done $0x0  }
0x101: {  	[sflag:s10] =	ssyncadd.s32 $0xFFFFC000  }
0x102: {  	[tilespmem:s15], [sflag:$0x2] =	stream.indirect.gather [hbm4b:s4+s13], $0x80, s19, s13, $0xb8;
	[tilespmem:$0x1D000] =	vst v63  }
0x103: {  	_ =	swait.ge [sflag:s16], $0x4000  }
0x104: {  	[sflag:s16] =	ssyncset.done $0x0  }
0x105: {  	[sflag:s16] =	ssyncadd.s32 $0xFFFFC000  }
0x106: {  	[spmem:s2] =	stream.indirect.scatter.add.f32 [tilespmem:s14], [sflag:$0x3], $0x80, s20, s13, $0xb8;
	[tilespmem:$0x1D000] =	vst v63  }
0x107: {  	_ =	swait.ge [sflag:s10], $0x4000  }
0x108: {  	[sflag:s10] =	ssyncset.done $0x0  }
0x109: {  	[sflag:s10] =	ssyncadd.s32 $0xFFFFC000  }
0x10a: {  	[tilespmem:s14], [sflag:$0x1] =	stream.indirect.gather [hbm4b:s4+s13], $0x80, s21, s13, $0xb8;
	[tilespmem:$0x1D000] =	vst v63  }
0x10b: {  	_ =	swait.ge [sflag:s17], $0x4000  }
0x10c: {  	[sflag:s17] =	ssyncset.done $0x0  }
0x10d: {  	[sflag:s17] =	ssyncadd.s32 $0xFFFFC000  }
0x10e: {  	[spmem:s2] =	stream.indirect.scatter.add.f32 [tilespmem:s15], [sflag:$0x3], $0x80, s22, s13, $0xb8;
	[tilespmem:$0x1D000] =	vst v63  }
0x10f: {  	_ =	swait.ge [sflag:s10], $0x4000  }
0x110: {  	[sflag:s10] =	ssyncset.done $0x0  }
0x111: {  	[sflag:s10] =	ssyncadd.s32 $0xFFFFC000  }
0x112: {  	[tilespmem:s15], [sflag:$0x2] =	stream.indirect.gather [hbm4b:s4+s13], $0x80, s23, s13, $0xb8;
	[tilespmem:$0x1D000] =	vst v63  }
0x113: {  	_ =	swait.ge [sflag:s16], $0x4000  }
0x114: {  	[sflag:s16] =	ssyncset.done $0x0  }
0x115: {  	[sflag:s16] =	ssyncadd.s32 $0xFFFFC000  }
0x116: {  	[spmem:s2] =	stream.indirect.scatter.add.f32 [tilespmem:s14], [sflag:$0x3], $0x80, s24, s13, $0xb8;
	[tilespmem:$0x1D000] =	vst v63  }
0x117: {  	_ =	swait.ge [sflag:s10], $0x4000  }
0x118: {  	[sflag:s10] =	ssyncset.done $0x0  }
0x119: {  	[sflag:s10] =	ssyncadd.s32 $0xFFFFC000  }
0x11a: {  	[tilespmem:s14], [sflag:$0x1] =	stream.indirect.gather [hbm4b:s4+s13], $0x80, s25, s13, $0xb8;
	[tilespmem:$0x1D000] =	vst v63  }
0x11b: {  	_ =	swait.ge [sflag:s17], $0x4000  }
0x11c: {  	[sflag:s17] =	ssyncset.done $0x0  }
0x11d: {  	[sflag:s17] =	ssyncadd.s32 $0xFFFFC000  }
0x11e: {  	[spmem:s2] =	stream.indirect.scatter.add.f32 [tilespmem:s15], [sflag:$0x3], $0x80, s26, s13, $0xb8;
	[tilespmem:$0x1D000] =	vst v63  }
0x11f: {  	_ =	swait.ge [sflag:s10], $0x4000  }
0x120: {  	[sflag:s10] =	ssyncset.done $0x0  }
0x121: {  	[sflag:s10] =	ssyncadd.s32 $0xFFFFC000  }
0x122: {  	[tilespmem:s15], [sflag:$0x2] =	stream.indirect.gather [hbm4b:s4+s13], $0x80, s28, s13, $0xb8;
	[tilespmem:$0x1D000] =	vst v63  }
0x123: {  	_ =	swait.ge [sflag:s16], $0x4000  }
0x124: {  	[sflag:s16] =	ssyncset.done $0x0  }
0x125: {  	[sflag:s16] =	ssyncadd.s32 $0xFFFFC000  }
0x126: {  	[spmem:s2] =	stream.indirect.scatter.add.f32 [tilespmem:s14], [sflag:$0x3], $0x80, s29, s13, $0xb8;
	[tilespmem:$0x1D000] =	vst v63  }
0x127: {  	_ =	swait.ge [sflag:s10], $0x4000  }
0x128: {  	[sflag:s10] =	ssyncset.done $0x0  }
0x129: {  	[sflag:s10] =	ssyncadd.s32 $0xFFFFC000  }
0x12a: {  	[tilespmem:s14], [sflag:$0x1] =	stream.indirect.gather [hbm4b:s4+s13], $0x80, s30, s13, $0xb8;
	[tilespmem:$0x1D000] =	vst v63  }
0x12b: {  	_ =	swait.ge [sflag:s17], $0x4000  }
0x12c: {  	[sflag:s17] =	ssyncset.done $0x0  }
0x12d: {  	[sflag:s17] =	ssyncadd.s32 $0xFFFFC000  }
0x12e: {  	[spmem:s2] =	stream.indirect.scatter.add.f32 [tilespmem:s15], [sflag:$0x3], $0x80, s31, s13, $0xb8;
	[tilespmem:$0x1D000] =	vst v63  }
0x12f: {  	_ =	swait.ge [sflag:s10], $0x4000  }
0x130: {  	[sflag:s10] =	ssyncset.done $0x0  }
0x131: {  	[sflag:s10] =	ssyncadd.s32 $0xFFFFC000  }
0x132: {  	[tilespmem:s15], [sflag:$0x2] =	stream.indirect.gather [hbm4b:s4+s13], $0x80, s0, s13, $0xb8;
	[tilespmem:$0x1D000] =	vst v63  }
0x133: {  	_ =	swait.ge [sflag:s16], $0x4000  }
0x134: {  	[sflag:s16] =	ssyncset.done $0x0  }
0x135: {  	[sflag:s16] =	ssyncadd.s32 $0xFFFFC000  }
0x136: {  	[spmem:s2] =	stream.indirect.scatter.add.f32 [tilespmem:s14], [sflag:$0x3], $0x80, s1, s13, $0xb8;
	[tilespmem:$0x1D000] =	vst v63  }
0x137: {  	_ =	swait.ge [sflag:s10], $0x4000  }
0x138: {  	[sflag:s10] =	ssyncset.done $0x0  }
0x139: {  	[sflag:s10] =	ssyncadd.s32 $0xFFFFC000  }
0x13a: {  	[tilespmem:s14], [sflag:$0x1] =	stream.indirect.gather [hbm4b:s4+s13], $0x80, s0, s13, $0xb8;
	[tilespmem:$0x1D000] =	vst v63  }
0x13b: {  	_ =	swait.ge [sflag:s17], $0x4000  }
0x13c: {  	[sflag:s17] =	ssyncset.done $0x0  }
0x13d: {  	p0 =	sne.s32 s6, $0x400;
	[sflag:s17] =	ssyncadd.s32 $0xFFFFC000  }
0x13e: {  	[spmem:s2] =	stream.indirect.scatter.add.f32 [tilespmem:s15], [sflag:$0x3], $0x80, s5, s13, $0xb8;
	[tilespmem:$0x1D000] =	vst v63  }
.Ltmp0:
0x13f: {  	_ =	swait.ge [sflag:s10], $0x4000;
	(pc) =	sbr.rel @p0 .LBB2_2-.Ltmp0, $4  }
0x140: {  	[sflag:s10] =	ssyncset.done $0x0  }
0x141: {  	[sflag:s10] =	ssyncadd.s32 $0xFFFFC000  }
0x142: {  	s7 =	smov.u32 s6;
	s6 =	sadd.s32 $0x100, s6;
	_ =	swait.ge [sflag:s16], $0x4000  }
0x143: {  	s8 =	smov.u32 s7;
	s9 =	rddreg [dreg:$0x5];
	[sflag:s16] =	ssyncset.done $0x0  }
0x144: {  	[sflag:s16] =	ssyncadd.s32 $0xFFFFC000;
	s6 =	sadd.s32 s8, s9  }
0x145: {  	[tilespmem:s11], [sflag:$0x3] =	stream.linear.gather [hbm4b:s6+s3], $0x800, $0x38;
	[tilespmem:$0x1D000] =	vst v63  }
0x146: {  	_ =	swait.ge [sflag:s10], $0x800  }
0x147: {  	s9 =	rddreg [dreg:$0x4];
	[sflag:s10] =	ssyncset.done $0x0  }
0x148: {  	s6 =	sadd.s32 s8, s9;
	[sflag:s10] =	ssyncadd.s32 $0xFFFFF800  }
0x149: {  	[tilespmem:s12], [sflag:$0x3] =	stream.linear.gather [hbm4b:s6+s3], $0x800, $0x38;
	[tilespmem:$0x1D000] =	vst v63  }
0x14a: {  	_ =	swait.ge [sflag:s10], $0x800  }
0x14b: {  	[sflag:s10] =	ssyncset.done $0x0  }
0x14c: {  	[sflag:s10] =	ssyncadd.s32 $0xFFFFF800  }
0x14d: {  	[tilespmem:s14], [sflag:$0x1] =	stream.indirect.gather [hbm4b:s4+s13], $0x80, s11, s13, $0xb8;
	[tilespmem:$0x1D000] =	vst v63  }
0x14e: {  	s7 =	rddreg [dreg:$0x6]  }
0x14f: {  	[tilespmem:s15], [sflag:$0x2] =	stream.indirect.gather [hbm4b:s4+s13], $0x80, s7, s13, $0xb8;
	[tilespmem:$0x1D000] =	vst v63  }
0x150: {  	_ =	swait.ge [sflag:s16], $0x4000  }
0x151: {  	[sflag:s16] =	ssyncset.done $0x0  }
0x152: {  	[sflag:s16] =	ssyncadd.s32 $0xFFFFC000  }
0x153: {  	[spmem:s2] =	stream.indirect.scatter.add.f32 [tilespmem:s14], [sflag:$0x3], $0x80, s12, s13, $0xb8;
	[tilespmem:$0x1D000] =	vst v63  }
0x154: {  	_ =	swait.ge [sflag:s10], $0x4000  }
0x155: {  	[sflag:s10] =	ssyncset.done $0x0  }
0x156: {  	s8 =	rddreg [dreg:$0x7];
	[sflag:s10] =	ssyncadd.s32 $0xFFFFC000  }
0x157: {  	[tilespmem:s14], [sflag:$0x1] =	stream.indirect.gather [hbm4b:s4+s13], $0x80, s8, s13, $0xb8;
	[tilespmem:$0x1D000] =	vst v63  }
0x158: {  	_ =	swait.ge [sflag:s17], $0x4000  }
0x159: {  	[sflag:s17] =	ssyncset.done $0x0  }
0x15a: {  	s9 =	rddreg [dreg:$0x8];
	[sflag:s17] =	ssyncadd.s32 $0xFFFFC000  }
0x15b: {  	[spmem:s2] =	stream.indirect.scatter.add.f32 [tilespmem:s15], [sflag:$0x3], $0x80, s9, s13, $0xb8;
	[tilespmem:$0x1D000] =	vst v63  }
0x15c: {  	_ =	swait.ge [sflag:s10], $0x4000  }
0x15d: {  	[sflag:s10] =	ssyncset.done $0x0  }
0x15e: {  	s7 =	rddreg [dreg:$0x9];
	[sflag:s10] =	ssyncadd.s32 $0xFFFFC000  }
0x15f: {  	[tilespmem:s15], [sflag:$0x2] =	stream.indirect.gather [hbm4b:s4+s13], $0x80, s7, s13, $0xb8;
	[tilespmem:$0x1D000] =	vst v63  }
0x160: {  	_ =	swait.ge [sflag:s16], $0x4000  }
0x161: {  	[sflag:s16] =	ssyncset.done $0x0  }
0x162: {  	s8 =	rddreg [dreg:$0xa];
	[sflag:s16] =	ssyncadd.s32 $0xFFFFC000  }
0x163: {  	[spmem:s2] =	stream.indirect.scatter.add.f32 [tilespmem:s14], [sflag:$0x3], $0x80, s8, s13, $0xb8;
	[tilespmem:$0x1D000] =	vst v63  }
0x164: {  	_ =	swait.ge [sflag:s10], $0x4000  }
0x165: {  	[sflag:s10] =	ssyncset.done $0x0  }
0x166: {  	s9 =	rddreg [dreg:$0xb];
	[sflag:s10] =	ssyncadd.s32 $0xFFFFC000  }
0x167: {  	[tilespmem:s14], [sflag:$0x1] =	stream.indirect.gather [hbm4b:s4+s13], $0x80, s9, s13, $0xb8;
	[tilespmem:$0x1D000] =	vst v63  }
0x168: {  	_ =	swait.ge [sflag:s17], $0x4000  }
0x169: {  	[sflag:s17] =	ssyncset.done $0x0  }
0x16a: {  	s7 =	rddreg [dreg:$0xc];
	[sflag:s17] =	ssyncadd.s32 $0xFFFFC000  }
0x16b: {  	[spmem:s2] =	stream.indirect.scatter.add.f32 [tilespmem:s15], [sflag:$0x3], $0x80, s7, s13, $0xb8;
	[tilespmem:$0x1D000] =	vst v63  }
0x16c: {  	_ =	swait.ge [sflag:s10], $0x4000  }
0x16d: {  	[sflag:s10] =	ssyncset.done $0x0  }
0x16e: {  	s8 =	rddreg [dreg:$0xd];
	[sflag:s10] =	ssyncadd.s32 $0xFFFFC000  }
0x16f: {  	[tilespmem:s15], [sflag:$0x2] =	stream.indirect.gather [hbm4b:s4+s13], $0x80, s8, s13, $0xb8;
	[tilespmem:$0x1D000] =	vst v63  }
0x170: {  	_ =	swait.ge [sflag:s16], $0x4000  }
0x171: {  	[sflag:s16] =	ssyncset.done $0x0  }
0x172: {  	s9 =	rddreg [dreg:$0xe];
	[sflag:s16] =	ssyncadd.s32 $0xFFFFC000  }
0x173: {  	[spmem:s2] =	stream.indirect.scatter.add.f32 [tilespmem:s14], [sflag:$0x3], $0x80, s9, s13, $0xb8;
	[tilespmem:$0x1D000] =	vst v63  }
0x174: {  	_ =	swait.ge [sflag:s10], $0x4000  }
0x175: {  	[sflag:s10] =	ssyncset.done $0x0  }
0x176: {  	s7 =	rddreg [dreg:$0xf];
	[sflag:s10] =	ssyncadd.s32 $0xFFFFC000  }
0x177: {  	[tilespmem:s14], [sflag:$0x1] =	stream.indirect.gather [hbm4b:s4+s13], $0x80, s7, s13, $0xb8;
	[tilespmem:$0x1D000] =	vst v63  }
0x178: {  	_ =	swait.ge [sflag:s17], $0x4000  }
0x179: {  	[sflag:s17] =	ssyncset.done $0x0  }
0x17a: {  	s8 =	rddreg [dreg:$0x10];
	[sflag:s17] =	ssyncadd.s32 $0xFFFFC000  }
0x17b: {  	[spmem:s2] =	stream.indirect.scatter.add.f32 [tilespmem:s15], [sflag:$0x3], $0x80, s8, s13, $0xb8;
	[tilespmem:$0x1D000] =	vst v63  }
0x17c: {  	_ =	swait.ge [sflag:s10], $0x4000  }
0x17d: {  	[sflag:s10] =	ssyncset.done $0x0  }
0x17e: {  	s9 =	rddreg [dreg:$0x11];
	[sflag:s10] =	ssyncadd.s32 $0xFFFFC000  }
0x17f: {  	[tilespmem:s15], [sflag:$0x2] =	stream.indirect.gather [hbm4b:s4+s13], $0x80, s9, s13, $0xb8;
	[tilespmem:$0x1D000] =	vst v63  }
0x180: {  	_ =	swait.ge [sflag:s16], $0x4000  }
0x181: {  	[sflag:s16] =	ssyncset.done $0x0  }
0x182: {  	s7 =	rddreg [dreg:$0x12];
	[sflag:s16] =	ssyncadd.s32 $0xFFFFC000  }
0x183: {  	[spmem:s2] =	stream.indirect.scatter.add.f32 [tilespmem:s14], [sflag:$0x3], $0x80, s7, s13, $0xb8;
	[tilespmem:$0x1D000] =	vst v63  }
0x184: {  	_ =	swait.ge [sflag:s10], $0x4000  }
0x185: {  	[sflag:s10] =	ssyncset.done $0x0  }
0x186: {  	s8 =	rddreg [dreg:$0x13];
	[sflag:s10] =	ssyncadd.s32 $0xFFFFC000  }
0x187: {  	[tilespmem:s14], [sflag:$0x1] =	stream.indirect.gather [hbm4b:s4+s13], $0x80, s8, s13, $0xb8;
	[tilespmem:$0x1D000] =	vst v63  }
0x188: {  	_ =	swait.ge [sflag:s17], $0x4000  }
0x189: {  	[sflag:s17] =	ssyncset.done $0x0  }
0x18a: {  	[sflag:s17] =	ssyncadd.s32 $0xFFFFC000  }
0x18b: {  	[spmem:s2] =	stream.indirect.scatter.add.f32 [tilespmem:s15], [sflag:$0x3], $0x80, s18, s13, $0xb8;
	[tilespmem:$0x1D000] =	vst v63  }
0x18c: {  	_ =	swait.ge [sflag:s10], $0x4000  }
0x18d: {  	[sflag:s10] =	ssyncset.done $0x0  }
0x18e: {  	[sflag:s10] =	ssyncadd.s32 $0xFFFFC000  }
0x18f: {  	[tilespmem:s15], [sflag:$0x2] =	stream.indirect.gather [hbm4b:s4+s13], $0x80, s19, s13, $0xb8;
	[tilespmem:$0x1D000] =	vst v63  }
0x190: {  	_ =	swait.ge [sflag:s16], $0x4000  }
0x191: {  	[sflag:s16] =	ssyncset.done $0x0  }
0x192: {  	[sflag:s16] =	ssyncadd.s32 $0xFFFFC000  }
0x193: {  	[spmem:s2] =	stream.indirect.scatter.add.f32 [tilespmem:s14], [sflag:$0x3], $0x80, s20, s13, $0xb8;
	[tilespmem:$0x1D000] =	vst v63  }
0x194: {  	_ =	swait.ge [sflag:s10], $0x4000  }
0x195: {  	[sflag:s10] =	ssyncset.done $0x0  }
0x196: {  	[sflag:s10] =	ssyncadd.s32 $0xFFFFC000  }
0x197: {  	[tilespmem:s14], [sflag:$0x1] =	stream.indirect.gather [hbm4b:s4+s13], $0x80, s21, s13, $0xb8;
	[tilespmem:$0x1D000] =	vst v63  }
0x198: {  	_ =	swait.ge [sflag:s17], $0x4000  }
0x199: {  	[sflag:s17] =	ssyncset.done $0x0  }
0x19a: {  	[sflag:s17] =	ssyncadd.s32 $0xFFFFC000  }
0x19b: {  	[spmem:s2] =	stream.indirect.scatter.add.f32 [tilespmem:s15], [sflag:$0x3], $0x80, s22, s13, $0xb8;
	[tilespmem:$0x1D000] =	vst v63  }
0x19c: {  	_ =	swait.ge [sflag:s10], $0x4000  }
0x19d: {  	[sflag:s10] =	ssyncset.done $0x0  }
0x19e: {  	[sflag:s10] =	ssyncadd.s32 $0xFFFFC000  }
0x19f: {  	[tilespmem:s15], [sflag:$0x2] =	stream.indirect.gather [hbm4b:s4+s13], $0x80, s23, s13, $0xb8;
	[tilespmem:$0x1D000] =	vst v63  }
0x1a0: {  	_ =	swait.ge [sflag:s16], $0x4000  }
0x1a1: {  	[sflag:s16] =	ssyncset.done $0x0  }
0x1a2: {  	[sflag:s16] =	ssyncadd.s32 $0xFFFFC000  }
0x1a3: {  	[spmem:s2] =	stream.indirect.scatter.add.f32 [tilespmem:s14], [sflag:$0x3], $0x80, s24, s13, $0xb8;
	[tilespmem:$0x1D000] =	vst v63  }
0x1a4: {  	_ =	swait.ge [sflag:s10], $0x4000  }
0x1a5: {  	[sflag:s10] =	ssyncset.done $0x0  }
0x1a6: {  	[sflag:s10] =	ssyncadd.s32 $0xFFFFC000  }
0x1a7: {  	[tilespmem:s14], [sflag:$0x1] =	stream.indirect.gather [hbm4b:s4+s13], $0x80, s25, s13, $0xb8;
	[tilespmem:$0x1D000] =	vst v63  }
0x1a8: {  	_ =	swait.ge [sflag:s17], $0x4000  }
0x1a9: {  	[sflag:s17] =	ssyncset.done $0x0  }
0x1aa: {  	[sflag:s17] =	ssyncadd.s32 $0xFFFFC000  }
0x1ab: {  	[spmem:s2] =	stream.indirect.scatter.add.f32 [tilespmem:s15], [sflag:$0x3], $0x80, s26, s13, $0xb8;
	[tilespmem:$0x1D000] =	vst v63  }
0x1ac: {  	_ =	swait.ge [sflag:s10], $0x4000  }
0x1ad: {  	[sflag:s10] =	ssyncset.done $0x0  }
0x1ae: {  	[sflag:s10] =	ssyncadd.s32 $0xFFFFC000  }
0x1af: {  	[tilespmem:s15], [sflag:$0x2] =	stream.indirect.gather [hbm4b:s4+s13], $0x80, s28, s13, $0xb8;
	[tilespmem:$0x1D000] =	vst v63  }
0x1b0: {  	_ =	swait.ge [sflag:s16], $0x4000  }
0x1b1: {  	[sflag:s16] =	ssyncset.done $0x0  }
0x1b2: {  	[sflag:s16] =	ssyncadd.s32 $0xFFFFC000  }
0x1b3: {  	[spmem:s2] =	stream.indirect.scatter.add.f32 [tilespmem:s14], [sflag:$0x3], $0x80, s29, s13, $0xb8;
	[tilespmem:$0x1D000] =	vst v63  }
0x1b4: {  	_ =	swait.ge [sflag:s10], $0x4000  }
0x1b5: {  	[sflag:s10] =	ssyncset.done $0x0  }
0x1b6: {  	[sflag:s10] =	ssyncadd.s32 $0xFFFFC000  }
0x1b7: {  	[tilespmem:s14], [sflag:$0x1] =	stream.indirect.gather [hbm4b:s4+s13], $0x80, s30, s13, $0xb8;
	[tilespmem:$0x1D000] =	vst v63  }
0x1b8: {  	_ =	swait.ge [sflag:s17], $0x4000  }
0x1b9: {  	[sflag:s17] =	ssyncset.done $0x0  }
0x1ba: {  	[sflag:s17] =	ssyncadd.s32 $0xFFFFC000  }
0x1bb: {  	[spmem:s2] =	stream.indirect.scatter.add.f32 [tilespmem:s15], [sflag:$0x3], $0x80, s31, s13, $0xb8;
	[tilespmem:$0x1D000] =	vst v63  }
0x1bc: {  	_ =	swait.ge [sflag:s10], $0x4000  }
0x1bd: {  	[sflag:s10] =	ssyncset.done $0x0  }
0x1be: {  	[sflag:s10] =	ssyncadd.s32 $0xFFFFC000  }
0x1bf: {  	[tilespmem:s15], [sflag:$0x2] =	stream.indirect.gather [hbm4b:s4+s13], $0x80, s0, s13, $0xb8;
	[tilespmem:$0x1D000] =	vst v63  }
0x1c0: {  	_ =	swait.ge [sflag:s16], $0x4000  }
0x1c1: {  	[sflag:s16] =	ssyncset.done $0x0  }
0x1c2: {  	[sflag:s16] =	ssyncadd.s32 $0xFFFFC000  }
0x1c3: {  	[spmem:s2] =	stream.indirect.scatter.add.f32 [tilespmem:s14], [sflag:$0x3], $0x80, s1, s13, $0xb8;
	[tilespmem:$0x1D000] =	vst v63  }
0x1c4: {  	_ =	swait.ge [sflag:s10], $0x4000  }
0x1c5: {  	[sflag:s10] =	ssyncset.done $0x0  }
0x1c6: {  	[sflag:s10] =	ssyncadd.s32 $0xFFFFC000  }
0x1c7: {  	[tilespmem:s14], [sflag:$0x1] =	stream.indirect.gather [hbm4b:s4+s13], $0x80, s0, s13, $0xb8;
	[tilespmem:$0x1D000] =	vst v63  }
0x1c8: {  	_ =	swait.ge [sflag:s17], $0x4000  }
0x1c9: {  	[sflag:s17] =	ssyncset.done $0x0  }
0x1ca: {  	[sflag:s17] =	ssyncadd.s32 $0xFFFFC000  }
0x1cb: {  	[spmem:s2] =	stream.indirect.scatter.add.f32 [tilespmem:s15], [sflag:$0x3], $0x80, s5, s13, $0xb8;
	[tilespmem:$0x1D000] =	vst v63  }
0x1cc: {  	_ =	swait.ge [sflag:s10], $0x4000  }
0x1cd: {  	[sflag:s10] =	ssyncset.done $0x0  }
0x1ce: {  	[sflag:s10] =	ssyncadd.s32 $0xFFFFC000  }
0x1cf: {  	_ =	swait.ge [sflag:s16], $0x4000  }
0x1d0: {  	[sflag:s16] =	ssyncset.done $0x0  }
0x1d1: {  	[sflag:s16] =	ssyncadd.s32 $0xFFFFC000  }
0x1d2: {  	[bflag:$0x0] =	sbarrier.arrive $0xFFFF  }
0x1d3: {  	s7 =	rddreg [dreg:$0x15]  }
0x1d4: {  	s9 =	rddreg [dreg:$0x16]  }
0x1d5: {  	s8 =	rddreg [dreg:$0x18]  }
0x1d6: {  	[hbm:s9], [sflag:s7] =	dma.local [spmem:s8], $0x2800  }
0x1d7: {  	_ =	swait.ge [sflag:s10], $0x2800  }
0x1d8: {  	s6 =	rddreg [dreg:$0x19]  }
0x1d9: {  	s9 =	sadd.s32 $0x1, s6;
	s6 =	rddreg [dreg:$0x17]  }
0x1da: {  	p0 =	sne.s32 s9, s6  }
.Ltmp1:
0x1db: {  	_ = 	snop;
	(pc) =	sbr.rel @p0 .LBB2_1-.Ltmp1, $3  }
0x1dc: {  	_ =	sdelay $0x1  }
0x1dd: {  	[sflag:s10] =	ssyncset.done $0x0  }
0x1de: {  	[sflag:s10] =	ssyncadd.s32 $0xFFFFD800  }
0x1df: {  	_ =	sfence.sel $0x180000  }
0x1e0: {  	[bflag:$0x0] =	sbarrier.arrive $0xFFFF  }
0x1e1: {  	_ =	strace $0x90000050  }
0x1e2: {  	s0 =	stileid.u32;
	[bflag:$0x2] =	sbarrier.arrive $0xFFFF  }
0x1e3: {  	p0 =	sne.s32 s0, $0x0;
	s0 =	rddreg [dreg:$0x3]  }
0x1e4: {  	s0 =	sadd.s32 @!p0 $0x100000, s0  }
0x1e5: {  	[sflag:s0] =	ssyncadd.tile.s32 @!p0 $0x1;
	_ =	shalt  }
.Lfunc_end2:
_tile_overlayer_lowered:
.L_overlay_start_2:
0x1e6: {  	(tag) =	ssettag $0x2  }
0x1e7: {  	s0 =	rddreg [dreg:$0x0];
	s2 =	stileid.u32  }
0x1e8: {  	s1 =	rddreg [dreg:$0x1];
	p0 =	sne.s32 s2, $0x0  }
0x1e9: {  	s3 =	rddreg [dreg:$0x2];
	[bflag:$0x3] =	sbarrier.arrive $0xFFFF;
	s2 =	simm.s32 @!p0 $0x1C03  }
0x1ea: {  	[timem:s3], [sflag:s2] =	dma.local @!p0 [hbm:s0], s1  }
0x1eb: {  	s0 =	simm.s32 @!p0 $0x3  }
0x1ec: {  	_ =	swait.ge @!p0 [sflag:s0], s1  }
0x1ed: {  	s1 =	ssub.s32 @!p0 $0x0, s1;
	[sflag:s0] =	ssyncset.done @!p0 $0x0  }
0x1ee: {  	[sflag:s0] =	ssyncadd.s32 @!p0 s1  }
0x1ef: {  	[bflag:$0x3] =	sbarrier.arrive $0xFFFF  }
0x1f0: {  	_ =	shalt  }

</sc_bundles>
